<compile_context>
chip_gen: v7x
topology: tpu7x:2x2x1
jax: 0.10.2.dev20260603
libtpu: 0.0.44.dev20260713+nightly
codegen_flags: <defaults>
</compile_context>

<pallas_src>
import functools
import math

import jax
import jax.numpy as jnp
from jax import lax
from jax.experimental import pallas as pl
from jax.experimental.pallas import tpu as pltpu
from jax.experimental.pallas import tpu_sc as plsc

H = 8
HH = 4
DK = 16
MSGW = HH * DK
ACCW = MSGW + 16

NC = 2
NS = 16
LANES = 16
NB = 2
NPASS = 2


def _proj_body(x_ref, w_ref, b_ref, kv0_ref, kv1_ref, q0_ref, q1_ref):
    xb = x_ref[...]
    y = jnp.dot(xb, w_ref[...], preferred_element_type=jnp.float32) + b_ref[...]
    yb = y.astype(jnp.bfloat16)
    kv0_ref[...] = yb[:, : 2 * MSGW]
    kv1_ref[...] = yb[:, 2 * MSGW : 4 * MSGW]
    q0_ref[...] = yb[:, 4 * MSGW : 5 * MSGW]
    q1_ref[...] = yb[:, 5 * MSGW : 6 * MSGW]


def _run_proj(x, w_all, b_all, bn):
    n, in_dim = x.shape
    grid = n // bn
    wcols = w_all.shape[1]
    return pl.pallas_call(
        _proj_body,
        grid=(grid,),
        in_specs=[
            pl.BlockSpec((bn, in_dim), lambda i: (i, 0)),
            pl.BlockSpec((in_dim, wcols), lambda i: (0, 0)),
            pl.BlockSpec((1, wcols), lambda i: (0, 0)),
        ],
        out_specs=[
            pl.BlockSpec((bn, 2 * MSGW), lambda i: (i, 0)),
            pl.BlockSpec((bn, 2 * MSGW), lambda i: (i, 0)),
            pl.BlockSpec((bn, MSGW), lambda i: (i, 0)),
            pl.BlockSpec((bn, MSGW), lambda i: (i, 0)),
        ],
        out_shape=[
            jax.ShapeDtypeStruct((n, 2 * MSGW), jnp.bfloat16),
            jax.ShapeDtypeStruct((n, 2 * MSGW), jnp.bfloat16),
            jax.ShapeDtypeStruct((n, MSGW), jnp.bfloat16),
            jax.ShapeDtypeStruct((n, MSGW), jnp.bfloat16),
        ],
    )(x, w_all, b_all.reshape(1, -1))


def _sc_edge_kernel(npad, e, ch):
    eps = e // NS
    nchunk = eps // ch
    npc = nchunk // NPASS
    rows_per_sub = npad // NS
    assert eps % ch == 0 and nchunk % NPASS == 0 and npc % NB == 0

    mesh = plsc.VectorSubcoreMesh(core_axis_name="c", subcore_axis_name="s")

    @functools.partial(
        pl.kernel,
        out_type=jax.ShapeDtypeStruct((NC, npad, ACCW), jnp.float32),
        mesh=mesh,
        compiler_params=pltpu.CompilerParams(needs_layout_passes=False,
                                             use_tc_tiling_on_sc=False),
        scratch_types=[
            pltpu.VMEM((nchunk // NPASS, ch), jnp.int32),
            pltpu.VMEM((nchunk // NPASS, ch), jnp.int32),
            pltpu.VMEM((NB, ch, 2 * MSGW), jnp.bfloat16),
            pltpu.VMEM((NB, ch, MSGW), jnp.bfloat16),
            pltpu.VMEM((NB, ch, ACCW), jnp.float32),
            pltpu.VMEM_SHARED((npad, ACCW), jnp.float32),
            pltpu.SemaphoreType.DMA,
            pltpu.SemaphoreType.DMA,
            pltpu.SemaphoreType.DMA,
            pltpu.SemaphoreType.DMA,
        ],
    )
    def edge_kernel(kv0_hbm, kv1_hbm, q0_hbm, q1_hbm, src_hbm, dst_hbm,
                    zero_hbm, out_hbm, sidx, didx, kvb, qb, ob, acc,
                    gsem0, gsem1, ssem0, ssem1):
        c = lax.axis_index("c")
        s = lax.axis_index("s")
        gsem = (gsem0, gsem1)
        ssem = (ssem0, ssem1)

        r0 = s * rows_per_sub
        pltpu.sync_copy(zero_hbm.at[pl.ds(0, rows_per_sub)],
                        acc.at[pl.ds(r0, rows_per_sub)])
        plsc.subcore_barrier()

        lane = lax.broadcasted_iota(jnp.int32, (LANES,), 0)
        x4 = lane ^ 4
        x2 = lane ^ 2
        x1 = lane ^ 1
        pidx = (lane & 1) * 8

        def _g(v, ix):
            return jnp.take_along_axis(v, ix, axis=0)

        def fire(b, j):
            @pl.when(c == 0)
            def _():
                pltpu.async_copy(kv0_hbm.at[sidx.at[j]], kvb.at[b], gsem[b])
                pltpu.async_copy(q0_hbm.at[didx.at[j]], qb.at[b], gsem[b])

            @pl.when(c == 1)
            def _():
                pltpu.async_copy(kv1_hbm.at[sidx.at[j]], kvb.at[b], gsem[b])
                pltpu.async_copy(q1_hbm.at[didx.at[j]], qb.at[b], gsem[b])

        def wait_gather(b, j):
            pltpu.make_async_copy(kv0_hbm.at[sidx.at[j]], kvb.at[b],
                                  gsem[b]).wait()
            pltpu.make_async_copy(q0_hbm.at[didx.at[j]], qb.at[b],
                                  gsem[b]).wait()

        def wait_scatter(b, j):
            pltpu.make_async_copy(ob.at[b], acc.at[didx.at[j]],
                                  ssem[b]).wait()

        def compute(b):
            kvb_b = kvb.at[b]
            qb_b = qb.at[b]
            ob_b = ob.at[b]

            unp = functools.partial(plsc.unpack,
                                    format=plsc.PackFormat.INTERLEAVED)

            @plsc.parallel_loop(0, ch, step=1, unroll=4)
            def _(i):
                ps = []
                for pr in range(HH // 2):
                    mq = (qb_b[i, pl.ds(pr * 32, 32)]
                          * kvb_b[i, pl.ds(pr * 32, 32)])
                    me, mo = unp(mq)
                    m = me + mo
                    r = m + _g(m, x4)
                    r = r + _g(r, x2)
                    r = r + _g(r, x1)
                    ps.append(jnp.exp(r))
                p01, p23 = ps
                pden = jnp.where((lane & 2) == 0, _g(p01, pidx),
                                 _g(p23, pidx))
                ob_b[i, pl.ds(MSGW, LANES)] = jnp.where(lane < HH, pden, 0.0)
                for pr in range(HH // 2):
                    ve, vo = unp(kvb_b[i, pl.ds(MSGW + pr * 32, 32)])
                    ob_b[i, pl.ds(pr * 32, DK)] = ps[pr] * ve
                    ob_b[i, pl.ds(pr * 32 + DK, DK)] = ps[pr] * vo

        def run_pass(pa, carry0):
            pltpu.sync_copy(src_hbm.at[pa, s], sidx)
            pltpu.sync_copy(dst_hbm.at[pa, s], didx)

            for b in range(min(NB, npc)):
                fire(b, b)

            def outer(i, carry):
                j0 = i * NB
                for b in range(NB):
                    j = j0 + b
                    wait_gather(b, j)

                    @pl.when(j >= NB)
                    def _():
                        wait_scatter(b, j - NB)

                    compute(b)
                    pltpu.async_copy(ob.at[b], acc.at[didx.at[j]], ssem[b],
                                     add=True)

                    @pl.when(j + NB < npc)
                    def _():
                        fire(b, j + NB)
                return carry

            lax.fori_loop(0, npc // NB, outer, 0, unroll=False)

            for b in range(NB):
                wait_scatter(b, npc - NB + b)
            return carry0

        lax.fori_loop(0, NPASS, run_pass, 0, unroll=False)

        plsc.subcore_barrier()
        pltpu.sync_copy(acc.at[pl.ds(r0, rows_per_sub)],
                        out_hbm.at[c, pl.ds(r0, rows_per_sub)])

    return edge_kernel


def _final_body(acc_ref, x_ref, wa_ref, ba_ref, beta_ref, out_ref):
    a0 = acc_ref[0]
    a1 = acc_ref[1]
    num = jnp.concatenate([a0[:, :MSGW], a1[:, :MSGW]], axis=1)
    den = jnp.concatenate([a0[:, MSGW : MSGW + HH],
                           a1[:, MSGW : MSGW + HH]], axis=1)
    rows = lax.broadcasted_iota(jnp.int32, (H, H * DK), 0)
    colv = lax.broadcasted_iota(jnp.int32, (H, H * DK), 1)
    head_col = (4 * (colv // 64) + 2 * ((colv % 64) // 32)
                + ((colv // 8) & 1))
    emat = (rows == head_col).astype(jnp.float32)
    den_full = jnp.dot(den, emat, preferred_element_type=jnp.float32)
    agg = num / (den_full + 1e-9)
    out = jnp.dot(agg, wa_ref[...], preferred_element_type=jnp.float32)
    out_ref[...] = out + ba_ref[...] + beta_ref[0, 0] * x_ref[...]


def _run_final(accs, x, wa_s, ba_s, beta, bn):
    n, in_dim = x.shape
    grid = n // bn
    return pl.pallas_call(
        _final_body,
        grid=(grid,),
        in_specs=[
            pl.BlockSpec((NC, bn, ACCW), lambda i: (0, i, 0)),
            pl.BlockSpec((bn, in_dim), lambda i: (i, 0)),
            pl.BlockSpec((H * DK, in_dim), lambda i: (0, 0)),
            pl.BlockSpec((1, in_dim), lambda i: (0, 0)),
            pl.BlockSpec(memory_space=pltpu.SMEM),
        ],
        out_specs=pl.BlockSpec((bn, in_dim), lambda i: (i, 0)),
        out_shape=jax.ShapeDtypeStruct((n, in_dim), jnp.float32),
    )(accs, x, wa_s, ba_s.reshape(1, -1), beta)


def kernel(x, edge_index, Wk, bk, Wv, bv, Wq, bq, Wa, ba, rel_att, rel_msg,
           rel_pri, skip):
    n, in_dim = x.shape
    e = edge_index.shape[1]

    wk_eff = jnp.einsum("ihd,hdk->ihk", Wk.reshape(in_dim, H, DK),
                        rel_att).reshape(in_dim, H * DK)
    bk_eff = jnp.einsum("hd,hdk->hk", bk.reshape(H, DK),
                        rel_att).reshape(H * DK)
    wv_eff = jnp.einsum("ihd,hdk->ihk", Wv.reshape(in_dim, H, DK),
                        rel_msg).reshape(in_dim, H * DK)
    bv_eff = jnp.einsum("hd,hdk->hk", bv.reshape(H, DK),
                        rel_msg).reshape(H * DK)
    scale = jnp.repeat(rel_pri, DK) / math.sqrt(DK)
    wq_eff = Wq * scale[None, :]
    bq_eff = bq * scale

    w_all = jnp.concatenate(
        [wk_eff[:, :MSGW], wv_eff[:, :MSGW],
         wk_eff[:, MSGW:], wv_eff[:, MSGW:],
         wq_eff[:, :MSGW], wq_eff[:, MSGW:]], axis=1)
    b_all = jnp.concatenate(
        [bk_eff[:MSGW], bv_eff[:MSGW],
         bk_eff[MSGW:], bv_eff[MSGW:],
         bq_eff[:MSGW], bq_eff[MSGW:]], axis=0)

    alpha = jax.nn.sigmoid(skip)
    col = jnp.arange(H * DK)
    head = 4 * (col // 64) + 2 * ((col % 64) // 32) + ((col // 8) & 1)
    dd = 2 * (col % 8) + ((col // 16) & 1)
    wa_s = (Wa * alpha)[head * DK + dd, :]
    ba_s = ba * alpha
    beta = (1.0 - alpha).astype(jnp.float32).reshape(1, 1)

    kv0, kv1, q0, q1 = _run_proj(x, w_all, b_all, bn=1000)

    ch = 125
    eps = e // NS
    npc = eps // ch // NPASS
    src3 = edge_index[0].reshape(NPASS, NS, npc, ch)
    dst3 = edge_index[1].reshape(NPASS, NS, npc, ch)
    npad = ((n + NS * 8 - 1) // (NS * 8)) * NS * 8
    zero_rows = jnp.zeros((npad // NS, ACCW), jnp.float32)
    accs = _sc_edge_kernel(npad, e, ch=ch)(kv0, kv1, q0, q1, src3, dst3,
                                           zero_rows)

    return _run_final(accs, x, wa_s, ba_s, beta, bn=1000)

# --- scband reference (transcript-rebuilt; emitter-appended) ---
"""Pipeline reference for scband-hanlayer-17592186044981 (READ-ONLY COPY).

The authoritative reference and input builder live on the scoring server;
editing this copy changes nothing except your own understanding.
"""

import jax, jax.numpy as jnp
import numpy as np
import math

N = 10000
E = 320000
IN_DIM = 128
OUT_DIM = 128
H = 8
DK = OUT_DIM // H


def setup_inputs(seed: int = 0) -> dict:
    key = jax.random.key(seed)
    ks = jax.random.split(key, 16)
    x = jax.random.normal(ks[0], (N, IN_DIM), dtype=jnp.float32)
    edge_index = jax.random.randint(ks[1], (2, E), 0, N, dtype=jnp.int32)
    s_in = 1.0 / math.sqrt(IN_DIM)
    s_out = 1.0 / math.sqrt(OUT_DIM)
    Wk = jax.random.uniform(ks[2], (IN_DIM, OUT_DIM), jnp.float32, -s_in, s_in)
    bk = jax.random.uniform(ks[3], (OUT_DIM,), jnp.float32, -s_in, s_in)
    Wv = jax.random.uniform(ks[4], (IN_DIM, OUT_DIM), jnp.float32, -s_in, s_in)
    bv = jax.random.uniform(ks[5], (OUT_DIM,), jnp.float32, -s_in, s_in)
    Wq = jax.random.uniform(ks[6], (IN_DIM, OUT_DIM), jnp.float32, -s_in, s_in)
    bq = jax.random.uniform(ks[7], (OUT_DIM,), jnp.float32, -s_in, s_in)
    Wa = jax.random.uniform(ks[8], (OUT_DIM, OUT_DIM), jnp.float32, -s_out, s_out)
    ba = jax.random.uniform(ks[9], (OUT_DIM,), jnp.float32, -s_out, s_out)
    xav = math.sqrt(6.0 / (DK + DK))
    rel_att = jax.random.uniform(ks[10], (H, DK, DK), jnp.float32, -xav, xav)
    rel_msg = jax.random.uniform(ks[11], (H, DK, DK), jnp.float32, -xav, xav)
    rel_pri = 1.0 + 0.1 * jax.random.normal(ks[12], (H,), dtype=jnp.float32)
    skip = jnp.zeros((), dtype=jnp.float32)
    return {"x": x, "edge_index": edge_index, "Wk": Wk, "bk": bk, "Wv": Wv, "bv": bv,
            "Wq": Wq, "bq": bq, "Wa": Wa, "ba": ba, "rel_att": rel_att,
            "rel_msg": rel_msg, "rel_pri": rel_pri, "skip": skip}


def reference(x, edge_index, Wk, bk, Wv, bv, Wq, bq, Wa, ba, rel_att, rel_msg, rel_pri, skip):
    n = x.shape[0]
    k = (x @ Wk + bk).reshape(n, H, DK)
    v = (x @ Wv + bv).reshape(n, H, DK)
    q = (x @ Wq + bq).reshape(n, H, DK)
    # per-relation transforms (single relation here)
    k = jnp.einsum('bij,ijk->bik', k, rel_att)
    v = jnp.einsum('bij,ijk->bik', v, rel_msg)
    src = edge_index[0]
    dst = edge_index[1]
    # v_dot_u: dot(q_dst, k_src) per head
    t = jnp.einsum('ehd,ehd->eh', q[dst], k[src])
    attn = t * rel_pri[None, :] / math.sqrt(DK)
    # edge softmax normalized by dst
    m = jax.ops.segment_max(attn, dst, num_segments=n)
    m = jnp.where(jnp.isfinite(m), m, 0.0)
    ex = jnp.exp(attn - m[dst])
    denom = jax.ops.segment_sum(ex, dst, num_segments=n)
    a = ex / (denom[dst] + 1e-9)
    # u_mul_e + sum reduce
    msg = v[src] * a[:, :, None]
    agg = jax.ops.segment_sum(msg, dst, num_segments=n).reshape(n, OUT_DIM)
    out = agg @ Wa + ba
    alpha = jax.nn.sigmoid(skip)
    new_h = out * alpha + x * (1.0 - alpha)
    return new_h

if __name__ == "__main__":
    import jax
    _d = setup_inputs()
    print(jax.jit(kernel)(*tuple(_d.values())))

</pallas_src>

<mosaic_0001>
#map = affine_map<(d0, d1) -> (0, 0)>
#map1 = affine_map<(d0, d1) -> (0, 0, 0, 0)>
#map2 = affine_map<(d0, d1) -> (0, 0, 0)>
module attributes {stable_mosaic.version = 14 : i64} {
  func.func @edge_kernel(%arg0: i32, %arg1: i32, %arg2: memref<10000x128xbf16, #tpu.memory_space<hbm>>, %arg3: memref<10000x128xbf16, #tpu.memory_space<hbm>>, %arg4: memref<10000x64xbf16, #tpu.memory_space<hbm>>, %arg5: memref<10000x64xbf16, #tpu.memory_space<hbm>>, %arg6: memref<2x16x80x125xi32, #tpu.memory_space<hbm>>, %arg7: memref<2x16x80x125xi32, #tpu.memory_space<hbm>>, %arg8: memref<632x80xf32, #tpu.memory_space<hbm>>, %arg9: memref<2x10112x80xf32, #tpu.memory_space<hbm>>, %arg10: memref<80x125xi32, #tpu.memory_space<vmem>>, %arg11: memref<80x125xi32, #tpu.memory_space<vmem>>, %arg12: memref<2x125x128xbf16, #tpu.memory_space<vmem>>, %arg13: memref<2x125x64xbf16, #tpu.memory_space<vmem>>, %arg14: memref<2x125x80xf32, #tpu.memory_space<vmem>>, %arg15: memref<10112x80xf32, #tpu.memory_space<vmem_shared>>, %arg16: memref<!tpu.dma_semaphore, #tpu.memory_space<semaphore_mem>>, %arg17: memref<!tpu.dma_semaphore, #tpu.memory_space<semaphore_mem>>, %arg18: memref<!tpu.dma_semaphore, #tpu.memory_space<semaphore_mem>>, %arg19: memref<!tpu.dma_semaphore, #tpu.memory_space<semaphore_mem>>) attributes {dimension_semantics = [#tpu.dimension_semantics<core_parallel>, #tpu.dimension_semantics<subcore_parallel>], iteration_bounds = array<i64: 2, 16>, scalar_prefetch = 0 : i64, scratch_operands = 10 : i64, tpu.core_type = #tpu.core_type<sc_vector_subcore>, window_params = [{transform_indices = #map}, {transform_indices = #map}, {transform_indices = #map}, {transform_indices = #map}, {transform_indices = #map1}, {transform_indices = #map1}, {transform_indices = #map}, {transform_indices = #map2}]} {
    %mul3A = arith.constant 632 : i32
    %mul3A_0 = arith.muli %arg1, %mul3A : i32
    "tpu.region"() ({
      %run_scoped3A = tpu.sem_alloc : memref<!tpu.dma_semaphore, #tpu.memory_space<semaphore_mem>>
      %dma_start3A = arith.constant 0 : i32
      %dma_start3A_20 = tpu.memref_slice %arg15[%mul3A_0, %dma_start3A] : memref<10112x80xf32, #tpu.memory_space<vmem_shared>> -> memref<632x80xf32, #tpu.memory_space<vmem_shared>>
      %dma_start3A_21 = arith.constant 0 : i32
      %dma_start3A_22 = arith.constant 0 : i32
      %dma_start3A_23 = tpu.memref_slice %arg8[%dma_start3A_21, %dma_start3A_22] : memref<632x80xf32, #tpu.memory_space<hbm>> -> memref<632x80xf32, #tpu.memory_space<hbm>>
      tpu.enqueue_dma source(%dma_start3A_23 : memref<632x80xf32, #tpu.memory_space<hbm>>) target(%dma_start3A_20 : memref<632x80xf32, #tpu.memory_space<vmem_shared>>) target_semaphore(%run_scoped3A : memref<!tpu.dma_semaphore, #tpu.memory_space<semaphore_mem>>)
      %dma_wait3A = arith.constant 0 : i32
      %dma_wait3A_24 = tpu.memref_slice %arg15[%mul3A_0, %dma_wait3A] : memref<10112x80xf32, #tpu.memory_space<vmem_shared>> -> memref<632x80xf32, #tpu.memory_space<vmem_shared>>
      %dma_wait3A_25 = arith.constant 0 : i32
      %dma_wait3A_26 = arith.constant 0 : i32
      %dma_wait3A_27 = tpu.memref_slice %arg8[%dma_wait3A_25, %dma_wait3A_26] : memref<632x80xf32, #tpu.memory_space<hbm>> -> memref<632x80xf32, #tpu.memory_space<hbm>>
      tpu.wait_dma2 semaphore(%run_scoped3A : memref<!tpu.dma_semaphore, #tpu.memory_space<semaphore_mem>>) src(%dma_wait3A_27 : memref<632x80xf32, #tpu.memory_space<hbm>>) dst(%dma_wait3A_24 : memref<632x80xf32, #tpu.memory_space<vmem_shared>>)
      tpu.yield
    }) : () -> ()
    %barrier3A = arith.constant 0 : index
    tpu.barrier barrier_id(%barrier3A)
    %iota3A = tpu.iota {dimensions = array<i32: 0>} : vector<16xi32>
    %xor3A = arith.constant 4 : i32
    %xor3A_1 = vector.broadcast %xor3A : i32 to vector<16xi32>
    %xor3A_2 = arith.xori %iota3A, %xor3A_1 : vector<16xi32>
    %xor3A_3 = arith.constant 2 : i32
    %xor3A_4 = vector.broadcast %xor3A_3 : i32 to vector<16xi32>
    %xor3A_5 = arith.xori %iota3A, %xor3A_4 : vector<16xi32>
    %xor3A_6 = arith.constant 1 : i32
    %xor3A_7 = vector.broadcast %xor3A_6 : i32 to vector<16xi32>
    %xor3A_8 = arith.xori %iota3A, %xor3A_7 : vector<16xi32>
    %and3A = arith.constant 1 : i32
    %and3A_9 = vector.broadcast %and3A : i32 to vector<16xi32>
    %and3A_10 = arith.andi %iota3A, %and3A_9 : vector<16xi32>
    %mul3A_11 = arith.constant 8 : i32
    %mul3A_12 = vector.broadcast %mul3A_11 : i32 to vector<16xi32>
    %mul3A_13 = arith.muli %and3A_10, %mul3A_12 : vector<16xi32>
    %scan3A = arith.constant 0 : i32
    %scan3A_14 = arith.constant 0 : i32
    %scan3A_15 = arith.constant 2 : i32
    %scan3A_16 = arith.addi %scan3A_14, %scan3A_15 : i32
    %scan3A_17 = arith.constant 1 : i32
    scf.for %scan3A_20 = %scan3A_14 to %scan3A_16 step %scan3A_17  : i32 {
      "tpu.region"() ({
        %run_scoped3A = tpu.sem_alloc : memref<!tpu.dma_semaphore, #tpu.memory_space<semaphore_mem>>
        %dma_start3A = arith.constant 0 : i32
        %dma_start3A_67 = arith.constant 0 : i32
        %dma_start3A_68 = tpu.memref_slice %arg6[%scan3A_20, %arg1, %dma_start3A, %dma_start3A_67] : memref<2x16x80x125xi32, #tpu.memory_space<hbm>> -> memref<1x1x80x125xi32, #tpu.memory_space<hbm>>
        %dma_start3A_69 = tpu.memref_squeeze %dma_start3A_68 : memref<1x1x80x125xi32, #tpu.memory_space<hbm>> -> memref<80x125xi32, #tpu.memory_space<hbm>>
        %dma_start3A_70 = arith.constant 0 : i32
        %dma_start3A_71 = arith.constant 0 : i32
        %dma_start3A_72 = tpu.memref_slice %arg6[%scan3A_20, %arg1, %dma_start3A_70, %dma_start3A_71] : memref<2x16x80x125xi32, #tpu.memory_space<hbm>> -> memref<1x1x80x125xi32, #tpu.memory_space<hbm>>
        %dma_start3A_73 = tpu.memref_squeeze %dma_start3A_72 : memref<1x1x80x125xi32, #tpu.memory_space<hbm>> -> memref<80x125xi32, #tpu.memory_space<hbm>>
        tpu.enqueue_dma source(%dma_start3A_73 : memref<80x125xi32, #tpu.memory_space<hbm>>) target(%arg10 : memref<80x125xi32, #tpu.memory_space<vmem>>) target_semaphore(%run_scoped3A : memref<!tpu.dma_semaphore, #tpu.memory_space<semaphore_mem>>)
        %dma_wait3A_74 = arith.constant 0 : i32
        %dma_wait3A_75 = arith.constant 0 : i32
        %dma_wait3A_76 = tpu.memref_slice %arg6[%scan3A_20, %arg1, %dma_wait3A_74, %dma_wait3A_75] : memref<2x16x80x125xi32, #tpu.memory_space<hbm>> -> memref<1x1x80x125xi32, #tpu.memory_space<hbm>>
        %dma_wait3A_77 = tpu.memref_squeeze %dma_wait3A_76 : memref<1x1x80x125xi32, #tpu.memory_space<hbm>> -> memref<80x125xi32, #tpu.memory_space<hbm>>
        %dma_wait3A_78 = arith.constant 0 : i32
        %dma_wait3A_79 = arith.constant 0 : i32
        %dma_wait3A_80 = tpu.memref_slice %arg6[%scan3A_20, %arg1, %dma_wait3A_78, %dma_wait3A_79] : memref<2x16x80x125xi32, #tpu.memory_space<hbm>> -> memref<1x1x80x125xi32, #tpu.memory_space<hbm>>
        %dma_wait3A_81 = tpu.memref_squeeze %dma_wait3A_80 : memref<1x1x80x125xi32, #tpu.memory_space<hbm>> -> memref<80x125xi32, #tpu.memory_space<hbm>>
        tpu.wait_dma2 semaphore(%run_scoped3A : memref<!tpu.dma_semaphore, #tpu.memory_space<semaphore_mem>>) src(%dma_wait3A_81 : memref<80x125xi32, #tpu.memory_space<hbm>>) dst(%arg10 : memref<80x125xi32, #tpu.memory_space<vmem>>)
        tpu.yield
      }) : () -> ()
      "tpu.region"() ({
        %run_scoped3A = tpu.sem_alloc : memref<!tpu.dma_semaphore, #tpu.memory_space<semaphore_mem>>
        %dma_start3A = arith.constant 0 : i32
        %dma_start3A_67 = arith.constant 0 : i32
        %dma_start3A_68 = tpu.memref_slice %arg7[%scan3A_20, %arg1, %dma_start3A, %dma_start3A_67] : memref<2x16x80x125xi32, #tpu.memory_space<hbm>> -> memref<1x1x80x125xi32, #tpu.memory_space<hbm>>
        %dma_start3A_69 = tpu.memref_squeeze %dma_start3A_68 : memref<1x1x80x125xi32, #tpu.memory_space<hbm>> -> memref<80x125xi32, #tpu.memory_space<hbm>>
        %dma_start3A_70 = arith.constant 0 : i32
        %dma_start3A_71 = arith.constant 0 : i32
        %dma_start3A_72 = tpu.memref_slice %arg7[%scan3A_20, %arg1, %dma_start3A_70, %dma_start3A_71] : memref<2x16x80x125xi32, #tpu.memory_space<hbm>> -> memref<1x1x80x125xi32, #tpu.memory_space<hbm>>
        %dma_start3A_73 = tpu.memref_squeeze %dma_start3A_72 : memref<1x1x80x125xi32, #tpu.memory_space<hbm>> -> memref<80x125xi32, #tpu.memory_space<hbm>>
        tpu.enqueue_dma source(%dma_start3A_73 : memref<80x125xi32, #tpu.memory_space<hbm>>) target(%arg11 : memref<80x125xi32, #tpu.memory_space<vmem>>) target_semaphore(%run_scoped3A : memref<!tpu.dma_semaphore, #tpu.memory_space<semaphore_mem>>)
        %dma_wait3A_74 = arith.constant 0 : i32
        %dma_wait3A_75 = arith.constant 0 : i32
        %dma_wait3A_76 = tpu.memref_slice %arg7[%scan3A_20, %arg1, %dma_wait3A_74, %dma_wait3A_75] : memref<2x16x80x125xi32, #tpu.memory_space<hbm>> -> memref<1x1x80x125xi32, #tpu.memory_space<hbm>>
        %dma_wait3A_77 = tpu.memref_squeeze %dma_wait3A_76 : memref<1x1x80x125xi32, #tpu.memory_space<hbm>> -> memref<80x125xi32, #tpu.memory_space<hbm>>
        %dma_wait3A_78 = arith.constant 0 : i32
        %dma_wait3A_79 = arith.constant 0 : i32
        %dma_wait3A_80 = tpu.memref_slice %arg7[%scan3A_20, %arg1, %dma_wait3A_78, %dma_wait3A_79] : memref<2x16x80x125xi32, #tpu.memory_space<hbm>> -> memref<1x1x80x125xi32, #tpu.memory_space<hbm>>
        %dma_wait3A_81 = tpu.memref_squeeze %dma_wait3A_80 : memref<1x1x80x125xi32, #tpu.memory_space<hbm>> -> memref<80x125xi32, #tpu.memory_space<hbm>>
        tpu.wait_dma2 semaphore(%run_scoped3A : memref<!tpu.dma_semaphore, #tpu.memory_space<semaphore_mem>>) src(%dma_wait3A_81 : memref<80x125xi32, #tpu.memory_space<hbm>>) dst(%arg11 : memref<80x125xi32, #tpu.memory_space<vmem>>)
        tpu.yield
      }) : () -> ()
      %eq3A = arith.constant 0 : i32
      %eq3A_21 = arith.cmpi eq, %arg0, %eq3A : i32
      %convert_element_type3A = arith.extui %eq3A_21 : i1 to i32
      %cond3A = arith.constant 0 : i32
      %cond3A_22 = arith.cmpi ne, %convert_element_type3A, %cond3A : i32
      scf.if %cond3A_22 {
        %dma_start3A = arith.constant 0 : i32
        %dma_start3A_67 = arith.constant 0 : i32
        %dma_start3A_68 = arith.constant 0 : i32
        %dma_start3A_69 = arith.constant 0 : i32
        %dma_start3A_70 = tpu.memref_slice %arg12[%dma_start3A_67, %dma_start3A_68, %dma_start3A_69] : memref<2x125x128xbf16, #tpu.memory_space<vmem>> -> memref<1x125x128xbf16, #tpu.memory_space<vmem>>
        %dma_start3A_71 = tpu.memref_squeeze %dma_start3A_70 : memref<1x125x128xbf16, #tpu.memory_space<vmem>> -> memref<125x128xbf16, #tpu.memory_space<vmem>>
        %dma_start3A_72 = arith.constant 0 : i32
        %dma_start3A_73 = tpu.memref_slice %arg10[%dma_start3A, %dma_start3A_72] : memref<80x125xi32, #tpu.memory_space<vmem>> -> memref<1x125xi32, #tpu.memory_space<vmem>>
        %dma_start3A_74 = tpu.memref_squeeze %dma_start3A_73 : memref<1x125xi32, #tpu.memory_space<vmem>> -> memref<125xi32, #tpu.memory_space<vmem>>
        %dma_start3A_75 = arith.constant 0 : i32
        %dma_start3A_76 = arith.constant 0 : i32
        %dma_start3A_77 = tpu.memref_slice %arg2[%dma_start3A_75, %dma_start3A_76] : memref<10000x128xbf16, #tpu.memory_space<hbm>> -> memref<10000x128xbf16, #tpu.memory_space<hbm>>
        tpu.enqueue_indirect_dma source(%dma_start3A_77 : memref<10000x128xbf16, #tpu.memory_space<hbm>>) target(%dma_start3A_71 : memref<125x128xbf16, #tpu.memory_space<vmem>>) offsets(%dma_start3A_74 : memref<125xi32, #tpu.memory_space<vmem>>) semaphore(%arg16 : memref<!tpu.dma_semaphore, #tpu.memory_space<semaphore_mem>>)
        %dma_start3A_78 = arith.constant 0 : i32
        %dma_start3A_79 = arith.constant 0 : i32
        %dma_start3A_80 = arith.constant 0 : i32
        %dma_start3A_81 = arith.constant 0 : i32
        %dma_start3A_82 = tpu.memref_slice %arg13[%dma_start3A_79, %dma_start3A_80, %dma_start3A_81] : memref<2x125x64xbf16, #tpu.memory_space<vmem>> -> memref<1x125x64xbf16, #tpu.memory_space<vmem>>
        %dma_start3A_83 = tpu.memref_squeeze %dma_start3A_82 : memref<1x125x64xbf16, #tpu.memory_space<vmem>> -> memref<125x64xbf16, #tpu.memory_space<vmem>>
        %dma_start3A_84 = arith.constant 0 : i32
        %dma_start3A_85 = tpu.memref_slice %arg11[%dma_start3A_78, %dma_start3A_84] : memref<80x125xi32, #tpu.memory_space<vmem>> -> memref<1x125xi32, #tpu.memory_space<vmem>>
        %dma_start3A_86 = tpu.memref_squeeze %dma_start3A_85 : memref<1x125xi32, #tpu.memory_space<vmem>> -> memref<125xi32, #tpu.memory_space<vmem>>
        %dma_start3A_87 = arith.constant 0 : i32
        %dma_start3A_88 = arith.constant 0 : i32
        %dma_start3A_89 = tpu.memref_slice %arg4[%dma_start3A_87, %dma_start3A_88] : memref<10000x64xbf16, #tpu.memory_space<hbm>> -> memref<10000x64xbf16, #tpu.memory_space<hbm>>
        tpu.enqueue_indirect_dma source(%dma_start3A_89 : memref<10000x64xbf16, #tpu.memory_space<hbm>>) target(%dma_start3A_83 : memref<125x64xbf16, #tpu.memory_space<vmem>>) offsets(%dma_start3A_86 : memref<125xi32, #tpu.memory_space<vmem>>) semaphore(%arg16 : memref<!tpu.dma_semaphore, #tpu.memory_space<semaphore_mem>>)
      } else {
      }
      %eq3A_23 = arith.constant 1 : i32
      %eq3A_24 = arith.cmpi eq, %arg0, %eq3A_23 : i32
      %convert_element_type3A_25 = arith.extui %eq3A_24 : i1 to i32
      %cond3A_26 = arith.constant 0 : i32
      %cond3A_27 = arith.cmpi ne, %convert_element_type3A_25, %cond3A_26 : i32
      scf.if %cond3A_27 {
        %dma_start3A = arith.constant 0 : i32
        %dma_start3A_67 = arith.constant 0 : i32
        %dma_start3A_68 = arith.constant 0 : i32
        %dma_start3A_69 = arith.constant 0 : i32
        %dma_start3A_70 = tpu.memref_slice %arg12[%dma_start3A_67, %dma_start3A_68, %dma_start3A_69] : memref<2x125x128xbf16, #tpu.memory_space<vmem>> -> memref<1x125x128xbf16, #tpu.memory_space<vmem>>
        %dma_start3A_71 = tpu.memref_squeeze %dma_start3A_70 : memref<1x125x128xbf16, #tpu.memory_space<vmem>> -> memref<125x128xbf16, #tpu.memory_space<vmem>>
        %dma_start3A_72 = arith.constant 0 : i32
        %dma_start3A_73 = tpu.memref_slice %arg10[%dma_start3A, %dma_start3A_72] : memref<80x125xi32, #tpu.memory_space<vmem>> -> memref<1x125xi32, #tpu.memory_space<vmem>>
        %dma_start3A_74 = tpu.memref_squeeze %dma_start3A_73 : memref<1x125xi32, #tpu.memory_space<vmem>> -> memref<125xi32, #tpu.memory_space<vmem>>
        %dma_start3A_75 = arith.constant 0 : i32
        %dma_start3A_76 = arith.constant 0 : i32
        %dma_start3A_77 = tpu.memref_slice %arg3[%dma_start3A_75, %dma_start3A_76] : memref<10000x128xbf16, #tpu.memory_space<hbm>> -> memref<10000x128xbf16, #tpu.memory_space<hbm>>
        tpu.enqueue_indirect_dma source(%dma_start3A_77 : memref<10000x128xbf16, #tpu.memory_space<hbm>>) target(%dma_start3A_71 : memref<125x128xbf16, #tpu.memory_space<vmem>>) offsets(%dma_start3A_74 : memref<125xi32, #tpu.memory_space<vmem>>) semaphore(%arg16 : memref<!tpu.dma_semaphore, #tpu.memory_space<semaphore_mem>>)
        %dma_start3A_78 = arith.constant 0 : i32
        %dma_start3A_79 = arith.constant 0 : i32
        %dma_start3A_80 = arith.constant 0 : i32
        %dma_start3A_81 = arith.constant 0 : i32
        %dma_start3A_82 = tpu.memref_slice %arg13[%dma_start3A_79, %dma_start3A_80, %dma_start3A_81] : memref<2x125x64xbf16, #tpu.memory_space<vmem>> -> memref<1x125x64xbf16, #tpu.memory_space<vmem>>
        %dma_start3A_83 = tpu.memref_squeeze %dma_start3A_82 : memref<1x125x64xbf16, #tpu.memory_space<vmem>> -> memref<125x64xbf16, #tpu.memory_space<vmem>>
        %dma_start3A_84 = arith.constant 0 : i32
        %dma_start3A_85 = tpu.memref_slice %arg11[%dma_start3A_78, %dma_start3A_84] : memref<80x125xi32, #tpu.memory_space<vmem>> -> memref<1x125xi32, #tpu.memory_space<vmem>>
        %dma_start3A_86 = tpu.memref_squeeze %dma_start3A_85 : memref<1x125xi32, #tpu.memory_space<vmem>> -> memref<125xi32, #tpu.memory_space<vmem>>
        %dma_start3A_87 = arith.constant 0 : i32
        %dma_start3A_88 = arith.constant 0 : i32
        %dma_start3A_89 = tpu.memref_slice %arg5[%dma_start3A_87, %dma_start3A_88] : memref<10000x64xbf16, #tpu.memory_space<hbm>> -> memref<10000x64xbf16, #tpu.memory_space<hbm>>
        tpu.enqueue_indirect_dma source(%dma_start3A_89 : memref<10000x64xbf16, #tpu.memory_space<hbm>>) target(%dma_start3A_83 : memref<125x64xbf16, #tpu.memory_space<vmem>>) offsets(%dma_start3A_86 : memref<125xi32, #tpu.memory_space<vmem>>) semaphore(%arg16 : memref<!tpu.dma_semaphore, #tpu.memory_space<semaphore_mem>>)
      } else {
      }
      %eq3A_28 = arith.constant 0 : i32
      %eq3A_29 = arith.cmpi eq, %arg0, %eq3A_28 : i32
      %convert_element_type3A_30 = arith.extui %eq3A_29 : i1 to i32
      %cond3A_31 = arith.constant 0 : i32
      %cond3A_32 = arith.cmpi ne, %convert_element_type3A_30, %cond3A_31 : i32
      scf.if %cond3A_32 {
        %dma_start3A = arith.constant 1 : i32
        %dma_start3A_67 = arith.constant 1 : i32
        %dma_start3A_68 = arith.constant 0 : i32
        %dma_start3A_69 = arith.constant 0 : i32
        %dma_start3A_70 = tpu.memref_slice %arg12[%dma_start3A_67, %dma_start3A_68, %dma_start3A_69] : memref<2x125x128xbf16, #tpu.memory_space<vmem>> -> memref<1x125x128xbf16, #tpu.memory_space<vmem>>
        %dma_start3A_71 = tpu.memref_squeeze %dma_start3A_70 : memref<1x125x128xbf16, #tpu.memory_space<vmem>> -> memref<125x128xbf16, #tpu.memory_space<vmem>>
        %dma_start3A_72 = arith.constant 0 : i32
        %dma_start3A_73 = tpu.memref_slice %arg10[%dma_start3A, %dma_start3A_72] : memref<80x125xi32, #tpu.memory_space<vmem>> -> memref<1x125xi32, #tpu.memory_space<vmem>>
        %dma_start3A_74 = tpu.memref_squeeze %dma_start3A_73 : memref<1x125xi32, #tpu.memory_space<vmem>> -> memref<125xi32, #tpu.memory_space<vmem>>
        %dma_start3A_75 = arith.constant 0 : i32
        %dma_start3A_76 = arith.constant 0 : i32
        %dma_start3A_77 = tpu.memref_slice %arg2[%dma_start3A_75, %dma_start3A_76] : memref<10000x128xbf16, #tpu.memory_space<hbm>> -> memref<10000x128xbf16, #tpu.memory_space<hbm>>
        tpu.enqueue_indirect_dma source(%dma_start3A_77 : memref<10000x128xbf16, #tpu.memory_space<hbm>>) target(%dma_start3A_71 : memref<125x128xbf16, #tpu.memory_space<vmem>>) offsets(%dma_start3A_74 : memref<125xi32, #tpu.memory_space<vmem>>) semaphore(%arg17 : memref<!tpu.dma_semaphore, #tpu.memory_space<semaphore_mem>>)
        %dma_start3A_78 = arith.constant 1 : i32
        %dma_start3A_79 = arith.constant 1 : i32
        %dma_start3A_80 = arith.constant 0 : i32
        %dma_start3A_81 = arith.constant 0 : i32
        %dma_start3A_82 = tpu.memref_slice %arg13[%dma_start3A_79, %dma_start3A_80, %dma_start3A_81] : memref<2x125x64xbf16, #tpu.memory_space<vmem>> -> memref<1x125x64xbf16, #tpu.memory_space<vmem>>
        %dma_start3A_83 = tpu.memref_squeeze %dma_start3A_82 : memref<1x125x64xbf16, #tpu.memory_space<vmem>> -> memref<125x64xbf16, #tpu.memory_space<vmem>>
        %dma_start3A_84 = arith.constant 0 : i32
        %dma_start3A_85 = tpu.memref_slice %arg11[%dma_start3A_78, %dma_start3A_84] : memref<80x125xi32, #tpu.memory_space<vmem>> -> memref<1x125xi32, #tpu.memory_space<vmem>>
        %dma_start3A_86 = tpu.memref_squeeze %dma_start3A_85 : memref<1x125xi32, #tpu.memory_space<vmem>> -> memref<125xi32, #tpu.memory_space<vmem>>
        %dma_start3A_87 = arith.constant 0 : i32
        %dma_start3A_88 = arith.constant 0 : i32
        %dma_start3A_89 = tpu.memref_slice %arg4[%dma_start3A_87, %dma_start3A_88] : memref<10000x64xbf16, #tpu.memory_space<hbm>> -> memref<10000x64xbf16, #tpu.memory_space<hbm>>
        tpu.enqueue_indirect_dma source(%dma_start3A_89 : memref<10000x64xbf16, #tpu.memory_space<hbm>>) target(%dma_start3A_83 : memref<125x64xbf16, #tpu.memory_space<vmem>>) offsets(%dma_start3A_86 : memref<125xi32, #tpu.memory_space<vmem>>) semaphore(%arg17 : memref<!tpu.dma_semaphore, #tpu.memory_space<semaphore_mem>>)
      } else {
      }
      %eq3A_33 = arith.constant 1 : i32
      %eq3A_34 = arith.cmpi eq, %arg0, %eq3A_33 : i32
      %convert_element_type3A_35 = arith.extui %eq3A_34 : i1 to i32
      %cond3A_36 = arith.constant 0 : i32
      %cond3A_37 = arith.cmpi ne, %convert_element_type3A_35, %cond3A_36 : i32
      scf.if %cond3A_37 {
        %dma_start3A = arith.constant 1 : i32
        %dma_start3A_67 = arith.constant 1 : i32
        %dma_start3A_68 = arith.constant 0 : i32
        %dma_start3A_69 = arith.constant 0 : i32
        %dma_start3A_70 = tpu.memref_slice %arg12[%dma_start3A_67, %dma_start3A_68, %dma_start3A_69] : memref<2x125x128xbf16, #tpu.memory_space<vmem>> -> memref<1x125x128xbf16, #tpu.memory_space<vmem>>
        %dma_start3A_71 = tpu.memref_squeeze %dma_start3A_70 : memref<1x125x128xbf16, #tpu.memory_space<vmem>> -> memref<125x128xbf16, #tpu.memory_space<vmem>>
        %dma_start3A_72 = arith.constant 0 : i32
        %dma_start3A_73 = tpu.memref_slice %arg10[%dma_start3A, %dma_start3A_72] : memref<80x125xi32, #tpu.memory_space<vmem>> -> memref<1x125xi32, #tpu.memory_space<vmem>>
        %dma_start3A_74 = tpu.memref_squeeze %dma_start3A_73 : memref<1x125xi32, #tpu.memory_space<vmem>> -> memref<125xi32, #tpu.memory_space<vmem>>
        %dma_start3A_75 = arith.constant 0 : i32
        %dma_start3A_76 = arith.constant 0 : i32
        %dma_start3A_77 = tpu.memref_slice %arg3[%dma_start3A_75, %dma_start3A_76] : memref<10000x128xbf16, #tpu.memory_space<hbm>> -> memref<10000x128xbf16, #tpu.memory_space<hbm>>
        tpu.enqueue_indirect_dma source(%dma_start3A_77 : memref<10000x128xbf16, #tpu.memory_space<hbm>>) target(%dma_start3A_71 : memref<125x128xbf16, #tpu.memory_space<vmem>>) offsets(%dma_start3A_74 : memref<125xi32, #tpu.memory_space<vmem>>) semaphore(%arg17 : memref<!tpu.dma_semaphore, #tpu.memory_space<semaphore_mem>>)
        %dma_start3A_78 = arith.constant 1 : i32
        %dma_start3A_79 = arith.constant 1 : i32
        %dma_start3A_80 = arith.constant 0 : i32
        %dma_start3A_81 = arith.constant 0 : i32
        %dma_start3A_82 = tpu.memref_slice %arg13[%dma_start3A_79, %dma_start3A_80, %dma_start3A_81] : memref<2x125x64xbf16, #tpu.memory_space<vmem>> -> memref<1x125x64xbf16, #tpu.memory_space<vmem>>
        %dma_start3A_83 = tpu.memref_squeeze %dma_start3A_82 : memref<1x125x64xbf16, #tpu.memory_space<vmem>> -> memref<125x64xbf16, #tpu.memory_space<vmem>>
        %dma_start3A_84 = arith.constant 0 : i32
        %dma_start3A_85 = tpu.memref_slice %arg11[%dma_start3A_78, %dma_start3A_84] : memref<80x125xi32, #tpu.memory_space<vmem>> -> memref<1x125xi32, #tpu.memory_space<vmem>>
        %dma_start3A_86 = tpu.memref_squeeze %dma_start3A_85 : memref<1x125xi32, #tpu.memory_space<vmem>> -> memref<125xi32, #tpu.memory_space<vmem>>
        %dma_start3A_87 = arith.constant 0 : i32
        %dma_start3A_88 = arith.constant 0 : i32
        %dma_start3A_89 = tpu.memref_slice %arg5[%dma_start3A_87, %dma_start3A_88] : memref<10000x64xbf16, #tpu.memory_space<hbm>> -> memref<10000x64xbf16, #tpu.memory_space<hbm>>
        tpu.enqueue_indirect_dma source(%dma_start3A_89 : memref<10000x64xbf16, #tpu.memory_space<hbm>>) target(%dma_start3A_83 : memref<125x64xbf16, #tpu.memory_space<vmem>>) offsets(%dma_start3A_86 : memref<125xi32, #tpu.memory_space<vmem>>) semaphore(%arg17 : memref<!tpu.dma_semaphore, #tpu.memory_space<semaphore_mem>>)
      } else {
      }
      %scan3A_38 = arith.constant 0 : i32
      %scan3A_39 = arith.constant 0 : i32
      %scan3A_40 = arith.constant 40 : i32
      %scan3A_41 = arith.addi %scan3A_39, %scan3A_40 : i32
      %scan3A_42 = arith.constant 1 : i32
      scf.for %scan3A_67 = %scan3A_39 to %scan3A_41 step %scan3A_42  : i32 {
        %mul3A_68 = arith.constant 2 : i32
        %mul3A_69 = arith.muli %scan3A_67, %mul3A_68 : i32
        %add3A = arith.constant 0 : i32
        %add3A_70 = arith.addi %mul3A_69, %add3A : i32
        %dma_wait3A_71 = arith.constant 0 : i32
        %dma_wait3A_72 = arith.constant 0 : i32
        %dma_wait3A_73 = arith.constant 0 : i32
        %dma_wait3A_74 = tpu.memref_slice %arg12[%dma_wait3A_71, %dma_wait3A_72, %dma_wait3A_73] : memref<2x125x128xbf16, #tpu.memory_space<vmem>> -> memref<1x125x128xbf16, #tpu.memory_space<vmem>>
        %dma_wait3A_75 = tpu.memref_squeeze %dma_wait3A_74 : memref<1x125x128xbf16, #tpu.memory_space<vmem>> -> memref<125x128xbf16, #tpu.memory_space<vmem>>
        %dma_wait3A_76 = arith.constant 0 : i32
        %dma_wait3A_77 = tpu.memref_slice %arg10[%add3A_70, %dma_wait3A_76] : memref<80x125xi32, #tpu.memory_space<vmem>> -> memref<1x125xi32, #tpu.memory_space<vmem>>
        %dma_wait3A_78 = tpu.memref_squeeze %dma_wait3A_77 : memref<1x125xi32, #tpu.memory_space<vmem>> -> memref<125xi32, #tpu.memory_space<vmem>>
        %dma_wait3A_79 = arith.constant 0 : i32
        %dma_wait3A_80 = arith.constant 0 : i32
        %dma_wait3A_81 = tpu.memref_slice %arg2[%dma_wait3A_79, %dma_wait3A_80] : memref<10000x128xbf16, #tpu.memory_space<hbm>> -> memref<10000x128xbf16, #tpu.memory_space<hbm>>
        tpu.wait_indirect_dma semaphore(%arg16 : memref<!tpu.dma_semaphore, #tpu.memory_space<semaphore_mem>>) src(%dma_wait3A_81 : memref<10000x128xbf16, #tpu.memory_space<hbm>>) dst(%dma_wait3A_75 : memref<125x128xbf16, #tpu.memory_space<vmem>>)
        %dma_wait3A_82 = arith.constant 0 : i32
        %dma_wait3A_83 = arith.constant 0 : i32
        %dma_wait3A_84 = arith.constant 0 : i32
        %dma_wait3A_85 = tpu.memref_slice %arg13[%dma_wait3A_82, %dma_wait3A_83, %dma_wait3A_84] : memref<2x125x64xbf16, #tpu.memory_space<vmem>> -> memref<1x125x64xbf16, #tpu.memory_space<vmem>>
        %dma_wait3A_86 = tpu.memref_squeeze %dma_wait3A_85 : memref<1x125x64xbf16, #tpu.memory_space<vmem>> -> memref<125x64xbf16, #tpu.memory_space<vmem>>
        %dma_wait3A_87 = arith.constant 0 : i32
        %dma_wait3A_88 = tpu.memref_slice %arg11[%add3A_70, %dma_wait3A_87] : memref<80x125xi32, #tpu.memory_space<vmem>> -> memref<1x125xi32, #tpu.memory_space<vmem>>
        %dma_wait3A_89 = tpu.memref_squeeze %dma_wait3A_88 : memref<1x125xi32, #tpu.memory_space<vmem>> -> memref<125xi32, #tpu.memory_space<vmem>>
        %dma_wait3A_90 = arith.constant 0 : i32
        %dma_wait3A_91 = arith.constant 0 : i32
        %dma_wait3A_92 = tpu.memref_slice %arg4[%dma_wait3A_90, %dma_wait3A_91] : memref<10000x64xbf16, #tpu.memory_space<hbm>> -> memref<10000x64xbf16, #tpu.memory_space<hbm>>
        tpu.wait_indirect_dma semaphore(%arg16 : memref<!tpu.dma_semaphore, #tpu.memory_space<semaphore_mem>>) src(%dma_wait3A_92 : memref<10000x64xbf16, #tpu.memory_space<hbm>>) dst(%dma_wait3A_86 : memref<125x64xbf16, #tpu.memory_space<vmem>>)
        %ge3A = arith.constant 2 : i32
        %ge3A_93 = arith.cmpi sge, %add3A_70, %ge3A : i32
        %convert_element_type3A_94 = arith.extui %ge3A_93 : i1 to i32
        %cond3A_95 = arith.constant 0 : i32
        %cond3A_96 = arith.cmpi ne, %convert_element_type3A_94, %cond3A_95 : i32
        scf.if %cond3A_96 {
          %sub3A = arith.constant 2 : i32
          %sub3A_171 = arith.subi %add3A_70, %sub3A : i32
          %dma_wait3A_172 = arith.constant 0 : i32
          %dma_wait3A_173 = arith.constant 0 : i32
          %dma_wait3A_174 = arith.constant 0 : i32
          %dma_wait3A_175 = tpu.memref_slice %arg14[%dma_wait3A_172, %dma_wait3A_173, %dma_wait3A_174] : memref<2x125x80xf32, #tpu.memory_space<vmem>> -> memref<1x125x80xf32, #tpu.memory_space<vmem>>
          %dma_wait3A_176 = tpu.memref_squeeze %dma_wait3A_175 : memref<1x125x80xf32, #tpu.memory_space<vmem>> -> memref<125x80xf32, #tpu.memory_space<vmem>>
          %dma_wait3A_177 = arith.constant 0 : i32
          %dma_wait3A_178 = tpu.memref_slice %arg11[%sub3A_171, %dma_wait3A_177] : memref<80x125xi32, #tpu.memory_space<vmem>> -> memref<1x125xi32, #tpu.memory_space<vmem>>
          %dma_wait3A_179 = tpu.memref_squeeze %dma_wait3A_178 : memref<1x125xi32, #tpu.memory_space<vmem>> -> memref<125xi32, #tpu.memory_space<vmem>>
          %dma_wait3A_180 = arith.constant 0 : i32
          %dma_wait3A_181 = arith.constant 0 : i32
          %dma_wait3A_182 = tpu.memref_slice %arg15[%dma_wait3A_180, %dma_wait3A_181] : memref<10112x80xf32, #tpu.memory_space<vmem_shared>> -> memref<10112x80xf32, #tpu.memory_space<vmem_shared>>
          tpu.wait_indirect_dma semaphore(%arg18 : memref<!tpu.dma_semaphore, #tpu.memory_space<semaphore_mem>>) src(%dma_wait3A_176 : memref<125x80xf32, #tpu.memory_space<vmem>>) dst(%dma_wait3A_182 : memref<10112x80xf32, #tpu.memory_space<vmem_shared>>)
        } else {
        }
        %parallel_loop3A = arith.constant 0 : i32
        %parallel_loop3A_97 = arith.constant 125 : i32
        %parallel_loop3A_98 = arith.constant 1 : i32
        %parallel_loop3A_99 = arith.constant 0 : i32
        %parallel_loop3A_100 = arith.constant 0 : i32
        %parallel_loop3A_101 = arith.constant 0 : i32
        scf.for %parallel_loop3A_171 = %parallel_loop3A to %parallel_loop3A_97 step %parallel_loop3A_98  : i32 {
          %parallel_loop3A_172 = arith.constant 0 : i32
          %parallel_loop3A_173 = arith.constant 0 : i32
          %parallel_loop3A_174 = tpu.memref_slice %arg13[%parallel_loop3A_99, %parallel_loop3A_172, %parallel_loop3A_173] : memref<2x125x64xbf16, #tpu.memory_space<vmem>> -> memref<1x125x64xbf16, #tpu.memory_space<vmem>>
          %parallel_loop3A_175 = tpu.memref_squeeze %parallel_loop3A_174 : memref<1x125x64xbf16, #tpu.memory_space<vmem>> -> memref<125x64xbf16, #tpu.memory_space<vmem>>
          %parallel_loop3A_176 = arith.index_cast %parallel_loop3A_171 : i32 to index
          %parallel_loop3A_177 = arith.constant 0 : index
          %parallel_loop3A_178 = tpu.vector_load %parallel_loop3A_175[%parallel_loop3A_176, %parallel_loop3A_177] {strides = array<i32>} : memref<125x64xbf16, #tpu.memory_space<vmem>>, vector<32xbf16>,
          %parallel_loop3A_179 = arith.constant 0 : i32
          %parallel_loop3A_180 = arith.constant 0 : i32
          %parallel_loop3A_181 = tpu.memref_slice %arg12[%parallel_loop3A_100, %parallel_loop3A_179, %parallel_loop3A_180] : memref<2x125x128xbf16, #tpu.memory_space<vmem>> -> memref<1x125x128xbf16, #tpu.memory_space<vmem>>
          %parallel_loop3A_182 = tpu.memref_squeeze %parallel_loop3A_181 : memref<1x125x128xbf16, #tpu.memory_space<vmem>> -> memref<125x128xbf16, #tpu.memory_space<vmem>>
          %parallel_loop3A_183 = arith.index_cast %parallel_loop3A_171 : i32 to index
          %parallel_loop3A_184 = arith.constant 0 : index
          %parallel_loop3A_185 = tpu.vector_load %parallel_loop3A_182[%parallel_loop3A_183, %parallel_loop3A_184] {strides = array<i32>} : memref<125x128xbf16, #tpu.memory_space<vmem>>, vector<32xbf16>,
          %parallel_loop3A_186 = arith.mulf %parallel_loop3A_178, %parallel_loop3A_185 : vector<32xbf16>
          %parallel_loop3A_187 = tpu.unpack_subelements %parallel_loop3A_186, 0 {pack_format = #tpu.pack_format<interleaved>} : vector<32xbf16> -> vector<16xf32>
          %parallel_loop3A_188 = tpu.unpack_subelements %parallel_loop3A_186, 1 {pack_format = #tpu.pack_format<interleaved>} : vector<32xbf16> -> vector<16xf32>
          %parallel_loop3A_189 = arith.addf %parallel_loop3A_187, %parallel_loop3A_188 : vector<16xf32>
          %parallel_loop3A_190 = arith.constant 0 : i32
          %parallel_loop3A_191 = vector.broadcast %parallel_loop3A_190 : i32 to vector<16xi32>
          %parallel_loop3A_192 = arith.cmpi slt, %xor3A_2, %parallel_loop3A_191 : vector<16xi32>
          %parallel_loop3A_193 = arith.constant 16 : i32
          %parallel_loop3A_194 = vector.broadcast %parallel_loop3A_193 : i32 to vector<16xi32>
          %parallel_loop3A_195 = arith.addi %xor3A_2, %parallel_loop3A_194 : vector<16xi32>
          %parallel_loop3A_196 = arith.select %parallel_loop3A_192, %parallel_loop3A_195, %xor3A_2 : vector<16xi1>, vector<16xi32>
          %parallel_loop3A_197 = vector.shape_cast %parallel_loop3A_196 : vector<16xi32> to vector<16x1xi32>
          %parallel_loop3A_198 = vector.shape_cast %parallel_loop3A_197 : vector<16x1xi32> to vector<16xi32>
          %parallel_loop3A_199 = tpu.dynamic_gather %parallel_loop3A_189[%parallel_loop3A_198] in [0] : vector<16xf32>, vector<16xi32> -> vector<16xf32>
          %parallel_loop3A_200 = arith.addf %parallel_loop3A_189, %parallel_loop3A_199 : vector<16xf32>
          %parallel_loop3A_201 = arith.constant 0 : i32
          %parallel_loop3A_202 = vector.broadcast %parallel_loop3A_201 : i32 to vector<16xi32>
          %parallel_loop3A_203 = arith.cmpi slt, %xor3A_5, %parallel_loop3A_202 : vector<16xi32>
          %parallel_loop3A_204 = arith.constant 16 : i32
          %parallel_loop3A_205 = vector.broadcast %parallel_loop3A_204 : i32 to vector<16xi32>
          %parallel_loop3A_206 = arith.addi %xor3A_5, %parallel_loop3A_205 : vector<16xi32>
          %parallel_loop3A_207 = arith.select %parallel_loop3A_203, %parallel_loop3A_206, %xor3A_5 : vector<16xi1>, vector<16xi32>
          %parallel_loop3A_208 = vector.shape_cast %parallel_loop3A_207 : vector<16xi32> to vector<16x1xi32>
          %parallel_loop3A_209 = vector.shape_cast %parallel_loop3A_208 : vector<16x1xi32> to vector<16xi32>
          %parallel_loop3A_210 = tpu.dynamic_gather %parallel_loop3A_200[%parallel_loop3A_209] in [0] : vector<16xf32>, vector<16xi32> -> vector<16xf32>
          %parallel_loop3A_211 = arith.addf %parallel_loop3A_200, %parallel_loop3A_210 : vector<16xf32>
          %parallel_loop3A_212 = arith.constant 0 : i32
          %parallel_loop3A_213 = vector.broadcast %parallel_loop3A_212 : i32 to vector<16xi32>
          %parallel_loop3A_214 = arith.cmpi slt, %xor3A_8, %parallel_loop3A_213 : vector<16xi32>
          %parallel_loop3A_215 = arith.constant 16 : i32
          %parallel_loop3A_216 = vector.broadcast %parallel_loop3A_215 : i32 to vector<16xi32>
          %parallel_loop3A_217 = arith.addi %xor3A_8, %parallel_loop3A_216 : vector<16xi32>
          %parallel_loop3A_218 = arith.select %parallel_loop3A_214, %parallel_loop3A_217, %xor3A_8 : vector<16xi1>, vector<16xi32>
          %parallel_loop3A_219 = vector.shape_cast %parallel_loop3A_218 : vector<16xi32> to vector<16x1xi32>
          %parallel_loop3A_220 = vector.shape_cast %parallel_loop3A_219 : vector<16x1xi32> to vector<16xi32>
          %parallel_loop3A_221 = tpu.dynamic_gather %parallel_loop3A_211[%parallel_loop3A_220] in [0] : vector<16xf32>, vector<16xi32> -> vector<16xf32>
          %parallel_loop3A_222 = arith.addf %parallel_loop3A_211, %parallel_loop3A_221 : vector<16xf32>
          %parallel_loop3A_223 = math.exp %parallel_loop3A_222 : vector<16xf32>
          %parallel_loop3A_224 = arith.constant 0 : i32
          %parallel_loop3A_225 = arith.constant 0 : i32
          %parallel_loop3A_226 = tpu.memref_slice %arg13[%parallel_loop3A_99, %parallel_loop3A_224, %parallel_loop3A_225] : memref<2x125x64xbf16, #tpu.memory_space<vmem>> -> memref<1x125x64xbf16, #tpu.memory_space<vmem>>
          %parallel_loop3A_227 = tpu.memref_squeeze %parallel_loop3A_226 : memref<1x125x64xbf16, #tpu.memory_space<vmem>> -> memref<125x64xbf16, #tpu.memory_space<vmem>>
          %parallel_loop3A_228 = arith.index_cast %parallel_loop3A_171 : i32 to index
          %parallel_loop3A_229 = arith.constant 32 : index
          %parallel_loop3A_230 = tpu.vector_load %parallel_loop3A_227[%parallel_loop3A_228, %parallel_loop3A_229] {strides = array<i32>} : memref<125x64xbf16, #tpu.memory_space<vmem>>, vector<32xbf16>,
          %parallel_loop3A_231 = arith.constant 0 : i32
          %parallel_loop3A_232 = arith.constant 0 : i32
          %parallel_loop3A_233 = tpu.memref_slice %arg12[%parallel_loop3A_100, %parallel_loop3A_231, %parallel_loop3A_232] : memref<2x125x128xbf16, #tpu.memory_space<vmem>> -> memref<1x125x128xbf16, #tpu.memory_space<vmem>>
          %parallel_loop3A_234 = tpu.memref_squeeze %parallel_loop3A_233 : memref<1x125x128xbf16, #tpu.memory_space<vmem>> -> memref<125x128xbf16, #tpu.memory_space<vmem>>
          %parallel_loop3A_235 = arith.index_cast %parallel_loop3A_171 : i32 to index
          %parallel_loop3A_236 = arith.constant 32 : index
          %parallel_loop3A_237 = tpu.vector_load %parallel_loop3A_234[%parallel_loop3A_235, %parallel_loop3A_236] {strides = array<i32>} : memref<125x128xbf16, #tpu.memory_space<vmem>>, vector<32xbf16>,
          %parallel_loop3A_238 = arith.mulf %parallel_loop3A_230, %parallel_loop3A_237 : vector<32xbf16>
          %parallel_loop3A_239 = tpu.unpack_subelements %parallel_loop3A_238, 0 {pack_format = #tpu.pack_format<interleaved>} : vector<32xbf16> -> vector<16xf32>
          %parallel_loop3A_240 = tpu.unpack_subelements %parallel_loop3A_238, 1 {pack_format = #tpu.pack_format<interleaved>} : vector<32xbf16> -> vector<16xf32>
          %parallel_loop3A_241 = arith.addf %parallel_loop3A_239, %parallel_loop3A_240 : vector<16xf32>
          %parallel_loop3A_242 = arith.constant 0 : i32
          %parallel_loop3A_243 = vector.broadcast %parallel_loop3A_242 : i32 to vector<16xi32>
          %parallel_loop3A_244 = arith.cmpi slt, %xor3A_2, %parallel_loop3A_243 : vector<16xi32>
          %parallel_loop3A_245 = arith.constant 16 : i32
          %parallel_loop3A_246 = vector.broadcast %parallel_loop3A_245 : i32 to vector<16xi32>
          %parallel_loop3A_247 = arith.addi %xor3A_2, %parallel_loop3A_246 : vector<16xi32>
          %parallel_loop3A_248 = arith.select %parallel_loop3A_244, %parallel_loop3A_247, %xor3A_2 : vector<16xi1>, vector<16xi32>
          %parallel_loop3A_249 = vector.shape_cast %parallel_loop3A_248 : vector<16xi32> to vector<16x1xi32>
          %parallel_loop3A_250 = vector.shape_cast %parallel_loop3A_249 : vector<16x1xi32> to vector<16xi32>
          %parallel_loop3A_251 = tpu.dynamic_gather %parallel_loop3A_241[%parallel_loop3A_250] in [0] : vector<16xf32>, vector<16xi32> -> vector<16xf32>
          %parallel_loop3A_252 = arith.addf %parallel_loop3A_241, %parallel_loop3A_251 : vector<16xf32>
          %parallel_loop3A_253 = arith.constant 0 : i32
          %parallel_loop3A_254 = vector.broadcast %parallel_loop3A_253 : i32 to vector<16xi32>
          %parallel_loop3A_255 = arith.cmpi slt, %xor3A_5, %parallel_loop3A_254 : vector<16xi32>
          %parallel_loop3A_256 = arith.constant 16 : i32
          %parallel_loop3A_257 = vector.broadcast %parallel_loop3A_256 : i32 to vector<16xi32>
          %parallel_loop3A_258 = arith.addi %xor3A_5, %parallel_loop3A_257 : vector<16xi32>
          %parallel_loop3A_259 = arith.select %parallel_loop3A_255, %parallel_loop3A_258, %xor3A_5 : vector<16xi1>, vector<16xi32>
          %parallel_loop3A_260 = vector.shape_cast %parallel_loop3A_259 : vector<16xi32> to vector<16x1xi32>
          %parallel_loop3A_261 = vector.shape_cast %parallel_loop3A_260 : vector<16x1xi32> to vector<16xi32>
          %parallel_loop3A_262 = tpu.dynamic_gather %parallel_loop3A_252[%parallel_loop3A_261] in [0] : vector<16xf32>, vector<16xi32> -> vector<16xf32>
          %parallel_loop3A_263 = arith.addf %parallel_loop3A_252, %parallel_loop3A_262 : vector<16xf32>
          %parallel_loop3A_264 = arith.constant 0 : i32
          %parallel_loop3A_265 = vector.broadcast %parallel_loop3A_264 : i32 to vector<16xi32>
          %parallel_loop3A_266 = arith.cmpi slt, %xor3A_8, %parallel_loop3A_265 : vector<16xi32>
          %parallel_loop3A_267 = arith.constant 16 : i32
          %parallel_loop3A_268 = vector.broadcast %parallel_loop3A_267 : i32 to vector<16xi32>
          %parallel_loop3A_269 = arith.addi %xor3A_8, %parallel_loop3A_268 : vector<16xi32>
          %parallel_loop3A_270 = arith.select %parallel_loop3A_266, %parallel_loop3A_269, %xor3A_8 : vector<16xi1>, vector<16xi32>
          %parallel_loop3A_271 = vector.shape_cast %parallel_loop3A_270 : vector<16xi32> to vector<16x1xi32>
          %parallel_loop3A_272 = vector.shape_cast %parallel_loop3A_271 : vector<16x1xi32> to vector<16xi32>
          %parallel_loop3A_273 = tpu.dynamic_gather %parallel_loop3A_263[%parallel_loop3A_272] in [0] : vector<16xf32>, vector<16xi32> -> vector<16xf32>
          %parallel_loop3A_274 = arith.addf %parallel_loop3A_263, %parallel_loop3A_273 : vector<16xf32>
          %parallel_loop3A_275 = math.exp %parallel_loop3A_274 : vector<16xf32>
          %parallel_loop3A_276 = arith.constant 2 : i32
          %parallel_loop3A_277 = vector.broadcast %parallel_loop3A_276 : i32 to vector<16xi32>
          %parallel_loop3A_278 = arith.andi %iota3A, %parallel_loop3A_277 : vector<16xi32>
          %parallel_loop3A_279 = arith.constant 0 : i32
          %parallel_loop3A_280 = vector.broadcast %parallel_loop3A_279 : i32 to vector<16xi32>
          %parallel_loop3A_281 = arith.cmpi eq, %parallel_loop3A_278, %parallel_loop3A_280 : vector<16xi32>
          %parallel_loop3A_282 = arith.constant 0 : i32
          %parallel_loop3A_283 = vector.broadcast %parallel_loop3A_282 : i32 to vector<16xi32>
          %parallel_loop3A_284 = arith.cmpi slt, %mul3A_13, %parallel_loop3A_283 : vector<16xi32>
          %parallel_loop3A_285 = arith.constant 16 : i32
          %parallel_loop3A_286 = vector.broadcast %parallel_loop3A_285 : i32 to vector<16xi32>
          %parallel_loop3A_287 = arith.addi %mul3A_13, %parallel_loop3A_286 : vector<16xi32>
          %parallel_loop3A_288 = arith.select %parallel_loop3A_284, %parallel_loop3A_287, %mul3A_13 : vector<16xi1>, vector<16xi32>
          %parallel_loop3A_289 = vector.shape_cast %parallel_loop3A_288 : vector<16xi32> to vector<16x1xi32>
          %parallel_loop3A_290 = vector.shape_cast %parallel_loop3A_289 : vector<16x1xi32> to vector<16xi32>
          %parallel_loop3A_291 = tpu.dynamic_gather %parallel_loop3A_223[%parallel_loop3A_290] in [0] : vector<16xf32>, vector<16xi32> -> vector<16xf32>
          %parallel_loop3A_292 = arith.constant 0 : i32
          %parallel_loop3A_293 = vector.broadcast %parallel_loop3A_292 : i32 to vector<16xi32>
          %parallel_loop3A_294 = arith.cmpi slt, %mul3A_13, %parallel_loop3A_293 : vector<16xi32>
          %parallel_loop3A_295 = arith.constant 16 : i32
          %parallel_loop3A_296 = vector.broadcast %parallel_loop3A_295 : i32 to vector<16xi32>
          %parallel_loop3A_297 = arith.addi %mul3A_13, %parallel_loop3A_296 : vector<16xi32>
          %parallel_loop3A_298 = arith.select %parallel_loop3A_294, %parallel_loop3A_297, %mul3A_13 : vector<16xi1>, vector<16xi32>
          %parallel_loop3A_299 = vector.shape_cast %parallel_loop3A_298 : vector<16xi32> to vector<16x1xi32>
          %parallel_loop3A_300 = vector.shape_cast %parallel_loop3A_299 : vector<16x1xi32> to vector<16xi32>
          %parallel_loop3A_301 = tpu.dynamic_gather %parallel_loop3A_275[%parallel_loop3A_300] in [0] : vector<16xf32>, vector<16xi32> -> vector<16xf32>
          %parallel_loop3A_302 = arith.select %parallel_loop3A_281, %parallel_loop3A_291, %parallel_loop3A_301 : vector<16xi1>, vector<16xf32>
          %parallel_loop3A_303 = arith.constant 4 : i32
          %parallel_loop3A_304 = vector.broadcast %parallel_loop3A_303 : i32 to vector<16xi32>
          %parallel_loop3A_305 = arith.cmpi slt, %iota3A, %parallel_loop3A_304 : vector<16xi32>
          %parallel_loop3A_306 = arith.constant 0.000000e+00 : f32
          %parallel_loop3A_307 = vector.broadcast %parallel_loop3A_306 : f32 to vector<16xf32>
          %parallel_loop3A_308 = arith.select %parallel_loop3A_305, %parallel_loop3A_302, %parallel_loop3A_307 : vector<16xi1>, vector<16xf32>
          %parallel_loop3A_309 = arith.constant 0 : i32
          %parallel_loop3A_310 = arith.constant 0 : i32
          %parallel_loop3A_311 = tpu.memref_slice %arg14[%parallel_loop3A_101, %parallel_loop3A_309, %parallel_loop3A_310] : memref<2x125x80xf32, #tpu.memory_space<vmem>> -> memref<1x125x80xf32, #tpu.memory_space<vmem>>
          %parallel_loop3A_312 = tpu.memref_squeeze %parallel_loop3A_311 : memref<1x125x80xf32, #tpu.memory_space<vmem>> -> memref<125x80xf32, #tpu.memory_space<vmem>>
          %parallel_loop3A_313 = arith.index_cast %parallel_loop3A_171 : i32 to index
          %parallel_loop3A_314 = arith.constant 64 : index
          %parallel_loop3A_315 = tpu.vector_load %parallel_loop3A_312[%parallel_loop3A_313, %parallel_loop3A_314] {strides = array<i32>} : memref<125x80xf32, #tpu.memory_space<vmem>>, vector<16xf32>,
          tpu.vector_store %parallel_loop3A_312[%parallel_loop3A_313, %parallel_loop3A_314], %parallel_loop3A_308 {strides = array<i32>} : memref<125x80xf32, #tpu.memory_space<vmem>>, vector<16xf32>,
          %parallel_loop3A_316 = arith.constant 0 : i32
          %parallel_loop3A_317 = arith.constant 0 : i32
          %parallel_loop3A_318 = tpu.memref_slice %arg12[%parallel_loop3A_100, %parallel_loop3A_316, %parallel_loop3A_317] : memref<2x125x128xbf16, #tpu.memory_space<vmem>> -> memref<1x125x128xbf16, #tpu.memory_space<vmem>>
          %parallel_loop3A_319 = tpu.memref_squeeze %parallel_loop3A_318 : memref<1x125x128xbf16, #tpu.memory_space<vmem>> -> memref<125x128xbf16, #tpu.memory_space<vmem>>
          %parallel_loop3A_320 = arith.index_cast %parallel_loop3A_171 : i32 to index
          %parallel_loop3A_321 = arith.constant 64 : index
          %parallel_loop3A_322 = tpu.vector_load %parallel_loop3A_319[%parallel_loop3A_320, %parallel_loop3A_321] {strides = array<i32>} : memref<125x128xbf16, #tpu.memory_space<vmem>>, vector<32xbf16>,
          %parallel_loop3A_323 = tpu.unpack_subelements %parallel_loop3A_322, 0 {pack_format = #tpu.pack_format<interleaved>} : vector<32xbf16> -> vector<16xf32>
          %parallel_loop3A_324 = tpu.unpack_subelements %parallel_loop3A_322, 1 {pack_format = #tpu.pack_format<interleaved>} : vector<32xbf16> -> vector<16xf32>
          %parallel_loop3A_325 = arith.mulf %parallel_loop3A_223, %parallel_loop3A_323 : vector<16xf32>
          %parallel_loop3A_326 = arith.constant 0 : i32
          %parallel_loop3A_327 = arith.constant 0 : i32
          %parallel_loop3A_328 = tpu.memref_slice %arg14[%parallel_loop3A_101, %parallel_loop3A_326, %parallel_loop3A_327] : memref<2x125x80xf32, #tpu.memory_space<vmem>> -> memref<1x125x80xf32, #tpu.memory_space<vmem>>
          %parallel_loop3A_329 = tpu.memref_squeeze %parallel_loop3A_328 : memref<1x125x80xf32, #tpu.memory_space<vmem>> -> memref<125x80xf32, #tpu.memory_space<vmem>>
          %parallel_loop3A_330 = arith.index_cast %parallel_loop3A_171 : i32 to index
          %parallel_loop3A_331 = arith.constant 0 : index
          %parallel_loop3A_332 = tpu.vector_load %parallel_loop3A_329[%parallel_loop3A_330, %parallel_loop3A_331] {strides = array<i32>} : memref<125x80xf32, #tpu.memory_space<vmem>>, vector<16xf32>,
          tpu.vector_store %parallel_loop3A_329[%parallel_loop3A_330, %parallel_loop3A_331], %parallel_loop3A_325 {strides = array<i32>} : memref<125x80xf32, #tpu.memory_space<vmem>>, vector<16xf32>,
          %parallel_loop3A_333 = arith.mulf %parallel_loop3A_223, %parallel_loop3A_324 : vector<16xf32>
          %parallel_loop3A_334 = arith.constant 0 : i32
          %parallel_loop3A_335 = arith.constant 0 : i32
          %parallel_loop3A_336 = tpu.memref_slice %arg14[%parallel_loop3A_101, %parallel_loop3A_334, %parallel_loop3A_335] : memref<2x125x80xf32, #tpu.memory_space<vmem>> -> memref<1x125x80xf32, #tpu.memory_space<vmem>>
          %parallel_loop3A_337 = tpu.memref_squeeze %parallel_loop3A_336 : memref<1x125x80xf32, #tpu.memory_space<vmem>> -> memref<125x80xf32, #tpu.memory_space<vmem>>
          %parallel_loop3A_338 = arith.index_cast %parallel_loop3A_171 : i32 to index
          %parallel_loop3A_339 = arith.constant 16 : index
          %parallel_loop3A_340 = tpu.vector_load %parallel_loop3A_337[%parallel_loop3A_338, %parallel_loop3A_339] {strides = array<i32>} : memref<125x80xf32, #tpu.memory_space<vmem>>, vector<16xf32>,
          tpu.vector_store %parallel_loop3A_337[%parallel_loop3A_338, %parallel_loop3A_339], %parallel_loop3A_333 {strides = array<i32>} : memref<125x80xf32, #tpu.memory_space<vmem>>, vector<16xf32>,
          %parallel_loop3A_341 = arith.constant 0 : i32
          %parallel_loop3A_342 = arith.constant 0 : i32
          %parallel_loop3A_343 = tpu.memref_slice %arg12[%parallel_loop3A_100, %parallel_loop3A_341, %parallel_loop3A_342] : memref<2x125x128xbf16, #tpu.memory_space<vmem>> -> memref<1x125x128xbf16, #tpu.memory_space<vmem>>
          %parallel_loop3A_344 = tpu.memref_squeeze %parallel_loop3A_343 : memref<1x125x128xbf16, #tpu.memory_space<vmem>> -> memref<125x128xbf16, #tpu.memory_space<vmem>>
          %parallel_loop3A_345 = arith.index_cast %parallel_loop3A_171 : i32 to index
          %parallel_loop3A_346 = arith.constant 96 : index
          %parallel_loop3A_347 = tpu.vector_load %parallel_loop3A_344[%parallel_loop3A_345, %parallel_loop3A_346] {strides = array<i32>} : memref<125x128xbf16, #tpu.memory_space<vmem>>, vector<32xbf16>,
          %parallel_loop3A_348 = tpu.unpack_subelements %parallel_loop3A_347, 0 {pack_format = #tpu.pack_format<interleaved>} : vector<32xbf16> -> vector<16xf32>
          %parallel_loop3A_349 = tpu.unpack_subelements %parallel_loop3A_347, 1 {pack_format = #tpu.pack_format<interleaved>} : vector<32xbf16> -> vector<16xf32>
          %parallel_loop3A_350 = arith.mulf %parallel_loop3A_275, %parallel_loop3A_348 : vector<16xf32>
          %parallel_loop3A_351 = arith.constant 0 : i32
          %parallel_loop3A_352 = arith.constant 0 : i32
          %parallel_loop3A_353 = tpu.memref_slice %arg14[%parallel_loop3A_101, %parallel_loop3A_351, %parallel_loop3A_352] : memref<2x125x80xf32, #tpu.memory_space<vmem>> -> memref<1x125x80xf32, #tpu.memory_space<vmem>>
          %parallel_loop3A_354 = tpu.memref_squeeze %parallel_loop3A_353 : memref<1x125x80xf32, #tpu.memory_space<vmem>> -> memref<125x80xf32, #tpu.memory_space<vmem>>
          %parallel_loop3A_355 = arith.index_cast %parallel_loop3A_171 : i32 to index
          %parallel_loop3A_356 = arith.constant 32 : index
          %parallel_loop3A_357 = tpu.vector_load %parallel_loop3A_354[%parallel_loop3A_355, %parallel_loop3A_356] {strides = array<i32>} : memref<125x80xf32, #tpu.memory_space<vmem>>, vector<16xf32>,
          tpu.vector_store %parallel_loop3A_354[%parallel_loop3A_355, %parallel_loop3A_356], %parallel_loop3A_350 {strides = array<i32>} : memref<125x80xf32, #tpu.memory_space<vmem>>, vector<16xf32>,
          %parallel_loop3A_358 = arith.mulf %parallel_loop3A_275, %parallel_loop3A_349 : vector<16xf32>
          %parallel_loop3A_359 = arith.constant 0 : i32
          %parallel_loop3A_360 = arith.constant 0 : i32
          %parallel_loop3A_361 = tpu.memref_slice %arg14[%parallel_loop3A_101, %parallel_loop3A_359, %parallel_loop3A_360] : memref<2x125x80xf32, #tpu.memory_space<vmem>> -> memref<1x125x80xf32, #tpu.memory_space<vmem>>
          %parallel_loop3A_362 = tpu.memref_squeeze %parallel_loop3A_361 : memref<1x125x80xf32, #tpu.memory_space<vmem>> -> memref<125x80xf32, #tpu.memory_space<vmem>>
          %parallel_loop3A_363 = arith.index_cast %parallel_loop3A_171 : i32 to index
          %parallel_loop3A_364 = arith.constant 48 : index
          %parallel_loop3A_365 = tpu.vector_load %parallel_loop3A_362[%parallel_loop3A_363, %parallel_loop3A_364] {strides = array<i32>} : memref<125x80xf32, #tpu.memory_space<vmem>>, vector<16xf32>,
          tpu.vector_store %parallel_loop3A_362[%parallel_loop3A_363, %parallel_loop3A_364], %parallel_loop3A_358 {strides = array<i32>} : memref<125x80xf32, #tpu.memory_space<vmem>>, vector<16xf32>,
        } {sc.loop_unroll_factor = 4 : i64, sc.parallel_access}
        %dma_start3A = arith.constant 0 : i32
        %dma_start3A_102 = arith.constant 0 : i32
        %dma_start3A_103 = arith.constant 0 : i32
        %dma_start3A_104 = tpu.memref_slice %arg14[%dma_start3A, %dma_start3A_102, %dma_start3A_103] : memref<2x125x80xf32, #tpu.memory_space<vmem>> -> memref<1x125x80xf32, #tpu.memory_space<vmem>>
        %dma_start3A_105 = tpu.memref_squeeze %dma_start3A_104 : memref<1x125x80xf32, #tpu.memory_space<vmem>> -> memref<125x80xf32, #tpu.memory_space<vmem>>
        %dma_start3A_106 = arith.constant 0 : i32
        %dma_start3A_107 = tpu.memref_slice %arg11[%add3A_70, %dma_start3A_106] : memref<80x125xi32, #tpu.memory_space<vmem>> -> memref<1x125xi32, #tpu.memory_space<vmem>>
        %dma_start3A_108 = tpu.memref_squeeze %dma_start3A_107 : memref<1x125xi32, #tpu.memory_space<vmem>> -> memref<125xi32, #tpu.memory_space<vmem>>
        %dma_start3A_109 = arith.constant 0 : i32
        %dma_start3A_110 = arith.constant 0 : i32
        %dma_start3A_111 = tpu.memref_slice %arg15[%dma_start3A_109, %dma_start3A_110] : memref<10112x80xf32, #tpu.memory_space<vmem_shared>> -> memref<10112x80xf32, #tpu.memory_space<vmem_shared>>
        tpu.enqueue_indirect_dma source(%dma_start3A_105 : memref<125x80xf32, #tpu.memory_space<vmem>>) target(%dma_start3A_111 : memref<10112x80xf32, #tpu.memory_space<vmem_shared>>) offsets(%dma_start3A_108 : memref<125xi32, #tpu.memory_space<vmem>>) semaphore(%arg18 : memref<!tpu.dma_semaphore, #tpu.memory_space<semaphore_mem>>) {add = true}
        %add3A_112 = arith.constant 2 : i32
        %add3A_113 = arith.addi %add3A_70, %add3A_112 : i32
        %lt3A = arith.constant 80 : i32
        %lt3A_114 = arith.cmpi slt, %add3A_113, %lt3A : i32
        %convert_element_type3A_115 = arith.extui %lt3A_114 : i1 to i32
        %cond3A_116 = arith.constant 0 : i32
        %cond3A_117 = arith.cmpi ne, %convert_element_type3A_115, %cond3A_116 : i32
        scf.if %cond3A_117 {
          %add3A_171 = arith.constant 2 : i32
          %add3A_172 = arith.addi %add3A_70, %add3A_171 : i32
          %eq3A_173 = arith.constant 0 : i32
          %eq3A_174 = arith.cmpi eq, %arg0, %eq3A_173 : i32
          %convert_element_type3A_175 = arith.extui %eq3A_174 : i1 to i32
          %cond3A_176 = arith.constant 0 : i32
          %cond3A_177 = arith.cmpi ne, %convert_element_type3A_175, %cond3A_176 : i32
          scf.if %cond3A_177 {
            %dma_start3A_183 = arith.constant 0 : i32
            %dma_start3A_184 = arith.constant 0 : i32
            %dma_start3A_185 = arith.constant 0 : i32
            %dma_start3A_186 = tpu.memref_slice %arg12[%dma_start3A_183, %dma_start3A_184, %dma_start3A_185] : memref<2x125x128xbf16, #tpu.memory_space<vmem>> -> memref<1x125x128xbf16, #tpu.memory_space<vmem>>
            %dma_start3A_187 = tpu.memref_squeeze %dma_start3A_186 : memref<1x125x128xbf16, #tpu.memory_space<vmem>> -> memref<125x128xbf16, #tpu.memory_space<vmem>>
            %dma_start3A_188 = arith.constant 0 : i32
            %dma_start3A_189 = tpu.memref_slice %arg10[%add3A_172, %dma_start3A_188] : memref<80x125xi32, #tpu.memory_space<vmem>> -> memref<1x125xi32, #tpu.memory_space<vmem>>
            %dma_start3A_190 = tpu.memref_squeeze %dma_start3A_189 : memref<1x125xi32, #tpu.memory_space<vmem>> -> memref<125xi32, #tpu.memory_space<vmem>>
            %dma_start3A_191 = arith.constant 0 : i32
            %dma_start3A_192 = arith.constant 0 : i32
            %dma_start3A_193 = tpu.memref_slice %arg2[%dma_start3A_191, %dma_start3A_192] : memref<10000x128xbf16, #tpu.memory_space<hbm>> -> memref<10000x128xbf16, #tpu.memory_space<hbm>>
            tpu.enqueue_indirect_dma source(%dma_start3A_193 : memref<10000x128xbf16, #tpu.memory_space<hbm>>) target(%dma_start3A_187 : memref<125x128xbf16, #tpu.memory_space<vmem>>) offsets(%dma_start3A_190 : memref<125xi32, #tpu.memory_space<vmem>>) semaphore(%arg16 : memref<!tpu.dma_semaphore, #tpu.memory_space<semaphore_mem>>)
            %dma_start3A_194 = arith.constant 0 : i32
            %dma_start3A_195 = arith.constant 0 : i32
            %dma_start3A_196 = arith.constant 0 : i32
            %dma_start3A_197 = tpu.memref_slice %arg13[%dma_start3A_194, %dma_start3A_195, %dma_start3A_196] : memref<2x125x64xbf16, #tpu.memory_space<vmem>> -> memref<1x125x64xbf16, #tpu.memory_space<vmem>>
            %dma_start3A_198 = tpu.memref_squeeze %dma_start3A_197 : memref<1x125x64xbf16, #tpu.memory_space<vmem>> -> memref<125x64xbf16, #tpu.memory_space<vmem>>
            %dma_start3A_199 = arith.constant 0 : i32
            %dma_start3A_200 = tpu.memref_slice %arg11[%add3A_172, %dma_start3A_199] : memref<80x125xi32, #tpu.memory_space<vmem>> -> memref<1x125xi32, #tpu.memory_space<vmem>>
            %dma_start3A_201 = tpu.memref_squeeze %dma_start3A_200 : memref<1x125xi32, #tpu.memory_space<vmem>> -> memref<125xi32, #tpu.memory_space<vmem>>
            %dma_start3A_202 = arith.constant 0 : i32
            %dma_start3A_203 = arith.constant 0 : i32
            %dma_start3A_204 = tpu.memref_slice %arg4[%dma_start3A_202, %dma_start3A_203] : memref<10000x64xbf16, #tpu.memory_space<hbm>> -> memref<10000x64xbf16, #tpu.memory_space<hbm>>
            tpu.enqueue_indirect_dma source(%dma_start3A_204 : memref<10000x64xbf16, #tpu.memory_space<hbm>>) target(%dma_start3A_198 : memref<125x64xbf16, #tpu.memory_space<vmem>>) offsets(%dma_start3A_201 : memref<125xi32, #tpu.memory_space<vmem>>) semaphore(%arg16 : memref<!tpu.dma_semaphore, #tpu.memory_space<semaphore_mem>>)
          } else {
          }
          %eq3A_178 = arith.constant 1 : i32
          %eq3A_179 = arith.cmpi eq, %arg0, %eq3A_178 : i32
          %convert_element_type3A_180 = arith.extui %eq3A_179 : i1 to i32
          %cond3A_181 = arith.constant 0 : i32
          %cond3A_182 = arith.cmpi ne, %convert_element_type3A_180, %cond3A_181 : i32
          scf.if %cond3A_182 {
            %dma_start3A_183 = arith.constant 0 : i32
            %dma_start3A_184 = arith.constant 0 : i32
            %dma_start3A_185 = arith.constant 0 : i32
            %dma_start3A_186 = tpu.memref_slice %arg12[%dma_start3A_183, %dma_start3A_184, %dma_start3A_185] : memref<2x125x128xbf16, #tpu.memory_space<vmem>> -> memref<1x125x128xbf16, #tpu.memory_space<vmem>>
            %dma_start3A_187 = tpu.memref_squeeze %dma_start3A_186 : memref<1x125x128xbf16, #tpu.memory_space<vmem>> -> memref<125x128xbf16, #tpu.memory_space<vmem>>
            %dma_start3A_188 = arith.constant 0 : i32
            %dma_start3A_189 = tpu.memref_slice %arg10[%add3A_172, %dma_start3A_188] : memref<80x125xi32, #tpu.memory_space<vmem>> -> memref<1x125xi32, #tpu.memory_space<vmem>>
            %dma_start3A_190 = tpu.memref_squeeze %dma_start3A_189 : memref<1x125xi32, #tpu.memory_space<vmem>> -> memref<125xi32, #tpu.memory_space<vmem>>
            %dma_start3A_191 = arith.constant 0 : i32
            %dma_start3A_192 = arith.constant 0 : i32
            %dma_start3A_193 = tpu.memref_slice %arg3[%dma_start3A_191, %dma_start3A_192] : memref<10000x128xbf16, #tpu.memory_space<hbm>> -> memref<10000x128xbf16, #tpu.memory_space<hbm>>
            tpu.enqueue_indirect_dma source(%dma_start3A_193 : memref<10000x128xbf16, #tpu.memory_space<hbm>>) target(%dma_start3A_187 : memref<125x128xbf16, #tpu.memory_space<vmem>>) offsets(%dma_start3A_190 : memref<125xi32, #tpu.memory_space<vmem>>) semaphore(%arg16 : memref<!tpu.dma_semaphore, #tpu.memory_space<semaphore_mem>>)
            %dma_start3A_194 = arith.constant 0 : i32
            %dma_start3A_195 = arith.constant 0 : i32
            %dma_start3A_196 = arith.constant 0 : i32
            %dma_start3A_197 = tpu.memref_slice %arg13[%dma_start3A_194, %dma_start3A_195, %dma_start3A_196] : memref<2x125x64xbf16, #tpu.memory_space<vmem>> -> memref<1x125x64xbf16, #tpu.memory_space<vmem>>
            %dma_start3A_198 = tpu.memref_squeeze %dma_start3A_197 : memref<1x125x64xbf16, #tpu.memory_space<vmem>> -> memref<125x64xbf16, #tpu.memory_space<vmem>>
            %dma_start3A_199 = arith.constant 0 : i32
            %dma_start3A_200 = tpu.memref_slice %arg11[%add3A_172, %dma_start3A_199] : memref<80x125xi32, #tpu.memory_space<vmem>> -> memref<1x125xi32, #tpu.memory_space<vmem>>
            %dma_start3A_201 = tpu.memref_squeeze %dma_start3A_200 : memref<1x125xi32, #tpu.memory_space<vmem>> -> memref<125xi32, #tpu.memory_space<vmem>>
            %dma_start3A_202 = arith.constant 0 : i32
            %dma_start3A_203 = arith.constant 0 : i32
            %dma_start3A_204 = tpu.memref_slice %arg5[%dma_start3A_202, %dma_start3A_203] : memref<10000x64xbf16, #tpu.memory_space<hbm>> -> memref<10000x64xbf16, #tpu.memory_space<hbm>>
            tpu.enqueue_indirect_dma source(%dma_start3A_204 : memref<10000x64xbf16, #tpu.memory_space<hbm>>) target(%dma_start3A_198 : memref<125x64xbf16, #tpu.memory_space<vmem>>) offsets(%dma_start3A_201 : memref<125xi32, #tpu.memory_space<vmem>>) semaphore(%arg16 : memref<!tpu.dma_semaphore, #tpu.memory_space<semaphore_mem>>)
          } else {
          }
        } else {
        }
        %add3A_118 = arith.constant 1 : i32
        %add3A_119 = arith.addi %mul3A_69, %add3A_118 : i32
        %dma_wait3A_120 = arith.constant 1 : i32
        %dma_wait3A_121 = arith.constant 0 : i32
        %dma_wait3A_122 = arith.constant 0 : i32
        %dma_wait3A_123 = tpu.memref_slice %arg12[%dma_wait3A_120, %dma_wait3A_121, %dma_wait3A_122] : memref<2x125x128xbf16, #tpu.memory_space<vmem>> -> memref<1x125x128xbf16, #tpu.memory_space<vmem>>
        %dma_wait3A_124 = tpu.memref_squeeze %dma_wait3A_123 : memref<1x125x128xbf16, #tpu.memory_space<vmem>> -> memref<125x128xbf16, #tpu.memory_space<vmem>>
        %dma_wait3A_125 = arith.constant 0 : i32
        %dma_wait3A_126 = tpu.memref_slice %arg10[%add3A_119, %dma_wait3A_125] : memref<80x125xi32, #tpu.memory_space<vmem>> -> memref<1x125xi32, #tpu.memory_space<vmem>>
        %dma_wait3A_127 = tpu.memref_squeeze %dma_wait3A_126 : memref<1x125xi32, #tpu.memory_space<vmem>> -> memref<125xi32, #tpu.memory_space<vmem>>
        %dma_wait3A_128 = arith.constant 0 : i32
        %dma_wait3A_129 = arith.constant 0 : i32
        %dma_wait3A_130 = tpu.memref_slice %arg2[%dma_wait3A_128, %dma_wait3A_129] : memref<10000x128xbf16, #tpu.memory_space<hbm>> -> memref<10000x128xbf16, #tpu.memory_space<hbm>>
        tpu.wait_indirect_dma semaphore(%arg17 : memref<!tpu.dma_semaphore, #tpu.memory_space<semaphore_mem>>) src(%dma_wait3A_130 : memref<10000x128xbf16, #tpu.memory_space<hbm>>) dst(%dma_wait3A_124 : memref<125x128xbf16, #tpu.memory_space<vmem>>)
        %dma_wait3A_131 = arith.constant 1 : i32
        %dma_wait3A_132 = arith.constant 0 : i32
        %dma_wait3A_133 = arith.constant 0 : i32
        %dma_wait3A_134 = tpu.memref_slice %arg13[%dma_wait3A_131, %dma_wait3A_132, %dma_wait3A_133] : memref<2x125x64xbf16, #tpu.memory_space<vmem>> -> memref<1x125x64xbf16, #tpu.memory_space<vmem>>
        %dma_wait3A_135 = tpu.memref_squeeze %dma_wait3A_134 : memref<1x125x64xbf16, #tpu.memory_space<vmem>> -> memref<125x64xbf16, #tpu.memory_space<vmem>>
        %dma_wait3A_136 = arith.constant 0 : i32
        %dma_wait3A_137 = tpu.memref_slice %arg11[%add3A_119, %dma_wait3A_136] : memref<80x125xi32, #tpu.memory_space<vmem>> -> memref<1x125xi32, #tpu.memory_space<vmem>>
        %dma_wait3A_138 = tpu.memref_squeeze %dma_wait3A_137 : memref<1x125xi32, #tpu.memory_space<vmem>> -> memref<125xi32, #tpu.memory_space<vmem>>
        %dma_wait3A_139 = arith.constant 0 : i32
        %dma_wait3A_140 = arith.constant 0 : i32
        %dma_wait3A_141 = tpu.memref_slice %arg4[%dma_wait3A_139, %dma_wait3A_140] : memref<10000x64xbf16, #tpu.memory_space<hbm>> -> memref<10000x64xbf16, #tpu.memory_space<hbm>>
        tpu.wait_indirect_dma semaphore(%arg17 : memref<!tpu.dma_semaphore, #tpu.memory_space<semaphore_mem>>) src(%dma_wait3A_141 : memref<10000x64xbf16, #tpu.memory_space<hbm>>) dst(%dma_wait3A_135 : memref<125x64xbf16, #tpu.memory_space<vmem>>)
        %ge3A_142 = arith.constant 2 : i32
        %ge3A_143 = arith.cmpi sge, %add3A_119, %ge3A_142 : i32
        %convert_element_type3A_144 = arith.extui %ge3A_143 : i1 to i32
        %cond3A_145 = arith.constant 0 : i32
        %cond3A_146 = arith.cmpi ne, %convert_element_type3A_144, %cond3A_145 : i32
        scf.if %cond3A_146 {
          %sub3A = arith.constant 2 : i32
          %sub3A_171 = arith.subi %add3A_119, %sub3A : i32
          %dma_wait3A_172 = arith.constant 1 : i32
          %dma_wait3A_173 = arith.constant 0 : i32
          %dma_wait3A_174 = arith.constant 0 : i32
          %dma_wait3A_175 = tpu.memref_slice %arg14[%dma_wait3A_172, %dma_wait3A_173, %dma_wait3A_174] : memref<2x125x80xf32, #tpu.memory_space<vmem>> -> memref<1x125x80xf32, #tpu.memory_space<vmem>>
          %dma_wait3A_176 = tpu.memref_squeeze %dma_wait3A_175 : memref<1x125x80xf32, #tpu.memory_space<vmem>> -> memref<125x80xf32, #tpu.memory_space<vmem>>
          %dma_wait3A_177 = arith.constant 0 : i32
          %dma_wait3A_178 = tpu.memref_slice %arg11[%sub3A_171, %dma_wait3A_177] : memref<80x125xi32, #tpu.memory_space<vmem>> -> memref<1x125xi32, #tpu.memory_space<vmem>>
          %dma_wait3A_179 = tpu.memref_squeeze %dma_wait3A_178 : memref<1x125xi32, #tpu.memory_space<vmem>> -> memref<125xi32, #tpu.memory_space<vmem>>
          %dma_wait3A_180 = arith.constant 0 : i32
          %dma_wait3A_181 = arith.constant 0 : i32
          %dma_wait3A_182 = tpu.memref_slice %arg15[%dma_wait3A_180, %dma_wait3A_181] : memref<10112x80xf32, #tpu.memory_space<vmem_shared>> -> memref<10112x80xf32, #tpu.memory_space<vmem_shared>>
          tpu.wait_indirect_dma semaphore(%arg19 : memref<!tpu.dma_semaphore, #tpu.memory_space<semaphore_mem>>) src(%dma_wait3A_176 : memref<125x80xf32, #tpu.memory_space<vmem>>) dst(%dma_wait3A_182 : memref<10112x80xf32, #tpu.memory_space<vmem_shared>>)
        } else {
        }
        %parallel_loop3A_147 = arith.constant 0 : i32
        %parallel_loop3A_148 = arith.constant 125 : i32
        %parallel_loop3A_149 = arith.constant 1 : i32
        %parallel_loop3A_150 = arith.constant 1 : i32
        %parallel_loop3A_151 = arith.constant 1 : i32
        %parallel_loop3A_152 = arith.constant 1 : i32
        scf.for %parallel_loop3A_171 = %parallel_loop3A_147 to %parallel_loop3A_148 step %parallel_loop3A_149  : i32 {
          %parallel_loop3A_172 = arith.constant 0 : i32
          %parallel_loop3A_173 = arith.constant 0 : i32
          %parallel_loop3A_174 = tpu.memref_slice %arg13[%parallel_loop3A_150, %parallel_loop3A_172, %parallel_loop3A_173] : memref<2x125x64xbf16, #tpu.memory_space<vmem>> -> memref<1x125x64xbf16, #tpu.memory_space<vmem>>
          %parallel_loop3A_175 = tpu.memref_squeeze %parallel_loop3A_174 : memref<1x125x64xbf16, #tpu.memory_space<vmem>> -> memref<125x64xbf16, #tpu.memory_space<vmem>>
          %parallel_loop3A_176 = arith.index_cast %parallel_loop3A_171 : i32 to index
          %parallel_loop3A_177 = arith.constant 0 : index
          %parallel_loop3A_178 = tpu.vector_load %parallel_loop3A_175[%parallel_loop3A_176, %parallel_loop3A_177] {strides = array<i32>} : memref<125x64xbf16, #tpu.memory_space<vmem>>, vector<32xbf16>,
          %parallel_loop3A_179 = arith.constant 0 : i32
          %parallel_loop3A_180 = arith.constant 0 : i32
          %parallel_loop3A_181 = tpu.memref_slice %arg12[%parallel_loop3A_151, %parallel_loop3A_179, %parallel_loop3A_180] : memref<2x125x128xbf16, #tpu.memory_space<vmem>> -> memref<1x125x128xbf16, #tpu.memory_space<vmem>>
          %parallel_loop3A_182 = tpu.memref_squeeze %parallel_loop3A_181 : memref<1x125x128xbf16, #tpu.memory_space<vmem>> -> memref<125x128xbf16, #tpu.memory_space<vmem>>
          %parallel_loop3A_183 = arith.index_cast %parallel_loop3A_171 : i32 to index
          %parallel_loop3A_184 = arith.constant 0 : index
          %parallel_loop3A_185 = tpu.vector_load %parallel_loop3A_182[%parallel_loop3A_183, %parallel_loop3A_184] {strides = array<i32>} : memref<125x128xbf16, #tpu.memory_space<vmem>>, vector<32xbf16>,
          %parallel_loop3A_186 = arith.mulf %parallel_loop3A_178, %parallel_loop3A_185 : vector<32xbf16>
          %parallel_loop3A_187 = tpu.unpack_subelements %parallel_loop3A_186, 0 {pack_format = #tpu.pack_format<interleaved>} : vector<32xbf16> -> vector<16xf32>
          %parallel_loop3A_188 = tpu.unpack_subelements %parallel_loop3A_186, 1 {pack_format = #tpu.pack_format<interleaved>} : vector<32xbf16> -> vector<16xf32>
          %parallel_loop3A_189 = arith.addf %parallel_loop3A_187, %parallel_loop3A_188 : vector<16xf32>
          %parallel_loop3A_190 = arith.constant 0 : i32
          %parallel_loop3A_191 = vector.broadcast %parallel_loop3A_190 : i32 to vector<16xi32>
          %parallel_loop3A_192 = arith.cmpi slt, %xor3A_2, %parallel_loop3A_191 : vector<16xi32>
          %parallel_loop3A_193 = arith.constant 16 : i32
          %parallel_loop3A_194 = vector.broadcast %parallel_loop3A_193 : i32 to vector<16xi32>
          %parallel_loop3A_195 = arith.addi %xor3A_2, %parallel_loop3A_194 : vector<16xi32>
          %parallel_loop3A_196 = arith.select %parallel_loop3A_192, %parallel_loop3A_195, %xor3A_2 : vector<16xi1>, vector<16xi32>
          %parallel_loop3A_197 = vector.shape_cast %parallel_loop3A_196 : vector<16xi32> to vector<16x1xi32>
          %parallel_loop3A_198 = vector.shape_cast %parallel_loop3A_197 : vector<16x1xi32> to vector<16xi32>
          %parallel_loop3A_199 = tpu.dynamic_gather %parallel_loop3A_189[%parallel_loop3A_198] in [0] : vector<16xf32>, vector<16xi32> -> vector<16xf32>
          %parallel_loop3A_200 = arith.addf %parallel_loop3A_189, %parallel_loop3A_199 : vector<16xf32>
          %parallel_loop3A_201 = arith.constant 0 : i32
          %parallel_loop3A_202 = vector.broadcast %parallel_loop3A_201 : i32 to vector<16xi32>
          %parallel_loop3A_203 = arith.cmpi slt, %xor3A_5, %parallel_loop3A_202 : vector<16xi32>
          %parallel_loop3A_204 = arith.constant 16 : i32
          %parallel_loop3A_205 = vector.broadcast %parallel_loop3A_204 : i32 to vector<16xi32>
          %parallel_loop3A_206 = arith.addi %xor3A_5, %parallel_loop3A_205 : vector<16xi32>
          %parallel_loop3A_207 = arith.select %parallel_loop3A_203, %parallel_loop3A_206, %xor3A_5 : vector<16xi1>, vector<16xi32>
          %parallel_loop3A_208 = vector.shape_cast %parallel_loop3A_207 : vector<16xi32> to vector<16x1xi32>
          %parallel_loop3A_209 = vector.shape_cast %parallel_loop3A_208 : vector<16x1xi32> to vector<16xi32>
          %parallel_loop3A_210 = tpu.dynamic_gather %parallel_loop3A_200[%parallel_loop3A_209] in [0] : vector<16xf32>, vector<16xi32> -> vector<16xf32>
          %parallel_loop3A_211 = arith.addf %parallel_loop3A_200, %parallel_loop3A_210 : vector<16xf32>
          %parallel_loop3A_212 = arith.constant 0 : i32
          %parallel_loop3A_213 = vector.broadcast %parallel_loop3A_212 : i32 to vector<16xi32>
          %parallel_loop3A_214 = arith.cmpi slt, %xor3A_8, %parallel_loop3A_213 : vector<16xi32>
          %parallel_loop3A_215 = arith.constant 16 : i32
          %parallel_loop3A_216 = vector.broadcast %parallel_loop3A_215 : i32 to vector<16xi32>
          %parallel_loop3A_217 = arith.addi %xor3A_8, %parallel_loop3A_216 : vector<16xi32>
          %parallel_loop3A_218 = arith.select %parallel_loop3A_214, %parallel_loop3A_217, %xor3A_8 : vector<16xi1>, vector<16xi32>
          %parallel_loop3A_219 = vector.shape_cast %parallel_loop3A_218 : vector<16xi32> to vector<16x1xi32>
          %parallel_loop3A_220 = vector.shape_cast %parallel_loop3A_219 : vector<16x1xi32> to vector<16xi32>
          %parallel_loop3A_221 = tpu.dynamic_gather %parallel_loop3A_211[%parallel_loop3A_220] in [0] : vector<16xf32>, vector<16xi32> -> vector<16xf32>
          %parallel_loop3A_222 = arith.addf %parallel_loop3A_211, %parallel_loop3A_221 : vector<16xf32>
          %parallel_loop3A_223 = math.exp %parallel_loop3A_222 : vector<16xf32>
          %parallel_loop3A_224 = arith.constant 0 : i32
          %parallel_loop3A_225 = arith.constant 0 : i32
          %parallel_loop3A_226 = tpu.memref_slice %arg13[%parallel_loop3A_150, %parallel_loop3A_224, %parallel_loop3A_225] : memref<2x125x64xbf16, #tpu.memory_space<vmem>> -> memref<1x125x64xbf16, #tpu.memory_space<vmem>>
          %parallel_loop3A_227 = tpu.memref_squeeze %parallel_loop3A_226 : memref<1x125x64xbf16, #tpu.memory_space<vmem>> -> memref<125x64xbf16, #tpu.memory_space<vmem>>
          %parallel_loop3A_228 = arith.index_cast %parallel_loop3A_171 : i32 to index
          %parallel_loop3A_229 = arith.constant 32 : index
          %parallel_loop3A_230 = tpu.vector_load %parallel_loop3A_227[%parallel_loop3A_228, %parallel_loop3A_229] {strides = array<i32>} : memref<125x64xbf16, #tpu.memory_space<vmem>>, vector<32xbf16>,
          %parallel_loop3A_231 = arith.constant 0 : i32
          %parallel_loop3A_232 = arith.constant 0 : i32
          %parallel_loop3A_233 = tpu.memref_slice %arg12[%parallel_loop3A_151, %parallel_loop3A_231, %parallel_loop3A_232] : memref<2x125x128xbf16, #tpu.memory_space<vmem>> -> memref<1x125x128xbf16, #tpu.memory_space<vmem>>
          %parallel_loop3A_234 = tpu.memref_squeeze %parallel_loop3A_233 : memref<1x125x128xbf16, #tpu.memory_space<vmem>> -> memref<125x128xbf16, #tpu.memory_space<vmem>>
          %parallel_loop3A_235 = arith.index_cast %parallel_loop3A_171 : i32 to index
          %parallel_loop3A_236 = arith.constant 32 : index
          %parallel_loop3A_237 = tpu.vector_load %parallel_loop3A_234[%parallel_loop3A_235, %parallel_loop3A_236] {strides = array<i32>} : memref<125x128xbf16, #tpu.memory_space<vmem>>, vector<32xbf16>,
          %parallel_loop3A_238 = arith.mulf %parallel_loop3A_230, %parallel_loop3A_237 : vector<32xbf16>
          %parallel_loop3A_239 = tpu.unpack_subelements %parallel_loop3A_238, 0 {pack_format = #tpu.pack_format<interleaved>} : vector<32xbf16> -> vector<16xf32>
          %parallel_loop3A_240 = tpu.unpack_subelements %parallel_loop3A_238, 1 {pack_format = #tpu.pack_format<interleaved>} : vector<32xbf16> -> vector<16xf32>
          %parallel_loop3A_241 = arith.addf %parallel_loop3A_239, %parallel_loop3A_240 : vector<16xf32>
          %parallel_loop3A_242 = arith.constant 0 : i32
          %parallel_loop3A_243 = vector.broadcast %parallel_loop3A_242 : i32 to vector<16xi32>
          %parallel_loop3A_244 = arith.cmpi slt, %xor3A_2, %parallel_loop3A_243 : vector<16xi32>
          %parallel_loop3A_245 = arith.constant 16 : i32
          %parallel_loop3A_246 = vector.broadcast %parallel_loop3A_245 : i32 to vector<16xi32>
          %parallel_loop3A_247 = arith.addi %xor3A_2, %parallel_loop3A_246 : vector<16xi32>
          %parallel_loop3A_248 = arith.select %parallel_loop3A_244, %parallel_loop3A_247, %xor3A_2 : vector<16xi1>, vector<16xi32>
          %parallel_loop3A_249 = vector.shape_cast %parallel_loop3A_248 : vector<16xi32> to vector<16x1xi32>
          %parallel_loop3A_250 = vector.shape_cast %parallel_loop3A_249 : vector<16x1xi32> to vector<16xi32>
          %parallel_loop3A_251 = tpu.dynamic_gather %parallel_loop3A_241[%parallel_loop3A_250] in [0] : vector<16xf32>, vector<16xi32> -> vector<16xf32>
          %parallel_loop3A_252 = arith.addf %parallel_loop3A_241, %parallel_loop3A_251 : vector<16xf32>
          %parallel_loop3A_253 = arith.constant 0 : i32
          %parallel_loop3A_254 = vector.broadcast %parallel_loop3A_253 : i32 to vector<16xi32>
          %parallel_loop3A_255 = arith.cmpi slt, %xor3A_5, %parallel_loop3A_254 : vector<16xi32>
          %parallel_loop3A_256 = arith.constant 16 : i32
          %parallel_loop3A_257 = vector.broadcast %parallel_loop3A_256 : i32 to vector<16xi32>
          %parallel_loop3A_258 = arith.addi %xor3A_5, %parallel_loop3A_257 : vector<16xi32>
          %parallel_loop3A_259 = arith.select %parallel_loop3A_255, %parallel_loop3A_258, %xor3A_5 : vector<16xi1>, vector<16xi32>
          %parallel_loop3A_260 = vector.shape_cast %parallel_loop3A_259 : vector<16xi32> to vector<16x1xi32>
          %parallel_loop3A_261 = vector.shape_cast %parallel_loop3A_260 : vector<16x1xi32> to vector<16xi32>
          %parallel_loop3A_262 = tpu.dynamic_gather %parallel_loop3A_252[%parallel_loop3A_261] in [0] : vector<16xf32>, vector<16xi32> -> vector<16xf32>
          %parallel_loop3A_263 = arith.addf %parallel_loop3A_252, %parallel_loop3A_262 : vector<16xf32>
          %parallel_loop3A_264 = arith.constant 0 : i32
          %parallel_loop3A_265 = vector.broadcast %parallel_loop3A_264 : i32 to vector<16xi32>
          %parallel_loop3A_266 = arith.cmpi slt, %xor3A_8, %parallel_loop3A_265 : vector<16xi32>
          %parallel_loop3A_267 = arith.constant 16 : i32
          %parallel_loop3A_268 = vector.broadcast %parallel_loop3A_267 : i32 to vector<16xi32>
          %parallel_loop3A_269 = arith.addi %xor3A_8, %parallel_loop3A_268 : vector<16xi32>
          %parallel_loop3A_270 = arith.select %parallel_loop3A_266, %parallel_loop3A_269, %xor3A_8 : vector<16xi1>, vector<16xi32>
          %parallel_loop3A_271 = vector.shape_cast %parallel_loop3A_270 : vector<16xi32> to vector<16x1xi32>
          %parallel_loop3A_272 = vector.shape_cast %parallel_loop3A_271 : vector<16x1xi32> to vector<16xi32>
          %parallel_loop3A_273 = tpu.dynamic_gather %parallel_loop3A_263[%parallel_loop3A_272] in [0] : vector<16xf32>, vector<16xi32> -> vector<16xf32>
          %parallel_loop3A_274 = arith.addf %parallel_loop3A_263, %parallel_loop3A_273 : vector<16xf32>
          %parallel_loop3A_275 = math.exp %parallel_loop3A_274 : vector<16xf32>
          %parallel_loop3A_276 = arith.constant 2 : i32
          %parallel_loop3A_277 = vector.broadcast %parallel_loop3A_276 : i32 to vector<16xi32>
          %parallel_loop3A_278 = arith.andi %iota3A, %parallel_loop3A_277 : vector<16xi32>
          %parallel_loop3A_279 = arith.constant 0 : i32
          %parallel_loop3A_280 = vector.broadcast %parallel_loop3A_279 : i32 to vector<16xi32>
          %parallel_loop3A_281 = arith.cmpi eq, %parallel_loop3A_278, %parallel_loop3A_280 : vector<16xi32>
          %parallel_loop3A_282 = arith.constant 0 : i32
          %parallel_loop3A_283 = vector.broadcast %parallel_loop3A_282 : i32 to vector<16xi32>
          %parallel_loop3A_284 = arith.cmpi slt, %mul3A_13, %parallel_loop3A_283 : vector<16xi32>
          %parallel_loop3A_285 = arith.constant 16 : i32
          %parallel_loop3A_286 = vector.broadcast %parallel_loop3A_285 : i32 to vector<16xi32>
          %parallel_loop3A_287 = arith.addi %mul3A_13, %parallel_loop3A_286 : vector<16xi32>
          %parallel_loop3A_288 = arith.select %parallel_loop3A_284, %parallel_loop3A_287, %mul3A_13 : vector<16xi1>, vector<16xi32>
          %parallel_loop3A_289 = vector.shape_cast %parallel_loop3A_288 : vector<16xi32> to vector<16x1xi32>
          %parallel_loop3A_290 = vector.shape_cast %parallel_loop3A_289 : vector<16x1xi32> to vector<16xi32>
          %parallel_loop3A_291 = tpu.dynamic_gather %parallel_loop3A_223[%parallel_loop3A_290] in [0] : vector<16xf32>, vector<16xi32> -> vector<16xf32>
          %parallel_loop3A_292 = arith.constant 0 : i32
          %parallel_loop3A_293 = vector.broadcast %parallel_loop3A_292 : i32 to vector<16xi32>
          %parallel_loop3A_294 = arith.cmpi slt, %mul3A_13, %parallel_loop3A_293 : vector<16xi32>
          %parallel_loop3A_295 = arith.constant 16 : i32
          %parallel_loop3A_296 = vector.broadcast %parallel_loop3A_295 : i32 to vector<16xi32>
          %parallel_loop3A_297 = arith.addi %mul3A_13, %parallel_loop3A_296 : vector<16xi32>
          %parallel_loop3A_298 = arith.select %parallel_loop3A_294, %parallel_loop3A_297, %mul3A_13 : vector<16xi1>, vector<16xi32>
          %parallel_loop3A_299 = vector.shape_cast %parallel_loop3A_298 : vector<16xi32> to vector<16x1xi32>
          %parallel_loop3A_300 = vector.shape_cast %parallel_loop3A_299 : vector<16x1xi32> to vector<16xi32>
          %parallel_loop3A_301 = tpu.dynamic_gather %parallel_loop3A_275[%parallel_loop3A_300] in [0] : vector<16xf32>, vector<16xi32> -> vector<16xf32>
          %parallel_loop3A_302 = arith.select %parallel_loop3A_281, %parallel_loop3A_291, %parallel_loop3A_301 : vector<16xi1>, vector<16xf32>
          %parallel_loop3A_303 = arith.constant 4 : i32
          %parallel_loop3A_304 = vector.broadcast %parallel_loop3A_303 : i32 to vector<16xi32>
          %parallel_loop3A_305 = arith.cmpi slt, %iota3A, %parallel_loop3A_304 : vector<16xi32>
          %parallel_loop3A_306 = arith.constant 0.000000e+00 : f32
          %parallel_loop3A_307 = vector.broadcast %parallel_loop3A_306 : f32 to vector<16xf32>
          %parallel_loop3A_308 = arith.select %parallel_loop3A_305, %parallel_loop3A_302, %parallel_loop3A_307 : vector<16xi1>, vector<16xf32>
          %parallel_loop3A_309 = arith.constant 0 : i32
          %parallel_loop3A_310 = arith.constant 0 : i32
          %parallel_loop3A_311 = tpu.memref_slice %arg14[%parallel_loop3A_152, %parallel_loop3A_309, %parallel_loop3A_310] : memref<2x125x80xf32, #tpu.memory_space<vmem>> -> memref<1x125x80xf32, #tpu.memory_space<vmem>>
          %parallel_loop3A_312 = tpu.memref_squeeze %parallel_loop3A_311 : memref<1x125x80xf32, #tpu.memory_space<vmem>> -> memref<125x80xf32, #tpu.memory_space<vmem>>
          %parallel_loop3A_313 = arith.index_cast %parallel_loop3A_171 : i32 to index
          %parallel_loop3A_314 = arith.constant 64 : index
          %parallel_loop3A_315 = tpu.vector_load %parallel_loop3A_312[%parallel_loop3A_313, %parallel_loop3A_314] {strides = array<i32>} : memref<125x80xf32, #tpu.memory_space<vmem>>, vector<16xf32>,
          tpu.vector_store %parallel_loop3A_312[%parallel_loop3A_313, %parallel_loop3A_314], %parallel_loop3A_308 {strides = array<i32>} : memref<125x80xf32, #tpu.memory_space<vmem>>, vector<16xf32>,
          %parallel_loop3A_316 = arith.constant 0 : i32
          %parallel_loop3A_317 = arith.constant 0 : i32
          %parallel_loop3A_318 = tpu.memref_slice %arg12[%parallel_loop3A_151, %parallel_loop3A_316, %parallel_loop3A_317] : memref<2x125x128xbf16, #tpu.memory_space<vmem>> -> memref<1x125x128xbf16, #tpu.memory_space<vmem>>
          %parallel_loop3A_319 = tpu.memref_squeeze %parallel_loop3A_318 : memref<1x125x128xbf16, #tpu.memory_space<vmem>> -> memref<125x128xbf16, #tpu.memory_space<vmem>>
          %parallel_loop3A_320 = arith.index_cast %parallel_loop3A_171 : i32 to index
          %parallel_loop3A_321 = arith.constant 64 : index
          %parallel_loop3A_322 = tpu.vector_load %parallel_loop3A_319[%parallel_loop3A_320, %parallel_loop3A_321] {strides = array<i32>} : memref<125x128xbf16, #tpu.memory_space<vmem>>, vector<32xbf16>,
          %parallel_loop3A_323 = tpu.unpack_subelements %parallel_loop3A_322, 0 {pack_format = #tpu.pack_format<interleaved>} : vector<32xbf16> -> vector<16xf32>
          %parallel_loop3A_324 = tpu.unpack_subelements %parallel_loop3A_322, 1 {pack_format = #tpu.pack_format<interleaved>} : vector<32xbf16> -> vector<16xf32>
          %parallel_loop3A_325 = arith.mulf %parallel_loop3A_223, %parallel_loop3A_323 : vector<16xf32>
          %parallel_loop3A_326 = arith.constant 0 : i32
          %parallel_loop3A_327 = arith.constant 0 : i32
          %parallel_loop3A_328 = tpu.memref_slice %arg14[%parallel_loop3A_152, %parallel_loop3A_326, %parallel_loop3A_327] : memref<2x125x80xf32, #tpu.memory_space<vmem>> -> memref<1x125x80xf32, #tpu.memory_space<vmem>>
          %parallel_loop3A_329 = tpu.memref_squeeze %parallel_loop3A_328 : memref<1x125x80xf32, #tpu.memory_space<vmem>> -> memref<125x80xf32, #tpu.memory_space<vmem>>
          %parallel_loop3A_330 = arith.index_cast %parallel_loop3A_171 : i32 to index
          %parallel_loop3A_331 = arith.constant 0 : index
          %parallel_loop3A_332 = tpu.vector_load %parallel_loop3A_329[%parallel_loop3A_330, %parallel_loop3A_331] {strides = array<i32>} : memref<125x80xf32, #tpu.memory_space<vmem>>, vector<16xf32>,
          tpu.vector_store %parallel_loop3A_329[%parallel_loop3A_330, %parallel_loop3A_331], %parallel_loop3A_325 {strides = array<i32>} : memref<125x80xf32, #tpu.memory_space<vmem>>, vector<16xf32>,
          %parallel_loop3A_333 = arith.mulf %parallel_loop3A_223, %parallel_loop3A_324 : vector<16xf32>
          %parallel_loop3A_334 = arith.constant 0 : i32
          %parallel_loop3A_335 = arith.constant 0 : i32
          %parallel_loop3A_336 = tpu.memref_slice %arg14[%parallel_loop3A_152, %parallel_loop3A_334, %parallel_loop3A_335] : memref<2x125x80xf32, #tpu.memory_space<vmem>> -> memref<1x125x80xf32, #tpu.memory_space<vmem>>
          %parallel_loop3A_337 = tpu.memref_squeeze %parallel_loop3A_336 : memref<1x125x80xf32, #tpu.memory_space<vmem>> -> memref<125x80xf32, #tpu.memory_space<vmem>>
          %parallel_loop3A_338 = arith.index_cast %parallel_loop3A_171 : i32 to index
          %parallel_loop3A_339 = arith.constant 16 : index
          %parallel_loop3A_340 = tpu.vector_load %parallel_loop3A_337[%parallel_loop3A_338, %parallel_loop3A_339] {strides = array<i32>} : memref<125x80xf32, #tpu.memory_space<vmem>>, vector<16xf32>,
          tpu.vector_store %parallel_loop3A_337[%parallel_loop3A_338, %parallel_loop3A_339], %parallel_loop3A_333 {strides = array<i32>} : memref<125x80xf32, #tpu.memory_space<vmem>>, vector<16xf32>,
          %parallel_loop3A_341 = arith.constant 0 : i32
          %parallel_loop3A_342 = arith.constant 0 : i32
          %parallel_loop3A_343 = tpu.memref_slice %arg12[%parallel_loop3A_151, %parallel_loop3A_341, %parallel_loop3A_342] : memref<2x125x128xbf16, #tpu.memory_space<vmem>> -> memref<1x125x128xbf16, #tpu.memory_space<vmem>>
          %parallel_loop3A_344 = tpu.memref_squeeze %parallel_loop3A_343 : memref<1x125x128xbf16, #tpu.memory_space<vmem>> -> memref<125x128xbf16, #tpu.memory_space<vmem>>
          %parallel_loop3A_345 = arith.index_cast %parallel_loop3A_171 : i32 to index
          %parallel_loop3A_346 = arith.constant 96 : index
          %parallel_loop3A_347 = tpu.vector_load %parallel_loop3A_344[%parallel_loop3A_345, %parallel_loop3A_346] {strides = array<i32>} : memref<125x128xbf16, #tpu.memory_space<vmem>>, vector<32xbf16>,
          %parallel_loop3A_348 = tpu.unpack_subelements %parallel_loop3A_347, 0 {pack_format = #tpu.pack_format<interleaved>} : vector<32xbf16> -> vector<16xf32>
          %parallel_loop3A_349 = tpu.unpack_subelements %parallel_loop3A_347, 1 {pack_format = #tpu.pack_format<interleaved>} : vector<32xbf16> -> vector<16xf32>
          %parallel_loop3A_350 = arith.mulf %parallel_loop3A_275, %parallel_loop3A_348 : vector<16xf32>
          %parallel_loop3A_351 = arith.constant 0 : i32
          %parallel_loop3A_352 = arith.constant 0 : i32
          %parallel_loop3A_353 = tpu.memref_slice %arg14[%parallel_loop3A_152, %parallel_loop3A_351, %parallel_loop3A_352] : memref<2x125x80xf32, #tpu.memory_space<vmem>> -> memref<1x125x80xf32, #tpu.memory_space<vmem>>
          %parallel_loop3A_354 = tpu.memref_squeeze %parallel_loop3A_353 : memref<1x125x80xf32, #tpu.memory_space<vmem>> -> memref<125x80xf32, #tpu.memory_space<vmem>>
          %parallel_loop3A_355 = arith.index_cast %parallel_loop3A_171 : i32 to index
          %parallel_loop3A_356 = arith.constant 32 : index
          %parallel_loop3A_357 = tpu.vector_load %parallel_loop3A_354[%parallel_loop3A_355, %parallel_loop3A_356] {strides = array<i32>} : memref<125x80xf32, #tpu.memory_space<vmem>>, vector<16xf32>,
          tpu.vector_store %parallel_loop3A_354[%parallel_loop3A_355, %parallel_loop3A_356], %parallel_loop3A_350 {strides = array<i32>} : memref<125x80xf32, #tpu.memory_space<vmem>>, vector<16xf32>,
          %parallel_loop3A_358 = arith.mulf %parallel_loop3A_275, %parallel_loop3A_349 : vector<16xf32>
          %parallel_loop3A_359 = arith.constant 0 : i32
          %parallel_loop3A_360 = arith.constant 0 : i32
          %parallel_loop3A_361 = tpu.memref_slice %arg14[%parallel_loop3A_152, %parallel_loop3A_359, %parallel_loop3A_360] : memref<2x125x80xf32, #tpu.memory_space<vmem>> -> memref<1x125x80xf32, #tpu.memory_space<vmem>>
          %parallel_loop3A_362 = tpu.memref_squeeze %parallel_loop3A_361 : memref<1x125x80xf32, #tpu.memory_space<vmem>> -> memref<125x80xf32, #tpu.memory_space<vmem>>
          %parallel_loop3A_363 = arith.index_cast %parallel_loop3A_171 : i32 to index
          %parallel_loop3A_364 = arith.constant 48 : index
          %parallel_loop3A_365 = tpu.vector_load %parallel_loop3A_362[%parallel_loop3A_363, %parallel_loop3A_364] {strides = array<i32>} : memref<125x80xf32, #tpu.memory_space<vmem>>, vector<16xf32>,
          tpu.vector_store %parallel_loop3A_362[%parallel_loop3A_363, %parallel_loop3A_364], %parallel_loop3A_358 {strides = array<i32>} : memref<125x80xf32, #tpu.memory_space<vmem>>, vector<16xf32>,
        } {sc.loop_unroll_factor = 4 : i64, sc.parallel_access}
        %dma_start3A_153 = arith.constant 1 : i32
        %dma_start3A_154 = arith.constant 0 : i32
        %dma_start3A_155 = arith.constant 0 : i32
        %dma_start3A_156 = tpu.memref_slice %arg14[%dma_start3A_153, %dma_start3A_154, %dma_start3A_155] : memref<2x125x80xf32, #tpu.memory_space<vmem>> -> memref<1x125x80xf32, #tpu.memory_space<vmem>>
        %dma_start3A_157 = tpu.memref_squeeze %dma_start3A_156 : memref<1x125x80xf32, #tpu.memory_space<vmem>> -> memref<125x80xf32, #tpu.memory_space<vmem>>
        %dma_start3A_158 = arith.constant 0 : i32
        %dma_start3A_159 = tpu.memref_slice %arg11[%add3A_119, %dma_start3A_158] : memref<80x125xi32, #tpu.memory_space<vmem>> -> memref<1x125xi32, #tpu.memory_space<vmem>>
        %dma_start3A_160 = tpu.memref_squeeze %dma_start3A_159 : memref<1x125xi32, #tpu.memory_space<vmem>> -> memref<125xi32, #tpu.memory_space<vmem>>
        %dma_start3A_161 = arith.constant 0 : i32
        %dma_start3A_162 = arith.constant 0 : i32
        %dma_start3A_163 = tpu.memref_slice %arg15[%dma_start3A_161, %dma_start3A_162] : memref<10112x80xf32, #tpu.memory_space<vmem_shared>> -> memref<10112x80xf32, #tpu.memory_space<vmem_shared>>
        tpu.enqueue_indirect_dma source(%dma_start3A_157 : memref<125x80xf32, #tpu.memory_space<vmem>>) target(%dma_start3A_163 : memref<10112x80xf32, #tpu.memory_space<vmem_shared>>) offsets(%dma_start3A_160 : memref<125xi32, #tpu.memory_space<vmem>>) semaphore(%arg19 : memref<!tpu.dma_semaphore, #tpu.memory_space<semaphore_mem>>) {add = true}
        %add3A_164 = arith.constant 2 : i32
        %add3A_165 = arith.addi %add3A_119, %add3A_164 : i32
        %lt3A_166 = arith.constant 80 : i32
        %lt3A_167 = arith.cmpi slt, %add3A_165, %lt3A_166 : i32
        %convert_element_type3A_168 = arith.extui %lt3A_167 : i1 to i32
        %cond3A_169 = arith.constant 0 : i32
        %cond3A_170 = arith.cmpi ne, %convert_element_type3A_168, %cond3A_169 : i32
        scf.if %cond3A_170 {
          %add3A_171 = arith.constant 2 : i32
          %add3A_172 = arith.addi %add3A_119, %add3A_171 : i32
          %eq3A_173 = arith.constant 0 : i32
          %eq3A_174 = arith.cmpi eq, %arg0, %eq3A_173 : i32
          %convert_element_type3A_175 = arith.extui %eq3A_174 : i1 to i32
          %cond3A_176 = arith.constant 0 : i32
          %cond3A_177 = arith.cmpi ne, %convert_element_type3A_175, %cond3A_176 : i32
          scf.if %cond3A_177 {
            %dma_start3A_183 = arith.constant 1 : i32
            %dma_start3A_184 = arith.constant 0 : i32
            %dma_start3A_185 = arith.constant 0 : i32
            %dma_start3A_186 = tpu.memref_slice %arg12[%dma_start3A_183, %dma_start3A_184, %dma_start3A_185] : memref<2x125x128xbf16, #tpu.memory_space<vmem>> -> memref<1x125x128xbf16, #tpu.memory_space<vmem>>
            %dma_start3A_187 = tpu.memref_squeeze %dma_start3A_186 : memref<1x125x128xbf16, #tpu.memory_space<vmem>> -> memref<125x128xbf16, #tpu.memory_space<vmem>>
            %dma_start3A_188 = arith.constant 0 : i32
            %dma_start3A_189 = tpu.memref_slice %arg10[%add3A_172, %dma_start3A_188] : memref<80x125xi32, #tpu.memory_space<vmem>> -> memref<1x125xi32, #tpu.memory_space<vmem>>
            %dma_start3A_190 = tpu.memref_squeeze %dma_start3A_189 : memref<1x125xi32, #tpu.memory_space<vmem>> -> memref<125xi32, #tpu.memory_space<vmem>>
            %dma_start3A_191 = arith.constant 0 : i32
            %dma_start3A_192 = arith.constant 0 : i32
            %dma_start3A_193 = tpu.memref_slice %arg2[%dma_start3A_191, %dma_start3A_192] : memref<10000x128xbf16, #tpu.memory_space<hbm>> -> memref<10000x128xbf16, #tpu.memory_space<hbm>>
            tpu.enqueue_indirect_dma source(%dma_start3A_193 : memref<10000x128xbf16, #tpu.memory_space<hbm>>) target(%dma_start3A_187 : memref<125x128xbf16, #tpu.memory_space<vmem>>) offsets(%dma_start3A_190 : memref<125xi32, #tpu.memory_space<vmem>>) semaphore(%arg17 : memref<!tpu.dma_semaphore, #tpu.memory_space<semaphore_mem>>)
            %dma_start3A_194 = arith.constant 1 : i32
            %dma_start3A_195 = arith.constant 0 : i32
            %dma_start3A_196 = arith.constant 0 : i32
            %dma_start3A_197 = tpu.memref_slice %arg13[%dma_start3A_194, %dma_start3A_195, %dma_start3A_196] : memref<2x125x64xbf16, #tpu.memory_space<vmem>> -> memref<1x125x64xbf16, #tpu.memory_space<vmem>>
            %dma_start3A_198 = tpu.memref_squeeze %dma_start3A_197 : memref<1x125x64xbf16, #tpu.memory_space<vmem>> -> memref<125x64xbf16, #tpu.memory_space<vmem>>
            %dma_start3A_199 = arith.constant 0 : i32
            %dma_start3A_200 = tpu.memref_slice %arg11[%add3A_172, %dma_start3A_199] : memref<80x125xi32, #tpu.memory_space<vmem>> -> memref<1x125xi32, #tpu.memory_space<vmem>>
            %dma_start3A_201 = tpu.memref_squeeze %dma_start3A_200 : memref<1x125xi32, #tpu.memory_space<vmem>> -> memref<125xi32, #tpu.memory_space<vmem>>
            %dma_start3A_202 = arith.constant 0 : i32
            %dma_start3A_203 = arith.constant 0 : i32
            %dma_start3A_204 = tpu.memref_slice %arg4[%dma_start3A_202, %dma_start3A_203] : memref<10000x64xbf16, #tpu.memory_space<hbm>> -> memref<10000x64xbf16, #tpu.memory_space<hbm>>
            tpu.enqueue_indirect_dma source(%dma_start3A_204 : memref<10000x64xbf16, #tpu.memory_space<hbm>>) target(%dma_start3A_198 : memref<125x64xbf16, #tpu.memory_space<vmem>>) offsets(%dma_start3A_201 : memref<125xi32, #tpu.memory_space<vmem>>) semaphore(%arg17 : memref<!tpu.dma_semaphore, #tpu.memory_space<semaphore_mem>>)
          } else {
          }
          %eq3A_178 = arith.constant 1 : i32
          %eq3A_179 = arith.cmpi eq, %arg0, %eq3A_178 : i32
          %convert_element_type3A_180 = arith.extui %eq3A_179 : i1 to i32
          %cond3A_181 = arith.constant 0 : i32
          %cond3A_182 = arith.cmpi ne, %convert_element_type3A_180, %cond3A_181 : i32
          scf.if %cond3A_182 {
            %dma_start3A_183 = arith.constant 1 : i32
            %dma_start3A_184 = arith.constant 0 : i32
            %dma_start3A_185 = arith.constant 0 : i32
            %dma_start3A_186 = tpu.memref_slice %arg12[%dma_start3A_183, %dma_start3A_184, %dma_start3A_185] : memref<2x125x128xbf16, #tpu.memory_space<vmem>> -> memref<1x125x128xbf16, #tpu.memory_space<vmem>>
            %dma_start3A_187 = tpu.memref_squeeze %dma_start3A_186 : memref<1x125x128xbf16, #tpu.memory_space<vmem>> -> memref<125x128xbf16, #tpu.memory_space<vmem>>
            %dma_start3A_188 = arith.constant 0 : i32
            %dma_start3A_189 = tpu.memref_slice %arg10[%add3A_172, %dma_start3A_188] : memref<80x125xi32, #tpu.memory_space<vmem>> -> memref<1x125xi32, #tpu.memory_space<vmem>>
            %dma_start3A_190 = tpu.memref_squeeze %dma_start3A_189 : memref<1x125xi32, #tpu.memory_space<vmem>> -> memref<125xi32, #tpu.memory_space<vmem>>
            %dma_start3A_191 = arith.constant 0 : i32
            %dma_start3A_192 = arith.constant 0 : i32
            %dma_start3A_193 = tpu.memref_slice %arg3[%dma_start3A_191, %dma_start3A_192] : memref<10000x128xbf16, #tpu.memory_space<hbm>> -> memref<10000x128xbf16, #tpu.memory_space<hbm>>
            tpu.enqueue_indirect_dma source(%dma_start3A_193 : memref<10000x128xbf16, #tpu.memory_space<hbm>>) target(%dma_start3A_187 : memref<125x128xbf16, #tpu.memory_space<vmem>>) offsets(%dma_start3A_190 : memref<125xi32, #tpu.memory_space<vmem>>) semaphore(%arg17 : memref<!tpu.dma_semaphore, #tpu.memory_space<semaphore_mem>>)
            %dma_start3A_194 = arith.constant 1 : i32
            %dma_start3A_195 = arith.constant 0 : i32
            %dma_start3A_196 = arith.constant 0 : i32
            %dma_start3A_197 = tpu.memref_slice %arg13[%dma_start3A_194, %dma_start3A_195, %dma_start3A_196] : memref<2x125x64xbf16, #tpu.memory_space<vmem>> -> memref<1x125x64xbf16, #tpu.memory_space<vmem>>
            %dma_start3A_198 = tpu.memref_squeeze %dma_start3A_197 : memref<1x125x64xbf16, #tpu.memory_space<vmem>> -> memref<125x64xbf16, #tpu.memory_space<vmem>>
            %dma_start3A_199 = arith.constant 0 : i32
            %dma_start3A_200 = tpu.memref_slice %arg11[%add3A_172, %dma_start3A_199] : memref<80x125xi32, #tpu.memory_space<vmem>> -> memref<1x125xi32, #tpu.memory_space<vmem>>
            %dma_start3A_201 = tpu.memref_squeeze %dma_start3A_200 : memref<1x125xi32, #tpu.memory_space<vmem>> -> memref<125xi32, #tpu.memory_space<vmem>>
            %dma_start3A_202 = arith.constant 0 : i32
            %dma_start3A_203 = arith.constant 0 : i32
            %dma_start3A_204 = tpu.memref_slice %arg5[%dma_start3A_202, %dma_start3A_203] : memref<10000x64xbf16, #tpu.memory_space<hbm>> -> memref<10000x64xbf16, #tpu.memory_space<hbm>>
            tpu.enqueue_indirect_dma source(%dma_start3A_204 : memref<10000x64xbf16, #tpu.memory_space<hbm>>) target(%dma_start3A_198 : memref<125x64xbf16, #tpu.memory_space<vmem>>) offsets(%dma_start3A_201 : memref<125xi32, #tpu.memory_space<vmem>>) semaphore(%arg17 : memref<!tpu.dma_semaphore, #tpu.memory_space<semaphore_mem>>)
          } else {
          }
        } else {
        }
      }
      %scan3A_43 = arith.constant 40 : i32
      %dma_wait3A = arith.constant 0 : i32
      %dma_wait3A_44 = arith.constant 78 : i32
      %dma_wait3A_45 = arith.constant 0 : i32
      %dma_wait3A_46 = arith.constant 0 : i32
      %dma_wait3A_47 = tpu.memref_slice %arg14[%dma_wait3A, %dma_wait3A_45, %dma_wait3A_46] : memref<2x125x80xf32, #tpu.memory_space<vmem>> -> memref<1x125x80xf32, #tpu.memory_space<vmem>>
      %dma_wait3A_48 = tpu.memref_squeeze %dma_wait3A_47 : memref<1x125x80xf32, #tpu.memory_space<vmem>> -> memref<125x80xf32, #tpu.memory_space<vmem>>
      %dma_wait3A_49 = arith.constant 0 : i32
      %dma_wait3A_50 = tpu.memref_slice %arg11[%dma_wait3A_44, %dma_wait3A_49] : memref<80x125xi32, #tpu.memory_space<vmem>> -> memref<1x125xi32, #tpu.memory_space<vmem>>
      %dma_wait3A_51 = tpu.memref_squeeze %dma_wait3A_50 : memref<1x125xi32, #tpu.memory_space<vmem>> -> memref<125xi32, #tpu.memory_space<vmem>>
      %dma_wait3A_52 = arith.constant 0 : i32
      %dma_wait3A_53 = arith.constant 0 : i32
      %dma_wait3A_54 = tpu.memref_slice %arg15[%dma_wait3A_52, %dma_wait3A_53] : memref<10112x80xf32, #tpu.memory_space<vmem_shared>> -> memref<10112x80xf32, #tpu.memory_space<vmem_shared>>
      tpu.wait_indirect_dma semaphore(%arg18 : memref<!tpu.dma_semaphore, #tpu.memory_space<semaphore_mem>>) src(%dma_wait3A_48 : memref<125x80xf32, #tpu.memory_space<vmem>>) dst(%dma_wait3A_54 : memref<10112x80xf32, #tpu.memory_space<vmem_shared>>)
      %dma_wait3A_55 = arith.constant 1 : i32
      %dma_wait3A_56 = arith.constant 79 : i32
      %dma_wait3A_57 = arith.constant 0 : i32
      %dma_wait3A_58 = arith.constant 0 : i32
      %dma_wait3A_59 = tpu.memref_slice %arg14[%dma_wait3A_55, %dma_wait3A_57, %dma_wait3A_58] : memref<2x125x80xf32, #tpu.memory_space<vmem>> -> memref<1x125x80xf32, #tpu.memory_space<vmem>>
      %dma_wait3A_60 = tpu.memref_squeeze %dma_wait3A_59 : memref<1x125x80xf32, #tpu.memory_space<vmem>> -> memref<125x80xf32, #tpu.memory_space<vmem>>
      %dma_wait3A_61 = arith.constant 0 : i32
      %dma_wait3A_62 = tpu.memref_slice %arg11[%dma_wait3A_56, %dma_wait3A_61] : memref<80x125xi32, #tpu.memory_space<vmem>> -> memref<1x125xi32, #tpu.memory_space<vmem>>
      %dma_wait3A_63 = tpu.memref_squeeze %dma_wait3A_62 : memref<1x125xi32, #tpu.memory_space<vmem>> -> memref<125xi32, #tpu.memory_space<vmem>>
      %dma_wait3A_64 = arith.constant 0 : i32
      %dma_wait3A_65 = arith.constant 0 : i32
      %dma_wait3A_66 = tpu.memref_slice %arg15[%dma_wait3A_64, %dma_wait3A_65] : memref<10112x80xf32, #tpu.memory_space<vmem_shared>> -> memref<10112x80xf32, #tpu.memory_space<vmem_shared>>
      tpu.wait_indirect_dma semaphore(%arg19 : memref<!tpu.dma_semaphore, #tpu.memory_space<semaphore_mem>>) src(%dma_wait3A_60 : memref<125x80xf32, #tpu.memory_space<vmem>>) dst(%dma_wait3A_66 : memref<10112x80xf32, #tpu.memory_space<vmem_shared>>)
    }
    %scan3A_18 = arith.constant 2 : i32
    %barrier3A_19 = arith.constant 0 : index
    tpu.barrier barrier_id(%barrier3A_19)
    "tpu.region"() ({
      %run_scoped3A = tpu.sem_alloc : memref<!tpu.dma_semaphore, #tpu.memory_space<semaphore_mem>>
      %dma_start3A = arith.constant 0 : i32
      %dma_start3A_20 = tpu.memref_slice %arg9[%arg0, %mul3A_0, %dma_start3A] : memref<2x10112x80xf32, #tpu.memory_space<hbm>> -> memref<1x632x80xf32, #tpu.memory_space<hbm>>
      %dma_start3A_21 = tpu.memref_squeeze %dma_start3A_20 : memref<1x632x80xf32, #tpu.memory_space<hbm>> -> memref<632x80xf32, #tpu.memory_space<hbm>>
      %dma_start3A_22 = arith.constant 0 : i32
      %dma_start3A_23 = tpu.memref_slice %arg15[%mul3A_0, %dma_start3A_22] : memref<10112x80xf32, #tpu.memory_space<vmem_shared>> -> memref<632x80xf32, #tpu.memory_space<vmem_shared>>
      tpu.enqueue_dma source(%dma_start3A_23 : memref<632x80xf32, #tpu.memory_space<vmem_shared>>) target(%dma_start3A_21 : memref<632x80xf32, #tpu.memory_space<hbm>>) target_semaphore(%run_scoped3A : memref<!tpu.dma_semaphore, #tpu.memory_space<semaphore_mem>>)
      %dma_wait3A = arith.constant 0 : i32
      %dma_wait3A_24 = tpu.memref_slice %arg9[%arg0, %mul3A_0, %dma_wait3A] : memref<2x10112x80xf32, #tpu.memory_space<hbm>> -> memref<1x632x80xf32, #tpu.memory_space<hbm>>
      %dma_wait3A_25 = tpu.memref_squeeze %dma_wait3A_24 : memref<1x632x80xf32, #tpu.memory_space<hbm>> -> memref<632x80xf32, #tpu.memory_space<hbm>>
      %dma_wait3A_26 = arith.constant 0 : i32
      %dma_wait3A_27 = tpu.memref_slice %arg15[%mul3A_0, %dma_wait3A_26] : memref<10112x80xf32, #tpu.memory_space<vmem_shared>> -> memref<632x80xf32, #tpu.memory_space<vmem_shared>>
      tpu.wait_dma2 semaphore(%run_scoped3A : memref<!tpu.dma_semaphore, #tpu.memory_space<semaphore_mem>>) src(%dma_wait3A_27 : memref<632x80xf32, #tpu.memory_space<vmem_shared>>) dst(%dma_wait3A_25 : memref<632x80xf32, #tpu.memory_space<hbm>>)
      tpu.yield
    }) : () -> ()
    return
  }
}

module attributes {stable_mosaic.version = 14 : i64} {
  func.func @_proj_body(%arg0: i32, %arg1: memref<1000x128xf32, #tpu.memory_space<vmem>>, %arg2: memref<128x384xf32, #tpu.memory_space<vmem>>, %arg3: memref<1x384xf32, #tpu.memory_space<vmem>>, %arg4: memref<1000x128xbf16, #tpu.memory_space<vmem>>, %arg5: memref<1000x128xbf16, #tpu.memory_space<vmem>>, %arg6: memref<1000x64xbf16, #tpu.memory_space<vmem>>, %arg7: memref<1000x64xbf16, #tpu.memory_space<vmem>>) attributes {dimension_semantics = [#tpu.dimension_semantics<arbitrary>], iteration_bounds = array<i64: 10>, scalar_prefetch = 0 : i64, scratch_operands = 0 : i64, tpu.core_type = #tpu.core_type<tc>, window_params = [{transform_indices = @transform_0, window_bounds = array<i64: 1000, 128>}, {pipeline_mode = #tpu.pipeline_mode<synchronous>, transform_indices = @transform_1, window_bounds = array<i64: 128, 384>}, {pipeline_mode = #tpu.pipeline_mode<synchronous>, transform_indices = @transform_2, window_bounds = array<i64: 1, 384>}, {transform_indices = @transform_3, window_bounds = array<i64: 1000, 128>}, {transform_indices = @transform_4, window_bounds = array<i64: 1000, 128>}, {transform_indices = @transform_5, window_bounds = array<i64: 1000, 64>}, {transform_indices = @transform_6, window_bounds = array<i64: 1000, 64>}]} {
    %get3A = arith.constant 0 : index
    %get3A_0 = arith.constant 0 : index
    %get3A_1 = vector.load %arg1[%get3A, %get3A_0] : memref<1000x128xf32, #tpu.memory_space<vmem>>, vector<1000x128xf32>
    %get3A_2 = arith.constant 0 : index
    %get3A_3 = arith.constant 0 : index
    %get3A_4 = vector.load %arg2[%get3A_2, %get3A_3] : memref<128x384xf32, #tpu.memory_space<vmem>>, vector<128x384xf32>
    %dot_general3A = arith.constant dense<0.000000e+00> : vector<1000x384xf32>
    %dot_general3A_5 = tpu.matmul %get3A_1, %get3A_4, %dot_general3A {dimension_numbers = #tpu.dot_dimension_numbers<[1], [0], [0], [1], [0, 0, 1, 1], [], []>, transpose_lhs_hint = false} : vector<1000x128xf32>, vector<128x384xf32>, vector<1000x384xf32> -> vector<1000x384xf32>
    %get3A_6 = arith.constant 0 : index
    %get3A_7 = arith.constant 0 : index
    %get3A_8 = vector.load %arg3[%get3A_6, %get3A_7] : memref<1x384xf32, #tpu.memory_space<vmem>>, vector<1x384xf32>
    %add3A = vector.broadcast %get3A_8 : vector<1x384xf32> to vector<1000x384xf32>
    %add3A_9 = arith.addf %dot_general3A_5, %add3A : vector<1000x384xf32>
    %convert_element_type3A = arith.truncf %add3A_9 : vector<1000x384xf32> to vector<1000x384xbf16>
    %slice3A = vector.extract_strided_slice %convert_element_type3A {offsets = [0, 0], sizes = [1000, 128], strides = [1, 1]} : vector<1000x384xbf16> to vector<1000x128xbf16>
    %swap3A = arith.constant 0 : index
    %swap3A_10 = arith.constant 0 : index
    %swap3A_11 = vector.load %arg4[%swap3A, %swap3A_10] : memref<1000x128xbf16, #tpu.memory_space<vmem>>, vector<1000x128xbf16>
    tpu.vector_store %arg4[%swap3A, %swap3A_10], %slice3A {strides = array<i32>} : memref<1000x128xbf16, #tpu.memory_space<vmem>>, vector<1000x128xbf16>,
    %slice3A_12 = vector.extract_strided_slice %convert_element_type3A {offsets = [0, 128], sizes = [1000, 128], strides = [1, 1]} : vector<1000x384xbf16> to vector<1000x128xbf16>
    %swap3A_13 = arith.constant 0 : index
    %swap3A_14 = arith.constant 0 : index
    %swap3A_15 = vector.load %arg5[%swap3A_13, %swap3A_14] : memref<1000x128xbf16, #tpu.memory_space<vmem>>, vector<1000x128xbf16>
    tpu.vector_store %arg5[%swap3A_13, %swap3A_14], %slice3A_12 {strides = array<i32>} : memref<1000x128xbf16, #tpu.memory_space<vmem>>, vector<1000x128xbf16>,
    %slice3A_16 = vector.extract_strided_slice %convert_element_type3A {offsets = [0, 256], sizes = [1000, 64], strides = [1, 1]} : vector<1000x384xbf16> to vector<1000x64xbf16>
    %swap3A_17 = arith.constant 0 : index
    %swap3A_18 = arith.constant 0 : index
    %swap3A_19 = vector.load %arg6[%swap3A_17, %swap3A_18] : memref<1000x64xbf16, #tpu.memory_space<vmem>>, vector<1000x64xbf16>
    tpu.vector_store %arg6[%swap3A_17, %swap3A_18], %slice3A_16 {strides = array<i32>} : memref<1000x64xbf16, #tpu.memory_space<vmem>>, vector<1000x64xbf16>,
    %slice3A_20 = vector.extract_strided_slice %convert_element_type3A {offsets = [0, 320], sizes = [1000, 64], strides = [1, 1]} : vector<1000x384xbf16> to vector<1000x64xbf16>
    %swap3A_21 = arith.constant 0 : index
    %swap3A_22 = arith.constant 0 : index
    %swap3A_23 = vector.load %arg7[%swap3A_21, %swap3A_22] : memref<1000x64xbf16, #tpu.memory_space<vmem>>, vector<1000x64xbf16>
    tpu.vector_store %arg7[%swap3A_21, %swap3A_22], %slice3A_20 {strides = array<i32>} : memref<1000x64xbf16, #tpu.memory_space<vmem>>, vector<1000x64xbf16>,
    return
  }
  func.func @transform_0(%arg0: i32) -> (i32, i32) {
    %c0_i32 = arith.constant 0 : i32
    %c0_i32_0 = arith.constant 0 : i32
    return %arg0, %c0_i32 : i32, i32
  }
  func.func @transform_1(%arg0: i32) -> (i32, i32) {
    %c0_i32 = arith.constant 0 : i32
    %c0_i32_0 = arith.constant 0 : i32
    %c0_i32_1 = arith.constant 0 : i32
    return %c0_i32, %c0_i32_0 : i32, i32
  }
  func.func @transform_2(%arg0: i32) -> (i32, i32) {
    %c0_i32 = arith.constant 0 : i32
    %c0_i32_0 = arith.constant 0 : i32
    %c0_i32_1 = arith.constant 0 : i32
    return %c0_i32, %c0_i32_0 : i32, i32
  }
  func.func @transform_3(%arg0: i32) -> (i32, i32) {
    %c0_i32 = arith.constant 0 : i32
    %c0_i32_0 = arith.constant 0 : i32
    return %arg0, %c0_i32 : i32, i32
  }
  func.func @transform_4(%arg0: i32) -> (i32, i32) {
    %c0_i32 = arith.constant 0 : i32
    %c0_i32_0 = arith.constant 0 : i32
    return %arg0, %c0_i32 : i32, i32
  }
  func.func @transform_5(%arg0: i32) -> (i32, i32) {
    %c0_i32 = arith.constant 0 : i32
    %c0_i32_0 = arith.constant 0 : i32
    return %arg0, %c0_i32 : i32, i32
  }
  func.func @transform_6(%arg0: i32) -> (i32, i32) {
    %c0_i32 = arith.constant 0 : i32
    %c0_i32_0 = arith.constant 0 : i32
    return %arg0, %c0_i32 : i32, i32
  }
}

module attributes {stable_mosaic.version = 14 : i64} {
  func.func @_final_body(%arg0: i32, %arg1: memref<2x1000x80xf32, #tpu.memory_space<vmem>>, %arg2: memref<1000x128xf32, #tpu.memory_space<vmem>>, %arg3: memref<128x128xf32, #tpu.memory_space<vmem>>, %arg4: memref<1x128xf32, #tpu.memory_space<vmem>>, %arg5: memref<1x1xf32, #tpu.memory_space<smem>>, %arg6: memref<1000x128xf32, #tpu.memory_space<vmem>>) attributes {dimension_semantics = [#tpu.dimension_semantics<arbitrary>], iteration_bounds = array<i64: 10>, scalar_prefetch = 0 : i64, scratch_operands = 0 : i64, tpu.core_type = #tpu.core_type<tc>, window_params = [{transform_indices = @transform_0, window_bounds = array<i64: 2, 1000, 80>}, {transform_indices = @transform_1, window_bounds = array<i64: 1000, 128>}, {pipeline_mode = #tpu.pipeline_mode<synchronous>, transform_indices = @transform_2, window_bounds = array<i64: 128, 128>}, {pipeline_mode = #tpu.pipeline_mode<synchronous>, transform_indices = @transform_3, window_bounds = array<i64: 1, 128>}, {transform_indices = @transform_4, window_bounds = array<i64: 1, 1>}, {transform_indices = @transform_5, window_bounds = array<i64: 1000, 128>}]} {
    %get3A = arith.constant 0 : index
    %get3A_0 = arith.constant 0 : index
    %get3A_1 = arith.constant 0 : index
    %get3A_2 = vector.load %arg1[%get3A, %get3A_0, %get3A_1] : memref<2x1000x80xf32, #tpu.memory_space<vmem>>, vector<1x1000x80xf32>
    %get3A_3 = vector.shape_cast %get3A_2 : vector<1x1000x80xf32> to vector<1000x80xf32>
    %get3A_4 = arith.constant 1 : index
    %get3A_5 = arith.constant 0 : index
    %get3A_6 = arith.constant 0 : index
    %get3A_7 = vector.load %arg1[%get3A_4, %get3A_5, %get3A_6] : memref<2x1000x80xf32, #tpu.memory_space<vmem>>, vector<1x1000x80xf32>
    %get3A_8 = vector.shape_cast %get3A_7 : vector<1x1000x80xf32> to vector<1000x80xf32>
    %slice3A = vector.extract_strided_slice %get3A_3 {offsets = [0, 0], sizes = [1000, 64], strides = [1, 1]} : vector<1000x80xf32> to vector<1000x64xf32>
    %slice3A_9 = vector.extract_strided_slice %get3A_8 {offsets = [0, 0], sizes = [1000, 64], strides = [1, 1]} : vector<1000x80xf32> to vector<1000x64xf32>
    %concatenate3A = tpu.concatenate %slice3A, %slice3A_9 in 1 : vector<1000x64xf32>, vector<1000x64xf32> -> vector<1000x128xf32>
    %slice3A_10 = vector.extract_strided_slice %get3A_3 {offsets = [0, 64], sizes = [1000, 4], strides = [1, 1]} : vector<1000x80xf32> to vector<1000x4xf32>
    %slice3A_11 = vector.extract_strided_slice %get3A_8 {offsets = [0, 64], sizes = [1000, 4], strides = [1, 1]} : vector<1000x80xf32> to vector<1000x4xf32>
    %concatenate3A_12 = tpu.concatenate %slice3A_10, %slice3A_11 in 1 : vector<1000x4xf32>, vector<1000x4xf32> -> vector<1000x8xf32>
    %iota3A = tpu.iota {dimensions = array<i32: 0>} : vector<8x128xi32>
    %iota3A_13 = tpu.iota {dimensions = array<i32: 1>} : vector<8x128xi32>
    %jit3A = arith.constant 64 : i32
    %div3A = vector.broadcast %jit3A : i32 to vector<8x128xi32>
    %div3A_14 = arith.divsi %iota3A_13, %div3A : vector<8x128xi32>
    %sign3A = arith.constant 0 : i32
    %sign3A_15 = vector.broadcast %sign3A : i32 to vector<8x128xi32>
    %sign3A_16 = arith.cmpi sgt, %iota3A_13, %sign3A_15 : vector<8x128xi32>
    %sign3A_17 = arith.extui %sign3A_16 : vector<8x128xi1> to vector<8x128xi32>
    %sign3A_18 = arith.constant 0 : i32
    %sign3A_19 = vector.broadcast %sign3A_18 : i32 to vector<8x128xi32>
    %sign3A_20 = arith.cmpi slt, %iota3A_13, %sign3A_19 : vector<8x128xi32>
    %sign3A_21 = arith.extui %sign3A_20 : vector<8x128xi1> to vector<8x128xi32>
    %sign3A_22 = arith.subi %sign3A_17, %sign3A_21 : vector<8x128xi32>
    %sign3A_23 = arith.constant 0 : i32
    %sign3A_24 = arith.cmpi sgt, %jit3A, %sign3A_23 : i32
    %sign3A_25 = arith.extui %sign3A_24 : i1 to i32
    %sign3A_26 = arith.constant 0 : i32
    %sign3A_27 = arith.cmpi slt, %jit3A, %sign3A_26 : i32
    %sign3A_28 = arith.extui %sign3A_27 : i1 to i32
    %sign3A_29 = arith.subi %sign3A_25, %sign3A_28 : i32
    %ne3A = vector.broadcast %sign3A_29 : i32 to vector<8x128xi32>
    %ne3A_30 = arith.cmpi ne, %sign3A_22, %ne3A : vector<8x128xi32>
    %rem3A = vector.broadcast %jit3A : i32 to vector<8x128xi32>
    %rem3A_31 = arith.remsi %iota3A_13, %rem3A : vector<8x128xi32>
    %ne3A_32 = arith.constant 0 : i32
    %ne3A_33 = vector.broadcast %ne3A_32 : i32 to vector<8x128xi32>
    %ne3A_34 = arith.cmpi ne, %rem3A_31, %ne3A_33 : vector<8x128xi32>
    %and3A = arith.andi %ne3A_30, %ne3A_34 : vector<8x128xi1>
    %sub3A = arith.constant 1 : i32
    %sub3A_35 = vector.broadcast %sub3A : i32 to vector<8x128xi32>
    %sub3A_36 = arith.subi %div3A_14, %sub3A_35 : vector<8x128xi32>
    %select_n3A = arith.select %and3A, %sub3A_36, %div3A_14 : vector<8x128xi1>, vector<8x128xi32>
    %mul3A = arith.constant 4 : i32
    %mul3A_37 = vector.broadcast %mul3A : i32 to vector<8x128xi32>
    %mul3A_38 = arith.muli %mul3A_37, %select_n3A : vector<8x128xi32>
    %jit3A_39 = arith.constant 64 : i32
    %eq3A = arith.constant 0 : i32
    %eq3A_40 = arith.cmpi eq, %jit3A_39, %eq3A : i32
    %jit3A_41 = arith.constant 1 : i32
    %select_n3A_42 = arith.select %eq3A_40, %jit3A_41, %jit3A_39 : i32
    %rem3A_43 = vector.broadcast %select_n3A_42 : i32 to vector<8x128xi32>
    %rem3A_44 = arith.remsi %iota3A_13, %rem3A_43 : vector<8x128xi32>
    %ne3A_45 = arith.constant 0 : i32
    %ne3A_46 = vector.broadcast %ne3A_45 : i32 to vector<8x128xi32>
    %ne3A_47 = arith.cmpi ne, %rem3A_44, %ne3A_46 : vector<8x128xi32>
    %lt3A = arith.constant 0 : i32
    %lt3A_48 = vector.broadcast %lt3A : i32 to vector<8x128xi32>
    %lt3A_49 = arith.cmpi slt, %rem3A_44, %lt3A_48 : vector<8x128xi32>
    %lt3A_50 = arith.constant 0 : i32
    %lt3A_51 = arith.cmpi slt, %select_n3A_42, %lt3A_50 : i32
    %ne3A_52 = vector.broadcast %lt3A_51 : i1 to vector<8x128xi1>
    %ne3A_53 = vector.broadcast %ne3A_52 : vector<8x128xi1> to vector<8x128xi1>
    %ne3A_54 = arith.xori %lt3A_49, %ne3A_53 : vector<8x128xi1>
    %and3A_55 = arith.andi %ne3A_54, %ne3A_47 : vector<8x128xi1>
    %add3A = vector.broadcast %select_n3A_42 : i32 to vector<8x128xi32>
    %add3A_56 = arith.addi %rem3A_44, %add3A : vector<8x128xi32>
    %select_n3A_57 = arith.select %and3A_55, %add3A_56, %rem3A_44 : vector<8x128xi1>, vector<8x128xi32>
    %jit3A_58 = arith.constant 32 : i32
    %div3A_59 = vector.broadcast %jit3A_58 : i32 to vector<8x128xi32>
    %div3A_60 = arith.divsi %select_n3A_57, %div3A_59 : vector<8x128xi32>
    %sign3A_61 = arith.constant 0 : i32
    %sign3A_62 = vector.broadcast %sign3A_61 : i32 to vector<8x128xi32>
    %sign3A_63 = arith.cmpi sgt, %select_n3A_57, %sign3A_62 : vector<8x128xi32>
    %sign3A_64 = arith.extui %sign3A_63 : vector<8x128xi1> to vector<8x128xi32>
    %sign3A_65 = arith.constant 0 : i32
    %sign3A_66 = vector.broadcast %sign3A_65 : i32 to vector<8x128xi32>
    %sign3A_67 = arith.cmpi slt, %select_n3A_57, %sign3A_66 : vector<8x128xi32>
    %sign3A_68 = arith.extui %sign3A_67 : vector<8x128xi1> to vector<8x128xi32>
    %sign3A_69 = arith.subi %sign3A_64, %sign3A_68 : vector<8x128xi32>
    %sign3A_70 = arith.constant 0 : i32
    %sign3A_71 = arith.cmpi sgt, %jit3A_58, %sign3A_70 : i32
    %sign3A_72 = arith.extui %sign3A_71 : i1 to i32
    %sign3A_73 = arith.constant 0 : i32
    %sign3A_74 = arith.cmpi slt, %jit3A_58, %sign3A_73 : i32
    %sign3A_75 = arith.extui %sign3A_74 : i1 to i32
    %sign3A_76 = arith.subi %sign3A_72, %sign3A_75 : i32
    %ne3A_77 = vector.broadcast %sign3A_76 : i32 to vector<8x128xi32>
    %ne3A_78 = arith.cmpi ne, %sign3A_69, %ne3A_77 : vector<8x128xi32>
    %rem3A_79 = vector.broadcast %jit3A_58 : i32 to vector<8x128xi32>
    %rem3A_80 = arith.remsi %select_n3A_57, %rem3A_79 : vector<8x128xi32>
    %ne3A_81 = arith.constant 0 : i32
    %ne3A_82 = vector.broadcast %ne3A_81 : i32 to vector<8x128xi32>
    %ne3A_83 = arith.cmpi ne, %rem3A_80, %ne3A_82 : vector<8x128xi32>
    %and3A_84 = arith.andi %ne3A_78, %ne3A_83 : vector<8x128xi1>
    %sub3A_85 = arith.constant 1 : i32
    %sub3A_86 = vector.broadcast %sub3A_85 : i32 to vector<8x128xi32>
    %sub3A_87 = arith.subi %div3A_60, %sub3A_86 : vector<8x128xi32>
    %select_n3A_88 = arith.select %and3A_84, %sub3A_87, %div3A_60 : vector<8x128xi1>, vector<8x128xi32>
    %mul3A_89 = arith.constant 2 : i32
    %mul3A_90 = vector.broadcast %mul3A_89 : i32 to vector<8x128xi32>
    %mul3A_91 = arith.muli %mul3A_90, %select_n3A_88 : vector<8x128xi32>
    %add3A_92 = arith.addi %mul3A_38, %mul3A_91 : vector<8x128xi32>
    %jit3A_93 = arith.constant 8 : i32
    %div3A_94 = vector.broadcast %jit3A_93 : i32 to vector<8x128xi32>
    %div3A_95 = arith.divsi %iota3A_13, %div3A_94 : vector<8x128xi32>
    %sign3A_96 = arith.constant 0 : i32
    %sign3A_97 = vector.broadcast %sign3A_96 : i32 to vector<8x128xi32>
    %sign3A_98 = arith.cmpi sgt, %iota3A_13, %sign3A_97 : vector<8x128xi32>
    %sign3A_99 = arith.extui %sign3A_98 : vector<8x128xi1> to vector<8x128xi32>
    %sign3A_100 = arith.constant 0 : i32
    %sign3A_101 = vector.broadcast %sign3A_100 : i32 to vector<8x128xi32>
    %sign3A_102 = arith.cmpi slt, %iota3A_13, %sign3A_101 : vector<8x128xi32>
    %sign3A_103 = arith.extui %sign3A_102 : vector<8x128xi1> to vector<8x128xi32>
    %sign3A_104 = arith.subi %sign3A_99, %sign3A_103 : vector<8x128xi32>
    %sign3A_105 = arith.constant 0 : i32
    %sign3A_106 = arith.cmpi sgt, %jit3A_93, %sign3A_105 : i32
    %sign3A_107 = arith.extui %sign3A_106 : i1 to i32
    %sign3A_108 = arith.constant 0 : i32
    %sign3A_109 = arith.cmpi slt, %jit3A_93, %sign3A_108 : i32
    %sign3A_110 = arith.extui %sign3A_109 : i1 to i32
    %sign3A_111 = arith.subi %sign3A_107, %sign3A_110 : i32
    %ne3A_112 = vector.broadcast %sign3A_111 : i32 to vector<8x128xi32>
    %ne3A_113 = arith.cmpi ne, %sign3A_104, %ne3A_112 : vector<8x128xi32>
    %rem3A_114 = vector.broadcast %jit3A_93 : i32 to vector<8x128xi32>
    %rem3A_115 = arith.remsi %iota3A_13, %rem3A_114 : vector<8x128xi32>
    %ne3A_116 = arith.constant 0 : i32
    %ne3A_117 = vector.broadcast %ne3A_116 : i32 to vector<8x128xi32>
    %ne3A_118 = arith.cmpi ne, %rem3A_115, %ne3A_117 : vector<8x128xi32>
    %and3A_119 = arith.andi %ne3A_113, %ne3A_118 : vector<8x128xi1>
    %sub3A_120 = arith.constant 1 : i32
    %sub3A_121 = vector.broadcast %sub3A_120 : i32 to vector<8x128xi32>
    %sub3A_122 = arith.subi %div3A_95, %sub3A_121 : vector<8x128xi32>
    %select_n3A_123 = arith.select %and3A_119, %sub3A_122, %div3A_95 : vector<8x128xi1>, vector<8x128xi32>
    %and3A_124 = arith.constant 1 : i32
    %and3A_125 = vector.broadcast %and3A_124 : i32 to vector<8x128xi32>
    %and3A_126 = arith.andi %select_n3A_123, %and3A_125 : vector<8x128xi32>
    %add3A_127 = arith.addi %add3A_92, %and3A_126 : vector<8x128xi32>
    %eq3A_128 = arith.cmpi eq, %iota3A, %add3A_127 : vector<8x128xi32>
    %convert_element_type3A = arith.extui %eq3A_128 : vector<8x128xi1> to vector<8x128xi32>
    %convert_element_type3A_129 = arith.sitofp %convert_element_type3A : vector<8x128xi32> to vector<8x128xf32>
    %dot_general3A = arith.constant dense<0.000000e+00> : vector<1000x128xf32>
    %dot_general3A_130 = tpu.matmul %concatenate3A_12, %convert_element_type3A_129, %dot_general3A {dimension_numbers = #tpu.dot_dimension_numbers<[1], [0], [0], [1], [0, 0, 1, 1], [], []>, transpose_lhs_hint = false} : vector<1000x8xf32>, vector<8x128xf32>, vector<1000x128xf32> -> vector<1000x128xf32>
    %add3A_131 = arith.constant 9.99999971E-10 : f32
    %add3A_132 = vector.broadcast %add3A_131 : f32 to vector<1000x128xf32>
    %add3A_133 = arith.addf %dot_general3A_130, %add3A_132 : vector<1000x128xf32>
    %div3A_134 = arith.divf %concatenate3A, %add3A_133 : vector<1000x128xf32>
    %get3A_135 = arith.constant 0 : index
    %get3A_136 = arith.constant 0 : index
    %get3A_137 = vector.load %arg3[%get3A_135, %get3A_136] : memref<128x128xf32, #tpu.memory_space<vmem>>, vector<128x128xf32>
    %dot_general3A_138 = arith.constant dense<0.000000e+00> : vector<1000x128xf32>
    %dot_general3A_139 = tpu.matmul %div3A_134, %get3A_137, %dot_general3A_138 {dimension_numbers = #tpu.dot_dimension_numbers<[1], [0], [0], [1], [0, 0, 1, 1], [], []>, transpose_lhs_hint = false} : vector<1000x128xf32>, vector<128x128xf32>, vector<1000x128xf32> -> vector<1000x128xf32>
    %get3A_140 = arith.constant 0 : index
    %get3A_141 = arith.constant 0 : index
    %get3A_142 = vector.load %arg4[%get3A_140, %get3A_141] : memref<1x128xf32, #tpu.memory_space<vmem>>, vector<1x128xf32>
    %add3A_143 = vector.broadcast %get3A_142 : vector<1x128xf32> to vector<1000x128xf32>
    %add3A_144 = arith.addf %dot_general3A_139, %add3A_143 : vector<1000x128xf32>
    %get3A_145 = arith.constant 0 : index
    %get3A_146 = arith.constant 0 : index
    %get3A_147 = memref.load %arg5[%get3A_145, %get3A_146] : memref<1x1xf32, #tpu.memory_space<smem>>
    %get3A_148 = arith.constant 0 : index
    %get3A_149 = arith.constant 0 : index
    %get3A_150 = vector.load %arg2[%get3A_148, %get3A_149] : memref<1000x128xf32, #tpu.memory_space<vmem>>, vector<1000x128xf32>
    %mul3A_151 = vector.broadcast %get3A_147 : f32 to vector<1000x128xf32>
    %mul3A_152 = arith.mulf %mul3A_151, %get3A_150 : vector<1000x128xf32>
    %add3A_153 = arith.addf %add3A_144, %mul3A_152 : vector<1000x128xf32>
    %swap3A = arith.constant 0 : index
    %swap3A_154 = arith.constant 0 : index
    %swap3A_155 = vector.load %arg6[%swap3A, %swap3A_154] : memref<1000x128xf32, #tpu.memory_space<vmem>>, vector<1000x128xf32>
    tpu.vector_store %arg6[%swap3A, %swap3A_154], %add3A_153 {strides = array<i32>} : memref<1000x128xf32, #tpu.memory_space<vmem>>, vector<1000x128xf32>,
    return
  }
  func.func @transform_0(%arg0: i32) -> (i32, i32, i32) {
    %c0_i32 = arith.constant 0 : i32
    %c0_i32_0 = arith.constant 0 : i32
    %c0_i32_1 = arith.constant 0 : i32
    return %c0_i32, %arg0, %c0_i32_0 : i32, i32, i32
  }
  func.func @transform_1(%arg0: i32) -> (i32, i32) {
    %c0_i32 = arith.constant 0 : i32
    %c0_i32_0 = arith.constant 0 : i32
    return %arg0, %c0_i32 : i32, i32
  }
  func.func @transform_2(%arg0: i32) -> (i32, i32) {
    %c0_i32 = arith.constant 0 : i32
    %c0_i32_0 = arith.constant 0 : i32
    %c0_i32_1 = arith.constant 0 : i32
    return %c0_i32, %c0_i32_0 : i32, i32
  }
  func.func @transform_3(%arg0: i32) -> (i32, i32) {
    %c0_i32 = arith.constant 0 : i32
    %c0_i32_0 = arith.constant 0 : i32
    %c0_i32_1 = arith.constant 0 : i32
    return %c0_i32, %c0_i32_0 : i32, i32
  }
  func.func @transform_4(%arg0: i32) -> (i32, i32) {
    %c0_i32 = arith.constant 0 : i32
    %c0_i32_0 = arith.constant 0 : i32
    %c0_i32_1 = arith.constant 0 : i32
    return %c0_i32, %c0_i32_0 : i32, i32
  }
  func.func @transform_5(%arg0: i32) -> (i32, i32) {
    %c0_i32 = arith.constant 0 : i32
    %c0_i32_0 = arith.constant 0 : i32
    return %arg0, %c0_i32 : i32, i32
  }
}

</mosaic_0001>

<sc_bundles>
// kernel: kernel.5.cloned.1.call-start
scs
__scs_entry_jumppad:
0x0: {  	(pc) =	sbr.rel $0x88, $3  }
0x1: {  	(tag) =	ssettag $0x0;
	lr =	simm.s32 $0x1  }
0x2: {  	[smem:$0x3F93] =	sst lr;
	_ =	strace $0xD0000000  }
0x3: {  	_ = 	snop  }
0x4: {  	_ = 	snop  }
0x5: {  	_ = 	snop  }
0x6: {  	_ = 	snop  }
0x7: {  	_ = 	snop  }
__scs_overlays_trampoline_lowered:
0x8: {  	[smem:$0x3FA2] =	sst s0  }
0x9: {  	[smem:$0x3FA3] =	sst s1  }
0xa: {  	[smem:$0x3FA4] =	sst s2  }
0xb: {  	[smem:$0x3FA5] =	sst s3  }
0xc: {  	[smem:$0x3FA6] =	sst s4  }
0xd: {  	[smem:$0x3FA7] =	sst s5  }
0xe: {  	[smem:$0x3FA8] =	sst s6  }
0xf: {  	[smem:$0x3FA9] =	sst s7  }
0x10: {  	[smem:$0x3FAA] =	sst s8  }
0x11: {  	[smem:$0x3FAB] =	sst s9;
	s0 =	simm.s32 @!p0 $0x0  }
0x12: {  	s1 =	sld [smem:$0x3F91];
	s0 =	simm.s32 @p0 $0x1  }
0x13: {  	[smem:$0x3FAC] =	sst s0;
	s0 =	simm.s32 @!p1 $0x0  }
0x14: {  	s2 =	sld [smem:$0x3F90];
	s0 =	simm.s32 @p1 $0x1  }
0x15: {  	[smem:$0x3FAD] =	sst s0;
	s0 =	simm.s32 @!p2 $0x0  }
0x16: {  	s3 =	sld [smem:$0x3FDB];
	s0 =	simm.s32 @p2 $0x1  }
0x17: {  	s4 =	simm.s32 $0x1BF5;
	[smem:$0x3FAF] =	sst s0  }
0x18: {  	s0 =	sld [smem:$0x3F92];
	_ =	swait.ge [sflag:s4], $0x0  }
0x19: {  	s7 =	sld [smem:$0x3F93]  }
0x1a: {  	s8 =	sadd.s32 $0xFFFFE003, lr  }
0x1b: {  	s9 =	sadd.s32 $0xFFFFFEF7, lr;
	s5 =	simm.s32 $0xFFFFFFFF;
	p2 =	slt.u32 s8, $0xFFFFF086  }
0x1c: {  	p1 =	slt.u32 s9, $0xF7A;
	s5 =	simm.s32 @!p2 $0x0  }
0x1d: {  	s5 =	simm.s32 @p1 $0x1;
	p0 =	seq.s32 s7, s2  }
0x1e: {  	s7 =	smul.u32 @!p0 $0xF7A, s2;
	p2 =	seq.s32 @!p0 s5, $0x0  }
0x1f: {  	s9 =	smul.u32 $0xF7A, s1;
	s8 =	simm.s32 @!p0 $0x1BF5;
	p2 =	por !p2, p0  }
0x20: {  	[sflag:s8] =	ssyncset.s32 @!p0 $0xFFFFF086;
	s6 =	sadd.s32 @!p0 s3, s7;
	s7 =	simm.s32 @!p0 $0x108  }
0x21: {  	s3 =	sadd.s32 s3, s9;
	s6 =	sadd.s32 @!p0 $0x88, s6;
	s7 =	simm.s32 @p2 $0x1082  }
0x22: {  	[simem:s7], [sflag:s8] =	dma.local @!p0 [hbm:s6], $0xF7A  }
0x23: {  	s9 =	sor.u32 $0xD0000000, s2;
	s6 =	simm.s32 $0x108;
	_ =	swait.ge @!p0 [sflag:s8], $0x0  }
0x24: {  	s3 =	sadd.s32 $0x88, s3;
	s6 =	simm.s32 @!p1 $0x1082;
	[sflag:s4] =	ssyncset.s32 $0xFFFFF086  }
0x25: {  	[simem:s6], [sflag:s4] =	dma.local [hbm:s3], $0xF7A  }
0x26: {  	[smem:$0x3F93] =	sst s1;
	(tag) =	ssettag s2;
	_ =	strace s9  }
0x27: {  	s1 =	sld [smem:$0x3FA3]  }
0x28: {  	s2 =	sld [smem:$0x3FA4]  }
0x29: {  	s4 =	sld [smem:$0x3FA6]  }
0x2a: {  	p0 =	seq.s32 s5, $0x0;
	s5 =	sld [smem:$0x3FA7]  }
0x2b: {  	s6 =	sld [smem:$0x3FA8]  }
0x2c: {  	s7 =	sld [smem:$0x3FA9]  }
0x2d: {  	s3 =	simm.s32 $0x108;
	s8 =	sld [smem:$0x3FAA]  }
0x2e: {  	s3 =	simm.s32 @!p0 $0x1082;
	s9 =	sld [smem:$0x3FAB]  }
0x2f: {  	lr =	sadd.s32 s0, s3;
	s0 =	sld [smem:$0x3FA2]  }
0x30: {  	s3 =	sld [smem:$0x3FA5]  }
0x31: {  	[smem:$0x3FAE] =	sst s10  }
0x32: {  	s10 =	sld [smem:$0x3FAC];
	_ =	sdelay $0x3  }
0x33: {  	p0 =	seq.s32 s10, $0x1;
	s10 =	sld [smem:$0x3FAE];
	_ =	sdelay $0x3  }
0x34: {  	[smem:$0x3FAE] =	sst s10  }
0x35: {  	s10 =	sld [smem:$0x3FAD];
	_ =	sdelay $0x3  }
0x36: {  	p1 =	seq.s32 s10, $0x1;
	s10 =	sld [smem:$0x3FAE];
	_ =	sdelay $0x3  }
0x37: {  	[smem:$0x3FAE] =	sst s10  }
0x38: {  	s10 =	sld [smem:$0x3FAF]  }
0x39: {  	_ = 	snop;
	(pc) =	sbr.ind lr, $3  }
0x3a: {  	_ = 	snop  }
0x3b: {  	_ = 	snop  }
0x3c: {  	p2 =	seq.s32 s10, $0x1;
	s10 =	sld [smem:$0x3FAE]  }
0x3d: {  	_ =	shalt  }
0x3e: {  	_ =	shalt  }
0x3f: {  	_ =	shalt  }
0x40: {  	_ =	shalt  }
0x41: {  	_ =	shalt  }
0x42: {  	_ =	shalt  }
0x43: {  	_ =	shalt  }
0x44: {  	_ =	shalt  }
0x45: {  	_ =	shalt  }
0x46: {  	_ =	shalt  }
0x47: {  	_ =	shalt  }
0x48: {  	_ =	shalt  }
0x49: {  	_ =	shalt  }
0x4a: {  	_ =	shalt  }
0x4b: {  	_ =	shalt  }
0x4c: {  	_ =	shalt  }
0x4d: {  	_ =	shalt  }
0x4e: {  	_ =	shalt  }
0x4f: {  	_ =	shalt  }
0x50: {  	_ =	shalt  }
0x51: {  	_ =	shalt  }
0x52: {  	_ =	shalt  }
0x53: {  	_ =	shalt  }
0x54: {  	_ =	shalt  }
0x55: {  	_ =	shalt  }
0x56: {  	_ =	shalt  }
0x57: {  	_ =	shalt  }
0x58: {  	_ =	shalt  }
0x59: {  	_ =	shalt  }
0x5a: {  	_ =	shalt  }
0x5b: {  	_ =	shalt  }
0x5c: {  	_ =	shalt  }
0x5d: {  	_ =	shalt  }
0x5e: {  	_ =	shalt  }
0x5f: {  	_ =	shalt  }
0x60: {  	_ =	shalt  }
0x61: {  	_ =	shalt  }
0x62: {  	_ =	shalt  }
0x63: {  	_ =	shalt  }
0x64: {  	_ =	shalt  }
0x65: {  	_ =	shalt  }
0x66: {  	_ =	shalt  }
0x67: {  	_ =	shalt  }
0x68: {  	_ =	shalt  }
0x69: {  	_ =	shalt  }
0x6a: {  	_ =	shalt  }
0x6b: {  	_ =	shalt  }
0x6c: {  	_ =	shalt  }
0x6d: {  	_ =	shalt  }
0x6e: {  	_ =	shalt  }
0x6f: {  	_ =	shalt  }
0x70: {  	_ =	shalt  }
0x71: {  	_ =	shalt  }
0x72: {  	_ =	shalt  }
0x73: {  	_ =	shalt  }
0x74: {  	_ =	shalt  }
0x75: {  	_ =	shalt  }
0x76: {  	_ =	shalt  }
0x77: {  	_ =	shalt  }
0x78: {  	_ =	shalt  }
0x79: {  	_ =	shalt  }
0x7a: {  	_ =	shalt  }
0x7b: {  	_ =	shalt  }
0x7c: {  	_ =	shalt  }
0x7d: {  	_ =	shalt  }
0x7e: {  	_ =	shalt  }
0x7f: {  	_ =	shalt  }
0x80: {  	_ =	shalt  }
0x81: {  	_ =	shalt  }
0x82: {  	_ =	shalt  }
0x83: {  	_ =	shalt  }
0x84: {  	_ =	shalt  }
0x85: {  	_ =	shalt  }
0x86: {  	_ =	shalt  }
0x87: {  	_ =	shalt  }
.Lfunc_end0:
.L_simem_size_0:
called_computation_lowered:
.L_overlay_start_0:
0x88: {  	s2 =	sld [smem:$0x3FD9]  }
0x89: {  	s3 =	sld [smem:$0x3FFE];
	_ =	sdelay $0x1  }
0x8a: {  	s1 =	srdreg.scid  }
0x8b: {  	s0 =	sand.u32 $0x1, s1  }
0x8c: {  	s17 =	sshll.u32 s0, $0xA;
	s2 =	sadd.s32 s3, s2  }
0x8d: {  	s2 =	sadd.s32 s2, s17  }
0x8e: {  	[smem:$0x3FBA] =	sst s2  }
0x8f: {  	_ = 	snop  }
0x90: {  	s2 =	sld [smem:$0x3FD0];
	(tm) =	ssettm $0x1  }
0x91: {  	s18 =	sld [smem:$0x3FFB];
	_ =	sdelay $0x3  }
0x92: {  	_ =	strace s18  }
0x93: {  	s3 =	sld [smem:$0x3FFC];
	_ =	sdelay $0x3  }
0x94: {  	_ =	strace s3  }
0x95: {  	s3 =	sld [smem:$0x3FFD];
	_ =	sdelay $0x3  }
0x96: {  	_ =	strace s3  }
0x97: {  	_ =	strace $0x8FFFFFFF  }
0x98: {  	s19 =	sld [smem:$0x3FDB];
	_ =	sdelay $0x1  }
0x99: {  	s4 =	simm.s32 $_scs_section_size  }
0x9a: {  	s5 =	simm.s32 $_size__tile_overlayer_lowered;
	s6 =	simm.s32 $_tile_overlayer_lowered  }
0x9b: {  	s22 =	simm.s32 $0x1BFF;
	s21 =	sshll.u32 s6, $0x1;
	s3 =	sadd.s32 s4, s19  }
0x9c: {  	s7 =	simm.s32 $0x0;
	s20 =	sshll.u32 s5, $0x1;
	s5 =	sadd.s32 s21, s3  }
0x9d: {  	[timem:s7], [sflag:s22] =	dma.local [hbm:s5], s20  }
0x9e: {  	_ =	swait.ge [sflag:s22], s20  }
0x9f: {  	s4 =	ssub.s32 $0x0, s20;
	[sflag:s22] =	ssyncset.done $0x0  }
0xa0: {  	[sflag:s22] =	ssyncadd.s32 s4;
	_ =	sdelay $0x1  }
0xa1: {  	s23 =	simm.s32 $0x1B8B  }
0xa2: {  	_ =	swait.ge [sflag:s23], $0x1  }
0xa3: {  	[sflag:s23] =	ssyncset.done $0x0  }
0xa4: {  	s25 =	simm.s32 $0x1B8E;
	s24 =	sld [smem:$0x3FFE];
	[sflag:s23] =	ssyncadd.s32 $0xFFFFFFFF  }
0xa5: {  	s26 =	simm.s32 $execute0_lowered;
	[smem:$0x3FD2] =	sst s25  }
0xa6: {  	s5 =	sshll.u32 s26, $0x1;
	_ =	strace $0x80000046;
	[dreg:$0x1] =	wrdreg $0xFFFFFFFF  }
0xa7: {  	s28 =	simm.s32 $_size_execute0_lowered;
	s3 =	sadd.s32 s3, s5;
	[dreg:$0x0] =	wrdreg $0x0  }
0xa8: {  	s5 =	sshll.u32 s28, $0x1;
	[dreg:$0x2] =	wrdreg s3  }
0xa9: {  	[dreg:$0x3] =	wrdreg s5  }
0xaa: {  	[dreg:$0x4] =	wrdreg $0xC0  }
0xab: {  	_ =	task [dreg:s7], $0x5FFFF  }
0xac: {  	[dreg:$0x1] =	wrdreg $0xFFFFFFFF  }
0xad: {  	[dreg:$0x0] =	wrdreg $0x60  }
0xae: {  	[dreg:$0x2] =	wrdreg s2  }
0xaf: {  	[dreg:$0x3] =	wrdreg s24  }
0xb0: {  	[dreg:$0x4] =	wrdreg $0xFBE00  }
0xb1: {  	[dreg:$0x5] =	wrdreg $0x9  }
0xb2: {  	_ =	task.clear_ibuf [dreg:s7], $0x6FFFF;
	_ =	strace $0x90000046  }
0xb3: {  	s29 =	simm.s32 $0x9;
	_ =	strace $0x80000048  }
0xb4: {  	_ =	swait.ge [sflag:s29], $0x1  }
0xb5: {  	[sflag:s29] =	ssyncadd.s32 $0xFFFFFFFF  }
0xb6: {  	_ =	strace $0x90000048  }
0xb7: {  	_ =	sfence  }
0xb8: {  	s30 =	sld [smem:$0x0];
	_ =	sdelay $0x2  }
0xb9: {  	s31 =	sshll.u32 s1, $0xD;
	s1 =	sshrl.u32 s1, $0x2  }
0xba: {  	s3 =	sand.u32 $0x4000, s31;
	s1 =	sadd.s32 s1, s30  }
0xbb: {  	s0 =	sor.u32 s3, s0;
	s1 =	sshll.u32 s1, $0x11  }
0xbc: {  	s0 =	sor.u32 s1, s0  }
0xbd: {  	s0 =	sadd.s32 $0x8F2B, s0  }
0xbe: {  	[sflag:s0] =	ssyncadd.remote.s32 $0x1  }
0xbf: {  	_ =	sfence.sel $0xFFFF  }
0xc0: {  	[dreg:$0x0] =	wrdreg $0xFFFFFFFF;
	(pc) =	sbr.abs _section_cstart, $3  }
0xc1: {  	[dreg:$0x1] =	wrdreg $0xFFFFFFFF  }
0xc2: {  	_ =	task.clear_ibuf [dreg:s7], $0x2FFFF;
	_ =	strace $0x9FFFFFFF  }
0xc3: {  	(tm) =	ssettm $0x7FFFFFFF  }
tec
execute0_lowered:
.L_overlay_start_1:
0x0: {  	(tag) =	ssettag $0x1  }
0x1: {  	s0 =	rddreg [dreg:$0x0]  }
0x2: {  	s2 =	rddreg [dreg:$0x1]  }
0x3: {  	s1 =	rddreg [dreg:$0x2];
	s17 =	simm.s32 $0x0;
	s3 =	srdreg.scid  }
0x4: {  	s13 =	stileid.u32;
	s14 =	simm.s32 $0x5;
	s15 =	simm.s32 $0x2800  }
0x5: {  	s16 =	simm.s32 $0x7D;
	s18 =	simm.s32 $0x8E80;
	s19 =	simm.s32 $0x80  }
0x6: {  	s20 =	simm.s32 $0x6F40;
	s21 =	simm.s32 $0x2880;
	s22 =	simm.s32 $0x9E20  }
0x7: {  	s23 =	simm.s32 $0x1;
	s24 =	simm.s32 $0xADC0;
	s25 =	simm.s32 $0x2  }
0x8: {  	v0 =	vimm.s32 $0xBA98FEDC;
	s28 =	simm.s32 $0x3;
	s29 =	simm.s32 $0x4;
	[smem:$0x7FF] =	sst s17  }
0x9: {  	v1 =	vimm.s32 $0x32107654;
	v2 =	vimm.s32 $0xDCFE98BA;
	s3 =	sand.u32 $0x1, s3;
	s8 =	smul.u32 $0xC580, s13;
	s4 =	sadd.s32 $0xE00, s2  }
0xa: {  	v3 =	vimm.s32 $0x54761032;
	s9 =	sadd.s32 $0x1E600, s2;
	s5 =	sadd.s32 $0x14800, s2;
	s6 =	sadd.s32 $0x32400, s2  }
0xb: {  	v4 =	vimm.s32 $0xEFCDAB89;
	v5 =	vimm.s32 $0x67452301;
	s7 =	sadd.s32 $0x28400, s2;
	s12 =	sadd.s32 $0x3C400, s2;
	s30 =	sshll.u32 s13, $0x6  }
0xc: {  	v0 =	vunpack.c.l.s4.s8 v0;
	v1 =	vunpack.c.l.s4.s8 v1;
	v2 =	vunpack.c.l.s4.s8 v2;
	_ =	strace $0x80000047;
	s10 =	smul.u32 $0xC5800, s3;
	s11 =	ssub.s32 $0x2, s3  }
0xd: {  	v3 =	vunpack.c.l.s4.s8 v3;
	v4 =	vunpack.c.l.s4.s8 v4;
	v5 =	vunpack.c.l.s4.s8 v5;
	[dreg:$0x5] =	wrdreg s12;
	s12 =	sor.u32 $0x1C05, s30;
	p0 =	seq.s32 s3, $0x0  }
0xe: {  	s26 =	sshrl.u32 s11, $0x1;
	v0 =	vunpack.c.0.s8.s32 v0;
	v1 =	vunpack.c.0.s8.s32 v1;
	v2 =	vunpack.c.0.s8.s32 v2;
	s4 =	smov.u32 @p0 s0;
	s10 =	sadd.s32 s8, s10  }
.Ltmp0:
0xf: {  	v3 =	vunpack.c.0.s8.s32 v3;
	v4 =	vunpack.c.0.s8.s32 v4;
	v5 =	vunpack.c.0.s8.s32 v5;
	s11 =	ssub.s32 s11, s26;
	s10 =	sshrl.u32 s10, $0x3;
	(pc) =	sbr.rel .LBB2_1-.Ltmp0, $4  }
0x10: {  	vm0 =	vmmov $0x3;
	[dreg:$0x6] =	wrdreg s12;
	s31 =	smax.u32 s11, $0x1;
	v0 =	vcombine.low v1, v0;
	s2 =	sadd.s32 s10, s2  }
0x11: {  	s8 =	sadd.s32 s8, s1;
	v1 =	vcombine.low v3, v2;
	v2 =	vcombine.low v5, v4;
	v3 =	vlaneseq.u32;
	[dreg:$0x8] =	wrdreg s31;
	s2 =	sadd.s32 $0x3DE00, s2  }
0x12: {  	vm1 =	vmmov $0xf;
	s5 =	smov.u32 @p0 s9;
	v3 =	vand.u32 $0x1, v3;
	v0 =	vand.u32 $0xF, v0;
	[dreg:$0x7] =	wrdreg s2;
	s2 =	sshrl.u32 s8, $0x3  }
0x13: {  	s26 =	simm.s32 $0xD4D0;
	s10 =	smul.u32 $0x2800, s13;
	v1 =	vand.u32 $0xF, v1;
	v2 =	vand.u32 $0xF, v2;
	v3 =	vmul.u32 $0x8, v3;
	[dreg:$0x9] =	wrdreg s2  }
.LBB2_10:
0x14: {  	[bflag:$0x0] =	sbarrier.arrive $0xFFFF  }
0x15: {  	s12 =	rddreg [dreg:$0x6]  }
0x16: {  	s0 =	rddreg [dreg:$0x7]  }
0x17: {  	s2 =	rddreg [dreg:$0x9]  }
0x18: {  	[hbm:s0], [sflag:s12] =	dma.local [spmem:s2], $0x18B0  }
0x19: {  	_ =	swait.ge [sflag:s14], $0x18B0  }
0x1a: {  	s17 =	rddreg [dreg:$0x4]  }
0x1b: {  	s31 =	rddreg [dreg:$0x8];
	s17 =	sadd.s32 $0x1, s17  }
0x1c: {  	p0 =	sne.s32 s17, s31  }
.Ltmp1:
0x1d: {  	_ = 	snop;
	(pc) =	sbr.rel @!p0 .LBB2_11-.Ltmp1, $3  }
0x1e: {  	_ =	sdelay $0x1  }
0x1f: {  	[sflag:s14] =	ssyncset.done $0x0  }
0x20: {  	[sflag:s14] =	ssyncadd.s32 $0xFFFFE750  }
.LBB2_1:
0x21: {  	[dreg:$0x4] =	wrdreg s17  }
0x22: {  	s0 =	rddreg [dreg:$0x5]  }
0x23: {  	[spmem:s2], [sflag:s12] =	dma.local [hbm:s0], $0x18B0  }
.Ltmp2:
0x24: {  	_ =	swait.ge [sflag:s14], $0x18B0;
	(pc) =	sbr.rel .LBB2_2-.Ltmp2, $4  }
0x25: {  	[sflag:s14] =	ssyncset.done $0x0  }
0x26: {  	[sflag:s14] =	ssyncadd.s32 $0xFFFFE750  }
0x27: {  	[bflag:$0x0] =	sbarrier.arrive $0xFFFF  }
0x28: {  	p1 =	por $0x1, $0x1;
	s0 =	simm.s32 $0x0  }
.LBB2_9:
0x29: {  	_ =	swait.ge [sflag:s28], $0x2710  }
.Ltmp3:
0x2a: {  	[sflag:s28] =	ssyncset.done $0x0;
	(pc) =	sbr.rel @!p0 .LBB2_10-.Ltmp3, $4  }
0x2b: {  	[sflag:s28] =	ssyncadd.s32 $0xFFFFD8F0  }
0x2c: {  	_ =	swait.ge [sflag:s29], $0x2710  }
0x2d: {  	[sflag:s29] =	ssyncset.done $0x0  }
0x2e: {  	s0 =	simm.s32 $0x28000;
	p1 =	por $0x0, $0x0;
	[sflag:s29] =	ssyncadd.s32 $0xFFFFD8F0  }
.LBB2_2:
0x2f: {  	s0 =	sadd.s32 s10, s0  }
0x30: {  	s0 =	sshrl.u32 s0, $0x3  }
0x31: {  	s30 =	simm.s32 $0x0;
	s2 =	sadd.s32 s6, s0  }
0x32: {  	[tilespmem:s30], [sflag:$0x5] =	stream.linear.gather [hbm4b:s2+s30], $0x2800, $0x38;
	[tilespmem:$0x1C160] =	vst v63  }
0x33: {  	_ =	swait.ge [sflag:s14], $0x2800  }
0x34: {  	[sflag:s14] =	ssyncset.done $0x0  }
0x35: {  	s0 =	sadd.s32 s7, s0;
	[sflag:s14] =	ssyncadd.s32 $0xFFFFD800  }
0x36: {  	[tilespmem:s15], [sflag:$0x5] =	stream.linear.gather [hbm4b:s0+s30], $0x2800, $0x38;
	[tilespmem:$0x1C160] =	vst v63  }
0x37: {  	_ =	swait.ge [sflag:s14], $0x2800  }
0x38: {  	[sflag:s14] =	ssyncset.done $0x0  }
0x39: {  	s31 =	simm.s32 $0x5000;
	[sflag:s14] =	ssyncadd.s32 $0xFFFFD800  }
0x3a: {  	[tilespmem:s31], [sflag:$0x1] =	stream.indirect.gather [hbm4b:s4+s16], $0x40, s30, s16, $0xb8;
	[tilespmem:$0x1C160] =	vst v63  }
0x3b: {  	_ = 	snop  }
0x3c: {  	[tilespmem:s18], [sflag:$0x1] =	stream.indirect.gather [hbm4b:s5+s16], $0x20, s15, s16, $0xb8;
	[tilespmem:$0x1C160] =	vst v63  }
0x3d: {  	_ = 	snop  }
0x3e: {  	[tilespmem:s20], [sflag:$0x2] =	stream.indirect.gather [hbm4b:s4+s16], $0x40, s19, s16, $0xb8;
	[tilespmem:$0x1C160] =	vst v63  }
0x3f: {  	p0 =	por p1, p1  }
0x40: {  	[tilespmem:s22], [sflag:$0x2] =	stream.indirect.gather [hbm4b:s5+s16], $0x20, s21, s16, $0xb8;
	[tilespmem:$0x1C160] =	vst v63  }
.LBB2_3:
0x41: {  	_ =	swait.ge [sflag:s23], $0x1F40  }
0x42: {  	[sflag:s23] =	ssyncset.done $0x0  }
0x43: {  	[sflag:s23] =	ssyncadd.s32 $0xFFFFE0C0  }
0x44: {  	_ =	swait.ge [sflag:s23], $0xFA0  }
0x45: {  	p1 =	seq.s32 s30, $0x0;
	[sflag:s23] =	ssyncset.done $0x0  }
0x46: {  	s0 =	simm.s32 @!p1 $0x3;
	[sflag:s23] =	ssyncadd.s32 $0xFFFFF060  }
0x47: {  	_ =	swait.ge @!p1 [sflag:s0], $0x2710  }
0x48: {  	[sflag:s0] =	ssyncset.done @!p1 $0x0  }
0x49: {  	s13 =	simm.s32 $0x8EC0;
	[sflag:s0] =	ssyncadd.s32 @!p1 $0xFFFFD8F0  }
0x4a: {  	s11 =	simm.s32 $0x5080;
	v4 =	vld [tilespmem:s13+$0x20]  }
0x4b: {  	v5 =	vld [tilespmem:s11+$0x40]  }
0x4c: {  	v6 =	vld [tilespmem:s13+$0x30]  }
0x4d: {  	v7 =	vld [tilespmem:s11+$0x50]  }
0x4e: {  	v9 =	vld [tilespmem:s13+$0xFFFFFFD0]  }
0x4f: {  	v10 =	vld [tilespmem:s11+$0xFFFFFF90]  }
0x50: {  	v11 =	vld [tilespmem:s13+$0xFFFFFFE0]  }
0x51: {  	v13 =	vld [tilespmem:s11+$0xFFFFFFD0];
	v4 =	vmul.bf16 v5, v4  }
0x52: {  	v14 =	vld [tilespmem:s13+$0x0];
	v6 =	vmul.bf16 v7, v6  }
0x53: {  	v5 =	vld [tilespmem:s11+$0xFFFFFFC0];
	v12 =	vunpack.i.u.bf16.f32 v4;
	v4 =	vunpack.i.l.bf16.f32 v4  }
0x54: {  	v7 =	vld [tilespmem:s13+$0xFFFFFFF0];
	v4 =	vadd.f32 v4, v12;
	v12 =	vunpack.i.u.bf16.f32 v6;
	v6 =	vunpack.i.l.bf16.f32 v6  }
0x55: {  	v9 =	vmul.bf16 v10, v9;
	v10 =	vld [tilespmem:s11+$0x0];
	v6 =	vadd.f32 v6, v12  }
0x56: {  	v8 =	vld [tilespmem:s11+$0xFFFFFF80];
	v12 =	vperm.xlane v4, v0  }
0x57: {  	v17 =	vld [tilespmem:s11+$0x10];
	v16 =	vunpack.i.u.bf16.f32 v9;
	v15 =	vperm.xlane v6, v0  }
0x58: {  	v9 =	vunpack.i.l.bf16.f32 v9;
	v5 =	vmul.bf16 v5, v11;
	v11 =	vld [tilespmem:s13+$0x10];
	v4 =	vadd.f32 v12, v4  }
0x59: {  	v9 =	vadd.f32 v9, v16;
	v7 =	vmul.bf16 v13, v7;
	v12 =	vld [tilespmem:s13+$0xFFFFFFC0];
	v6 =	vadd.f32 v15, v6  }
0x5a: {  	v10 =	vmul.bf16 v10, v14;
	v18 =	vunpack.i.u.bf16.f32 v5;
	v13 =	vperm.xlane v4, v1  }
0x5b: {  	v5 =	vunpack.i.l.bf16.f32 v5;
	v15 =	vunpack.i.u.bf16.f32 v7;
	v14 =	vperm.xlane v6, v1  }
0x5c: {  	v5 =	vadd.f32 v5, v18;
	v7 =	vunpack.i.l.bf16.f32 v7;
	v4 =	vadd.f32 v13, v4  }
0x5d: {  	v7 =	vadd.f32 v7, v15;
	v11 =	vmul.bf16 v17, v11;
	v6 =	vadd.f32 v14, v6  }
0x5e: {  	v13 =	vunpack.i.u.bf16.f32 v10;
	v8 =	vmul.bf16 v8, v12;
	v12 =	vperm.xlane v4, v2  }
0x5f: {  	v10 =	vunpack.i.l.bf16.f32 v10;
	v14 =	vunpack.i.u.bf16.f32 v11;
	v16 =	vperm.xlane v6, v2  }
0x60: {  	v17 =	vunpack.i.u.bf16.f32 v8;
	v8 =	vunpack.i.l.bf16.f32 v8;
	v4 =	vadd.f32 v12, v4  }
0x61: {  	v11 =	vunpack.i.l.bf16.f32 v11;
	v8 =	vadd.f32 v8, v17;
	v12 =	vperm.xlane v9, v0  }
0x62: {  	v10 =	vadd.f32 v10, v13;
	v6 =	vadd.f32 v16, v6;
	v4 =	vmul.f32 $1.442695020e+00, v4  }
0x63: {  	v13 =	vperm.xlane v8, v0;
	v9 =	vadd.f32 v12, v9;
	v12 =	vperm.xlane v5, v0  }
0x64: {  	v11 =	vadd.f32 v11, v14;
	v6 =	vmul.f32 $1.442695020e+00, v6;
	(erf) = vpow2.f32 v4  }
0x65: {  	v4 =	vadd.f32 v13, v8;
	v8 =	vperm.xlane v7, v0;
	v14 =	vperm.xlane v9, v1  }
0x66: {  	v5 =	vadd.f32 v12, v5;
	(erf) = vpow2.f32 v6;
	v6 =	vperm.xlane v10, v0  }
0x67: {  	v12 =	vperm.xlane v11, v0;
	v13 =	vperm.xlane v4, v1;
	v7 =	vadd.f32 v8, v7  }
0x68: {  	v8 =	vperm.xlane v5, v1;
	v9 =	vadd.f32 v14, v9;
	v6 =	vadd.f32 v6, v10  }
0x69: {  	v10 =	vadd.f32 v12, v11;
	v4 =	vadd.f32 v13, v4  }
0x6a: {  	v11 =	vperm.xlane v7, v1;
	v5 =	vadd.f32 v8, v5;
	v14 =	vperm.xlane v9, v2  }
0x6b: {  	v8 =	vperm.xlane v6, v1;
	v12 =	vperm.xlane v10, v1  }
0x6c: {  	s0 =	simm.s32 $0x5180;
	v13 =	vperm.xlane v4, v2;
	v11 =	vadd.f32 v11, v7;
	v7 =	vperm.xlane v5, v2  }
0x6d: {  	s3 =	simm.s32 $0x8F40;
	v19 =	vld [tilespmem:s0+$0xFFFFFFC0];
	v9 =	vadd.f32 v14, v9;
	v6 =	vadd.f32 v8, v6  }
0x6e: {  	v23 =	vld [tilespmem:s3+$0xFFFFFFF0];
	v8 =	vadd.f32 v12, v10;
	v4 =	vadd.f32 v13, v4;
	v10 =	vperm.xlane v11, v2  }
0x6f: {  	v15 =	vld [tilespmem:s3+$0x20];
	v5 =	vadd.f32 v7, v5;
	v9 =	vmul.f32 $1.442695020e+00, v9;
	v12 =	vpop (erf);
	v13 =	vperm.xlane v6, v2  }
0x70: {  	v16 =	vld [tilespmem:s0+$0x40];
	v14 =	vperm.xlane v8, v2;
	v7 =	vpop (erf);
	v10 =	vadd.f32 v10, v11;
	v4 =	vmul.f32 $1.442695020e+00, v4  }
0x71: {  	v11 =	vperm.xlane v12, v3;
	v17 =	vperm.xlane v7, v3;
	v6 =	vadd.f32 v13, v6;
	v13 =	vld [tilespmem:s3+$0x30]  }
0x72: {  	v5 =	vmul.f32 $1.442695020e+00, v5;
	v8 =	vadd.f32 v14, v8;
	(erf) = vpow2.f32 v4;
	v4 =	vld [tilespmem:s0+$0x50]  }
0x73: {  	s17 =	simm.s32 $0x8FC0;
	v25 =	vld [tilespmem:s0+$0xFFFFFFD0];
	v10 =	vmul.f32 $1.442695020e+00, v10;
	v11 =	vsel vm0, v11, v17;
	(erf) = vpow2.f32 v9  }
0x74: {  	s2 =	simm.s32 $0xAE60;
	s12 =	simm.s32 $0x5280;
	v34 =	vld [tilespmem:s17+$0xFFFFFFF0];
	v6 =	vmul.f32 $1.442695020e+00, v6;
	v9 =	vnsel vm1, $0x0, v11;
	(erf) = vpow2.f32 v5  }
0x75: {  	v35 =	vld [tilespmem:s12+$0xFFFFFFD0];
	v5 =	vmul.f32 $1.442695020e+00, v8;
	[tilespmem:s2+$0x90] =	vst v9;
	(erf) = vpow2.f32 v10  }
0x76: {  	v9 =	vld [tilespmem:s11+$0x60];
	(erf) = vpow2.f32 v6;
	v6 =	vmul.bf16 v16, v15  }
0x77: {  	v16 =	vld [tilespmem:s3+$0xFFFFFFE0];
	v4 =	vmul.bf16 v4, v13  }
0x78: {  	v14 =	vld [tilespmem:s0+$0xFFFFFF90];
	(erf) = vpow2.f32 v5;
	v5 =	vunpack.i.u.bf16.f32 v6;
	v6 =	vunpack.i.l.bf16.f32 v6  }
0x79: {  	v23 =	vmul.bf16 v25, v23;
	v13 =	vld [tilespmem:s3+$0xFFFFFFD0];
	v6 =	vadd.f32 v6, v5  }
0x7a: {  	v34 =	vmul.bf16 v35, v34;
	v5 =	vunpack.i.u.bf16.f32 v4;
	v4 =	vunpack.i.l.bf16.f32 v4  }
0x7b: {  	v15 =	vadd.f32 v4, v5;
	v4 =	vunpack.i.l.bf16.f32 v9;
	v17 =	vperm.xlane v6, v0  }
0x7c: {  	v49 =	vld [tilespmem:s17+$0xFFFFFFE0];
	v8 =	vpop (erf);
	v16 =	vmul.bf16 v19, v16;
	v18 =	vmul.f32 v4, v12  }
0x7d: {  	v50 =	vld [tilespmem:s12+$0xFFFFFFC0];
	v9 =	vunpack.i.u.bf16.f32 v9;
	v20 =	vperm.xlane v15, v0;
	v21 =	vperm.xlane v8, v3  }
0x7e: {  	v59 =	vld [tilespmem:s0+$0x10];
	v60 =	vunpack.i.u.bf16.f32 v23;
	v5 =	vpop (erf);
	v12 =	vmul.f32 v9, v12;
	v13 =	vmul.bf16 v14, v13  }
0x7f: {  	v11 =	vld [tilespmem:s0+$0xFFFFFF80];
	v22 =	vperm.xlane v5, v3;
	v10 =	vpop (erf);
	v17 =	vadd.f32 v17, v6;
	v31 =	vunpack.i.u.bf16.f32 v16  }
0x80: {  	v19 =	vld [tilespmem:s3+$0xFFFFFFC0];
	v16 =	vunpack.i.l.bf16.f32 v16;
	v24 =	vperm.xlane v10, v3;
	v15 =	vadd.f32 v20, v15  }
0x81: {  	v14 =	vld [tilespmem:s3+$0x10];
	v58 =	vunpack.i.u.bf16.f32 v13;
	v13 =	vunpack.i.l.bf16.f32 v13;
	v16 =	vadd.f32 v16, v31  }
0x82: {  	v4 =	vpop (erf);
	v31 =	vmul.bf16 v50, v49;
	v6 =	vsel vm0, v21, v22;
	v22 =	vperm.xlane v17, v1  }
0x83: {  	v20 =	vperm.xlane v4, v3;
	v9 =	vpop (erf);
	v13 =	vadd.f32 v13, v58;
	v29 =	vperm.xlane v15, v1  }
0x84: {  	v28 =	vld [tilespmem:s0+$0x0];
	v26 =	vnsel vm1, $0x0, v6;
	v27 =	vperm.xlane v9, v3;
	v17 =	vadd.f32 v22, v17  }
0x85: {  	[tilespmem:s2+$0x50] =	vst v18;
	v21 =	vld [tilespmem:s3+$0x0];
	v11 =	vmul.bf16 v11, v19;
	v18 =	vperm.xlane v16, v0;
	v15 =	vadd.f32 v29, v15  }
0x86: {  	v20 =	vsel vm0, v24, v20;
	v14 =	vmul.bf16 v59, v14;
	v30 =	vperm.xlane v17, v2  }
0x87: {  	v61 =	vperm.xlane v13, v0;
	v59 =	vunpack.i.u.bf16.f32 v31;
	v32 =	vperm.xlane v15, v2  }
0x88: {  	v46 =	vld [tilespmem:s17+$0xFFFFFFD0];
	v31 =	vunpack.i.l.bf16.f32 v31;
	v6 =	vpop (erf);
	v20 =	vnsel vm1, $0x0, v20;
	v17 =	vadd.f32 v30, v17  }
0x89: {  	v48 =	vld [tilespmem:s12+$0xFFFFFF90];
	v19 =	vunpack.i.u.bf16.f32 v11;
	v22 =	vperm.xlane v6, v3;
	v15 =	vadd.f32 v32, v15  }
0x8a: {  	v53 =	vld [tilespmem:s17+$0x10];
	v11 =	vunpack.i.l.bf16.f32 v11;
	v21 =	vmul.bf16 v28, v21;
	v17 =	vmul.f32 $1.442695020e+00, v17  }
0x8b: {  	v56 =	vld [tilespmem:s12+$0x10];
	[tilespmem:s2+$0x60] =	vst v12;
	v11 =	vadd.f32 v11, v19;
	v12 =	vadd.f32 v61, v13;
	v15 =	vmul.f32 $1.442695020e+00, v15  }
0x8c: {  	v19 =	vunpack.i.l.bf16.f32 v21;
	(erf) = vpow2.f32 v17;
	v17 =	vunpack.i.l.bf16.f32 v23  }
0x8d: {  	v23 =	vperm.xlane v11, v0;
	(erf) = vpow2.f32 v15;
	v15 =	vunpack.i.u.bf16.f32 v21  }
0x8e: {  	v21 =	vunpack.i.u.bf16.f32 v14;
	v14 =	vunpack.i.l.bf16.f32 v14;
	v17 =	vadd.f32 v17, v60  }
0x8f: {  	v28 =	vmul.bf16 v48, v46;
	v15 =	vadd.f32 v19, v15;
	v14 =	vadd.f32 v14, v21  }
0x90: {  	v30 =	vmul.bf16 v56, v53;
	v11 =	vadd.f32 v23, v11;
	v19 =	vperm.xlane v17, v0  }
0x91: {  	v16 =	vadd.f32 v18, v16;
	v13 =	vperm.xlane v15, v0;
	v21 =	vperm.xlane v14, v0  }
0x92: {  	v18 =	vperm.xlane v11, v1;
	v17 =	vadd.f32 v19, v17;
	v19 =	vperm.xlane v12, v1  }
0x93: {  	v13 =	vadd.f32 v13, v15;
	v14 =	vadd.f32 v21, v14;
	v15 =	vperm.xlane v16, v1  }
0x94: {  	v11 =	vadd.f32 v18, v11;
	v18 =	vperm.xlane v17, v1;
	v12 =	vadd.f32 v19, v12  }
0x95: {  	v19 =	vperm.xlane v13, v1;
	v62 =	vperm.xlane v14, v1;
	v15 =	vadd.f32 v15, v16  }
0x96: {  	v45 =	vld [tilespmem:s12+$0xFFFFFF80];
	v42 =	vperm.xlane v11, v2;
	v21 =	vpop (erf);
	v43 =	vperm.xlane v12, v2;
	v17 =	vadd.f32 v18, v17  }
0x97: {  	v54 =	vld [tilespmem:s17+$0xFFFFFFC0];
	v63 =	vpop (erf);
	v16 =	vperm.xlane v21, v3;
	v18 =	vperm.xlane v15, v2;
	v13 =	vadd.f32 v19, v13  }
0x98: {  	v23 =	vld [tilespmem:s11+$0x70];
	v11 =	vadd.f32 v42, v11;
	v14 =	vadd.f32 v62, v14;
	v40 =	vperm.xlane v63, v3  }
0x99: {  	v12 =	vadd.f32 v43, v12;
	v19 =	vperm.xlane v17, v2;
	v15 =	vadd.f32 v18, v15  }
0x9a: {  	v11 =	vmul.f32 $1.442695020e+00, v11;
	v24 =	vperm.xlane v14, v2;
	v16 =	vsel vm0, v16, v40  }
0x9b: {  	s8 =	simm.s32 $0xAFA0;
	v17 =	vadd.f32 v19, v17;
	v12 =	vmul.f32 $1.442695020e+00, v12;
	v16 =	vnsel vm1, $0x0, v16  }
0x9c: {  	v19 =	vsel vm0, v27, v22;
	v27 =	vmul.bf16 v45, v54;
	v15 =	vmul.f32 $1.442695020e+00, v15;
	[tilespmem:s8+$0x90] =	vst v16  }
0x9d: {  	[tilespmem:s2+$0xFFFFFFA0] =	vst v26;
	v41 =	vunpack.i.u.bf16.f32 v23;
	(erf) = vpow2.f32 v11;
	v16 =	vperm.xlane v13, v2;
	v18 =	vld [tilespmem:s0+$0x60]  }
0x9e: {  	[tilespmem:s2+$0xFFFFFFF0] =	vst v20;
	v20 =	vld [tilespmem:s11+$0xFFFFFFA0];
	v19 =	vnsel vm1, $0x0, v19;
	v11 =	vmul.f32 v41, v7;
	v14 =	vadd.f32 v24, v14  }
0x9f: {  	v22 =	vld [tilespmem:s17+$0x20];
	v17 =	vmul.f32 $1.442695020e+00, v17;
	(erf) = vpow2.f32 v12;
	v13 =	vadd.f32 v16, v13  }
0xa0: {  	v55 =	vunpack.i.u.bf16.f32 v28;
	[tilespmem:s2+$0x40] =	vst v19;
	v12 =	vld [tilespmem:s11+$0xFFFFFFE0];
	(erf) = vpow2.f32 v15;
	v14 =	vmul.f32 $1.442695020e+00, v14  }
0xa1: {  	v28 =	vunpack.i.l.bf16.f32 v28;
	v19 =	vld [tilespmem:s11+$0x20];
	(erf) = vpow2.f32 v17;
	v13 =	vmul.f32 $1.442695020e+00, v13  }
0xa2: {  	v17 =	vunpack.i.l.bf16.f32 v23;
	v23 =	vld [tilespmem:s17+$0x30];
	v15 =	vunpack.i.l.bf16.f32 v18;
	v16 =	vunpack.i.u.bf16.f32 v18  }
0xa3: {  	v18 =	vld [tilespmem:s12+$0x40];
	(erf) = vpow2.f32 v13;
	v13 =	vunpack.i.l.bf16.f32 v20;
	v15 =	vmul.f32 v15, v21  }
0xa4: {  	v16 =	vmul.f32 v16, v21;
	v21 =	vmul.f32 v17, v7;
	v7 =	vunpack.i.u.bf16.f32 v20;
	v20 =	vld [tilespmem:s12+$0x50]  }
0xa5: {  	v28 =	vadd.f32 v28, v55;
	v62 =	vunpack.i.u.bf16.f32 v27;
	(erf) = vpow2.f32 v14  }
0xa6: {  	v24 =	vmul.f32 v13, v8;
	v17 =	vmul.f32 v7, v8;
	v7 =	vunpack.i.l.bf16.f32 v19  }
0xa7: {  	[tilespmem:s8+$0x50] =	vst v15;
	v15 =	vunpack.i.u.bf16.f32 v12;
	v12 =	vunpack.i.l.bf16.f32 v12;
	v14 =	vmul.f32 v7, v9  }
0xa8: {  	v27 =	vunpack.i.l.bf16.f32 v27;
	[tilespmem:s8+$0x60] =	vst v16;
	v16 =	vmul.f32 v12, v10;
	v18 =	vmul.bf16 v18, v22  }
0xa9: {  	v19 =	vunpack.i.u.bf16.f32 v19;
	v13 =	vpop (erf);
	v15 =	vmul.f32 v15, v10;
	v20 =	vmul.bf16 v20, v23  }
0xaa: {  	v44 =	vld [tilespmem:s0+$0x70];
	v10 =	vperm.xlane v13, v3;
	v33 =	vunpack.i.u.bf16.f32 v18;
	v18 =	vunpack.i.l.bf16.f32 v18  }
0xab: {  	v7 =	vpop (erf);
	v18 =	vadd.f32 v18, v33;
	v51 =	vunpack.i.u.bf16.f32 v20;
	v20 =	vunpack.i.l.bf16.f32 v20  }
0xac: {  	v19 =	vmul.f32 v19, v9;
	v47 =	vperm.xlane v7, v3;
	v12 =	vpop (erf);
	v20 =	vadd.f32 v20, v51  }
0xad: {  	v27 =	vadd.f32 v27, v62;
	v22 =	vperm.xlane v12, v3;
	v8 =	vpop (erf);
	v36 =	vperm.xlane v18, v0  }
0xae: {  	v23 =	vperm.xlane v8, v3;
	v29 =	vsel vm0, v10, v47;
	v40 =	vperm.xlane v20, v0  }
0xaf: {  	v10 =	vpop (erf);
	v38 =	vunpack.i.u.bf16.f32 v44;
	v26 =	vunpack.i.l.bf16.f32 v44;
	v18 =	vadd.f32 v36, v18  }
0xb0: {  	v29 =	vnsel vm1, $0x0, v29;
	v52 =	vperm.xlane v10, v3;
	v20 =	vadd.f32 v40, v20  }
0xb1: {  	v22 =	vsel vm0, v22, v23;
	v38 =	vmul.f32 v38, v63;
	v57 =	vperm.xlane v18, v1  }
0xb2: {  	v39 =	vld [tilespmem:s12+$0x0];
	v25 =	vmul.f32 v26, v63;
	v26 =	vadd.f32 v31, v59;
	v58 =	vperm.xlane v20, v1  }
0xb3: {  	v9 =	vpop (erf);
	v23 =	vld [tilespmem:s17+$0x0];
	v63 =	vunpack.i.u.bf16.f32 v34;
	v34 =	vunpack.i.l.bf16.f32 v34;
	v18 =	vadd.f32 v57, v18  }
0xb4: {  	v37 =	vperm.xlane v9, v3;
	v32 =	vadd.f32 v34, v63;
	v20 =	vadd.f32 v58, v20  }
0xb5: {  	v22 =	vnsel vm1, $0x0, v22;
	v41 =	vperm.xlane v26, v0;
	v60 =	vperm.xlane v18, v2  }
0xb6: {  	v33 =	vsel vm0, v52, v37;
	v37 =	vunpack.i.u.bf16.f32 v30;
	v61 =	vperm.xlane v20, v2  }
0xb7: {  	v30 =	vunpack.i.l.bf16.f32 v30;
	v40 =	vperm.xlane v27, v0;
	v18 =	vadd.f32 v60, v18  }
0xb8: {  	[tilespmem:s8+$0xFFFFFFA0] =	vst v29;
	v42 =	vperm.xlane v32, v0;
	v23 =	vmul.bf16 v39, v23;
	v20 =	vadd.f32 v61, v20  }
0xb9: {  	[tilespmem:s8+$0xFFFFFFF0] =	vst v22;
	v22 =	vld [tilespmem:s0+$0xFFFFFFA0];
	v30 =	vadd.f32 v30, v37;
	v39 =	vperm.xlane v28, v0;
	v18 =	vmul.f32 $1.442695020e+00, v18  }
0xba: {  	v36 =	vunpack.i.u.bf16.f32 v23;
	v23 =	vunpack.i.l.bf16.f32 v23;
	v20 =	vmul.f32 $1.442695020e+00, v20  }
0xbb: {  	v48 =	vnsel vm1, $0x0, v33;
	v57 =	vld [tilespmem:s0+$0xFFFFFFE0];
	v23 =	vadd.f32 v23, v36;
	(erf) = vpow2.f32 v18  }
0xbc: {  	v28 =	vadd.f32 v39, v28;
	v18 =	vadd.f32 v40, v27;
	(erf) = vpow2.f32 v20  }
0xbd: {  	v44 =	vperm.xlane v30, v0;
	v43 =	vperm.xlane v23, v0;
	v20 =	vadd.f32 v41, v26  }
0xbe: {  	[tilespmem:s2+$0x0] =	vst v14;
	v14 =	vunpack.i.l.bf16.f32 v22;
	v46 =	vperm.xlane v28, v1;
	v45 =	vperm.xlane v18, v1  }
0xbf: {  	v14 =	vmul.f32 v14, v13;
	v23 =	vadd.f32 v43, v23;
	v47 =	vperm.xlane v20, v1  }
0xc0: {  	v28 =	vadd.f32 v46, v28;
	v63 =	vunpack.i.u.bf16.f32 v57;
	v18 =	vadd.f32 v45, v18  }
0xc1: {  	[tilespmem:s2+$0x80] =	vst v11;
	v27 =	vadd.f32 v42, v32;
	v11 =	vadd.f32 v47, v20;
	v20 =	vperm.xlane v23, v1  }
0xc2: {  	[tilespmem:s2+$0x70] =	vst v21;
	v51 =	vperm.xlane v28, v2;
	v26 =	vadd.f32 v44, v30;
	v21 =	vperm.xlane v18, v2  }
0xc3: {  	v49 =	vperm.xlane v27, v1;
	v52 =	vperm.xlane v11, v2;
	v20 =	vadd.f32 v20, v23  }
0xc4: {  	v53 =	vadd.f32 v51, v28;
	v50 =	vperm.xlane v26, v1;
	v21 =	vadd.f32 v21, v18;
	v18 =	vpop (erf)  }
0xc5: {  	[tilespmem:s2+$0xFFFFFF60] =	vst v24;
	v27 =	vadd.f32 v49, v27;
	v24 =	vadd.f32 v52, v11;
	v55 =	vperm.xlane v20, v2;
	v11 =	vpop (erf)  }
0xc6: {  	[tilespmem:s2+$0xFFFFFF70] =	vst v17;
	v23 =	vadd.f32 v50, v26;
	v58 =	vperm.xlane v18, v3;
	v59 =	vperm.xlane v11, v3  }
0xc7: {  	[tilespmem:s2+$0xFFFFFFB0] =	vst v16;
	v16 =	vmul.f32 $1.442695020e+00, v53;
	v54 =	vperm.xlane v27, v2;
	v17 =	vadd.f32 v55, v20  }
0xc8: {  	v61 =	vld [tilespmem:s11+$0xFFFFFFB0];
	v56 =	vperm.xlane v23, v2;
	v21 =	vmul.f32 $1.442695020e+00, v21;
	v60 =	vsel vm0, v58, v59  }
0xc9: {  	s9 =	simm.s32 $0xB0E0;
	[tilespmem:s8+$0x40] =	vst v48;
	v27 =	vadd.f32 v54, v27;
	v62 =	vmul.f32 $1.442695020e+00, v17;
	v17 =	vnsel vm1, $0x0, v60  }
0xca: {  	v20 =	vld [tilespmem:s0+$0x20];
	v23 =	vadd.f32 v56, v23;
	v24 =	vmul.f32 $1.442695020e+00, v24;
	(erf) = vpow2.f32 v21;
	[tilespmem:s9+$0x90] =	vst v17  }
0xcb: {  	[tilespmem:s2+$0xFFFFFFC0] =	vst v15;
	v15 =	vmul.f32 $1.442695020e+00, v27;
	v21 =	vunpack.i.u.bf16.f32 v22;
	(erf) = vpow2.f32 v16;
	v17 =	vld [tilespmem:s12+$0x60]  }
0xcc: {  	[tilespmem:s2+$0x10] =	vst v19;
	v22 =	vunpack.i.l.bf16.f32 v57;
	v23 =	vmul.f32 $1.442695020e+00, v23;
	(erf) = vpow2.f32 v24  }
0xcd: {  	[tilespmem:s8+$0x80] =	vst v38;
	v13 =	vmul.f32 v21, v13;
	v16 =	vunpack.i.u.bf16.f32 v61;
	(erf) = vpow2.f32 v15;
	v15 =	vld [tilespmem:s11+$0xFFFFFFF0]  }
0xce: {  	[tilespmem:s8+$0xFFFFFF60] =	vst v14;
	v14 =	vld [tilespmem:s11+$0x30];
	v22 =	vmul.f32 v22, v12;
	v21 =	vunpack.i.l.bf16.f32 v61;
	(erf) = vpow2.f32 v62  }
0xcf: {  	s31 =	sshll.u32 s30, $0x8;
	[tilespmem:s8+$0x70] =	vst v25;
	v19 =	vunpack.i.u.bf16.f32 v20;
	v20 =	vunpack.i.l.bf16.f32 v20;
	(erf) = vpow2.f32 v23  }
0xd0: {  	s13 =	simm.s32 $0x8;
	s3 =	simm.s32 $0x9040;
	v12 =	vmul.f32 v63, v12;
	[tilespmem:s8+$0xFFFFFF70] =	vst v13;
	s11 =	simm.s32 $0x5280;
	v20 =	vmul.f32 v20, v10;
	v23 =	vunpack.i.l.bf16.f32 v17  }
.LBB2_4:
0xd1: {  	v24 =	vld [tilespmem:s3+$0x20];
	v13 =	vunpack.i.u.bf16.f32 v17;
	v17 =	vmul.f32 v23, v18;
	s12 =	sadd.s32 $0x100, s12;
	[tilespmem:s8+$0xFFFFFFB0] =	vst v22;
	v10 =	vmul.f32 v19, v10  }
0xd2: {  	v19 =	vld [tilespmem:s12+$0x40];
	v28 =	vmul.f32 v13, v18;
	[tilespmem:s8+$0xFFFFFFC0] =	vst v12;
	v18 =	vunpack.i.u.bf16.f32 v15;
	v15 =	vunpack.i.l.bf16.f32 v15  }
0xd3: {  	v22 =	vld [tilespmem:s3+$0x30];
	[tilespmem:s9+$0x50] =	vst v17;
	v12 =	vpop (erf);
	v17 =	vmul.f32 v21, v5;
	v21 =	vunpack.i.u.bf16.f32 v14;
	v14 =	vunpack.i.l.bf16.f32 v14  }
0xd4: {  	v16 =	vmul.f32 v16, v5;
	v5 =	vmov v7;
	v23 =	vld [tilespmem:s12+$0x50];
	v25 =	vperm.xlane v12, v3;
	[tilespmem:s9+$0x60] =	vst v28;
	v7 =	vpop (erf)  }
0xd5: {  	v15 =	vmul.f32 v15, v4;
	v26 =	vperm.xlane v7, v3;
	v27 =	vld [tilespmem:s11+$0x70];
	v13 =	vpop (erf);
	[tilespmem:s8+$0x0] =	vst v20  }
0xd6: {  	s13 =	sadd.s32 $0x4, s13;
	v18 =	vmul.f32 v18, v4;
	v4 =	vmov v8;
	v20 =	vld [tilespmem:s12+$0xFFFFFF80];
	v28 =	vperm.xlane v13, v3;
	[tilespmem:s8+$0x10] =	vst v10;
	v8 =	vpop (erf)  }
0xd7: {  	p2 =	slt.u32 s13, $0x78;
	v14 =	vmul.f32 v14, v6;
	v29 =	vld [tilespmem:s3+$0xFFFFFFD0];
	v25 =	vsel vm0, v25, v26;
	v26 =	vperm.xlane v8, v3;
	v10 =	vpop (erf);
	[tilespmem:s2+$0xFFFFFF80] =	vst v17  }
0xd8: {  	v17 =	vld [tilespmem:s12+$0xFFFFFF90];
	v25 =	vnsel vm1, $0x0, v25;
	v30 =	vperm.xlane v10, v3;
	v31 =	vpop (erf);
	[tilespmem:s2+$0xFFFFFF90] =	vst v16;
	v16 =	vmul.f32 v21, v6  }
0xd9: {  	v19 =	vmul.bf16 v19, v24;
	v21 =	vld [tilespmem:s3+$0xFFFFFFE0];
	[tilespmem:s9+$0xFFFFFFA0] =	vst v25;
	v28 =	vsel vm0, v28, v26;
	v24 =	vperm.xlane v31, v3  }
0xda: {  	v6 =	vmovc v9;
	v22 =	vmul.bf16 v23, v22;
	v9 =	vmovc v31;
	v25 =	vld [tilespmem:s12+$0xFFFFFFC0];
	v23 =	vnsel vm1, $0x0, v28;
	v26 =	vunpack.i.u.bf16.f32 v27;
	[tilespmem:s2+$0xFFFFFFD0] =	vst v15  }
0xdb: {  	v28 =	vunpack.i.u.bf16.f32 v19;
	v19 =	vunpack.i.l.bf16.f32 v19;
	v15 =	vld [tilespmem:s3+$0xFFFFFFF0];
	[tilespmem:s9+$0xFFFFFFF0] =	vst v23;
	v23 =	vmul.f32 v26, v11  }
0xdc: {  	v19 =	vadd.f32 v19, v28;
	v28 =	vunpack.i.u.bf16.f32 v22;
	v22 =	vunpack.i.l.bf16.f32 v22;
	v26 =	vld [tilespmem:s12+$0xFFFFFFD0];
	[tilespmem:s2+$0xFFFFFFE0] =	vst v18  }
0xdd: {  	v24 =	vsel vm0, v30, v24;
	v22 =	vadd.f32 v22, v28;
	v17 =	vmul.bf16 v17, v29;
	v18 =	vld [tilespmem:s3+$0x0];
	[tilespmem:s9+$0x80] =	vst v23  }
0xde: {  	v27 =	vunpack.i.l.bf16.f32 v27;
	v24 =	vnsel vm1, $0x0, v24;
	v28 =	vperm.xlane v19, v0;
	v23 =	vld [tilespmem:s12+$0x0];
	[tilespmem:s2+$0x20] =	vst v14  }
0xdf: {  	v29 =	vperm.xlane v22, v0;
	v14 =	vunpack.i.u.bf16.f32 v17;
	v21 =	vmul.bf16 v25, v21;
	v25 =	vld [tilespmem:s3+$0x10];
	[tilespmem:s9+$0x40] =	vst v24  }
0xe0: {  	v11 =	vmul.f32 v27, v11;
	v17 =	vunpack.i.l.bf16.f32 v17;
	v19 =	vadd.f32 v28, v19;
	v24 =	vld [tilespmem:s12+$0x10];
	[tilespmem:s2+$0x30] =	vst v16;
	s2 =	smov.u32 s8;
	s8 =	smov.u32 s9  }
0xe1: {  	v22 =	vadd.f32 v29, v22;
	v16 =	vld [tilespmem:s3+$0xFFFFFFC0];
	v27 =	vunpack.i.u.bf16.f32 v21;
	v15 =	vmul.bf16 v26, v15  }
0xe2: {  	v17 =	vadd.f32 v17, v14;
	v14 =	vunpack.i.l.bf16.f32 v21;
	v21 =	vperm.xlane v19, v1;
	v26 =	vld [tilespmem:s11+$0xFFFFFFA0];
	[tilespmem:s9+$0x70] =	vst v11  }
0xe3: {  	v11 =	vunpack.i.u.bf16.f32 v15;
	v18 =	vmul.bf16 v23, v18;
	v23 =	vperm.xlane v22, v1;
	v28 =	vld [tilespmem:s11+$0xFFFFFFE0]  }
0xe4: {  	v27 =	vadd.f32 v14, v27;
	v29 =	vunpack.i.l.bf16.f32 v15;
	v19 =	vadd.f32 v21, v19;
	v21 =	vld [tilespmem:s11+$0x20]  }
0xe5: {  	v30 =	vunpack.i.u.bf16.f32 v18;
	v14 =	vmul.bf16 v24, v25;
	v22 =	vadd.f32 v23, v22;
	v23 =	vld [tilespmem:s0+$0xFFFFFFB0]  }
0xe6: {  	v18 =	vunpack.i.l.bf16.f32 v18;
	v16 =	vmul.bf16 v20, v16;
	v20 =	vperm.xlane v19, v2;
	v15 =	vld [tilespmem:s0+$0xFFFFFFF0]  }
0xe7: {  	v24 =	vunpack.i.u.bf16.f32 v14;
	v25 =	vunpack.i.l.bf16.f32 v14;
	v31 =	vperm.xlane v22, v2;
	v14 =	vld [tilespmem:s0+$0x30];
	s0 =	smov.u32 s11;
	s11 =	smov.u32 s12  }
0xe8: {  	v32 =	vunpack.i.u.bf16.f32 v16;
	v16 =	vunpack.i.l.bf16.f32 v16;
	v19 =	vadd.f32 v20, v19  }
0xe9: {  	v20 =	vperm.xlane v17, v0;
	v16 =	vadd.f32 v16, v32;
	v22 =	vadd.f32 v31, v22  }
0xea: {  	v11 =	vadd.f32 v29, v11;
	v18 =	vadd.f32 v18, v30;
	v19 =	vmul.f32 $1.442695020e+00, v19  }
0xeb: {  	v24 =	vadd.f32 v25, v24;
	v29 =	vperm.xlane v16, v0;
	v22 =	vmul.f32 $1.442695020e+00, v22  }
0xec: {  	v17 =	vadd.f32 v20, v17;
	v20 =	vperm.xlane v27, v0;
	(erf) = vpow2.f32 v19  }
0xed: {  	v19 =	vperm.xlane v11, v0;
	v16 =	vadd.f32 v29, v16;
	(erf) = vpow2.f32 v22  }
0xee: {  	v25 =	vperm.xlane v24, v0;
	v20 =	vadd.f32 v20, v27;
	v22 =	vperm.xlane v18, v0  }
0xef: {  	v29 =	vperm.xlane v17, v1;
	v11 =	vadd.f32 v19, v11;
	v27 =	vperm.xlane v16, v1  }
0xf0: {  	v19 =	vperm.xlane v20, v1;
	v18 =	vadd.f32 v22, v18;
	v22 =	vadd.f32 v25, v24  }
0xf1: {  	v17 =	vadd.f32 v29, v17;
	v24 =	vperm.xlane v11, v1;
	v16 =	vadd.f32 v27, v16  }
0xf2: {  	v19 =	vadd.f32 v19, v20;
	v20 =	vperm.xlane v18, v1;
	v25 =	vperm.xlane v22, v1  }
0xf3: {  	v29 =	vperm.xlane v17, v2;
	v24 =	vadd.f32 v24, v11;
	v27 =	vperm.xlane v16, v2  }
0xf4: {  	v30 =	vperm.xlane v19, v2;
	v20 =	vadd.f32 v20, v18;
	v22 =	vadd.f32 v25, v22  }
0xf5: {  	v17 =	vadd.f32 v29, v17;
	v25 =	vperm.xlane v24, v2;
	v16 =	vadd.f32 v27, v16;
	v18 =	vpop (erf)  }
0xf6: {  	v19 =	vadd.f32 v30, v19;
	v27 =	vperm.xlane v20, v2;
	v29 =	vperm.xlane v22, v2;
	v11 =	vpop (erf)  }
0xf7: {  	v24 =	vadd.f32 v25, v24;
	v25 =	vperm.xlane v18, v3;
	v30 =	vperm.xlane v11, v3  }
0xf8: {  	v16 =	vmul.f32 $1.442695020e+00, v16;
	v20 =	vadd.f32 v27, v20;
	v22 =	vadd.f32 v29, v22  }
0xf9: {  	v19 =	vmul.f32 $1.442695020e+00, v19;
	v27 =	vmul.f32 $1.442695020e+00, v17;
	v17 =	vsel vm0, v25, v30  }
0xfa: {  	s9 =	sadd.s32 $0x140, s9;
	v24 =	vmul.f32 $1.442695020e+00, v24;
	v20 =	vmul.f32 $1.442695020e+00, v20;
	v17 =	vnsel vm1, $0x0, v17  }
0xfb: {  	v22 =	vmul.f32 $1.442695020e+00, v22;
	[tilespmem:s9+$0x90] =	vst v17;
	(erf) = vpow2.f32 v16;
	v16 =	vunpack.i.u.bf16.f32 v26  }
0xfc: {  	v25 =	vunpack.i.l.bf16.f32 v26;
	v26 =	vunpack.i.u.bf16.f32 v28;
	v17 =	vld [tilespmem:s12+$0x60];
	(erf) = vpow2.f32 v27  }
.Ltmp4:
0xfd: {  	v27 =	vunpack.i.l.bf16.f32 v28;
	(erf) = vpow2.f32 v19;
	v19 =	vunpack.i.u.bf16.f32 v21;
	(pc) =	sbr.rel @p2 .LBB2_4-.Ltmp4, $4  }
0xfe: {  	(erf) = vpow2.f32 v24;
	v24 =	vmul.f32 v25, v12;
	v25 =	vunpack.i.l.bf16.f32 v21  }
0xff: {  	v12 =	vmul.f32 v16, v12;
	v16 =	vunpack.i.u.bf16.f32 v23;
	(erf) = vpow2.f32 v20  }
0x100: {  	v21 =	vunpack.i.l.bf16.f32 v23;
	(erf) = vpow2.f32 v22;
	[tilespmem:s8+$0xFFFFFF60] =	vst v24;
	v22 =	vmul.f32 v27, v13  }
0x101: {  	s3 =	sadd.s32 $0x80, s3;
	v20 =	vmul.f32 v25, v10;
	v23 =	vunpack.i.l.bf16.f32 v17;
	[tilespmem:s8+$0xFFFFFF70] =	vst v12;
	v12 =	vmul.f32 v26, v13  }
0x102: {  	v13 =	vunpack.i.u.bf16.f32 v17  }
0x103: {  	v13 =	vmul.f32 v13, v18  }
0x104: {  	v17 =	vmul.f32 v23, v18;
	[tilespmem:s8+$0xFFFFFFB0] =	vst v22  }
0x105: {  	[tilespmem:s8+$0xFFFFFFC0] =	vst v12  }
0x106: {  	[tilespmem:s9+$0x50] =	vst v17;
	v12 =	vpop (erf)  }
0x107: {  	v10 =	vmul.f32 v19, v10;
	v17 =	vmul.f32 v21, v5;
	[tilespmem:s9+$0x60] =	vst v13;
	v13 =	vpop (erf)  }
0x108: {  	[tilespmem:s8+$0x0] =	vst v20;
	v20 =	vunpack.i.l.bf16.f32 v15;
	v18 =	vperm.xlane v12, v3;
	v19 =	vperm.xlane v13, v3;
	v21 =	vpop (erf)  }
0x109: {  	v5 =	vmul.f32 v16, v5;
	[tilespmem:s8+$0x10] =	vst v10;
	v16 =	vld [tilespmem:s11+$0x70];
	v22 =	vpop (erf)  }
0x10a: {  	[tilespmem:s2+$0xFFFFFF80] =	vst v17;
	v10 =	vperm.xlane v21, v3;
	v18 =	vsel vm0, v18, v19;
	v19 =	vperm.xlane v22, v3;
	v23 =	vpop (erf)  }
0x10b: {  	v15 =	vunpack.i.u.bf16.f32 v15;
	v17 =	vmul.f32 v20, v4;
	[tilespmem:s2+$0xFFFFFF90] =	vst v5;
	v18 =	vnsel vm1, $0x0, v18;
	v20 =	vpop (erf)  }
0x10c: {  	v5 =	vperm.xlane v23, v3;
	[tilespmem:s9+$0xFFFFFFA0] =	vst v18;
	v10 =	vsel vm0, v10, v19;
	v18 =	vperm.xlane v20, v3  }
0x10d: {  	v4 =	vmul.f32 v15, v4;
	[tilespmem:s2+$0xFFFFFFD0] =	vst v17;
	v10 =	vnsel vm1, $0x0, v10;
	v15 =	vld [tilespmem:s11+$0xFFFFFFA0]  }
0x10e: {  	v17 =	vunpack.i.u.bf16.f32 v16;
	[tilespmem:s9+$0xFFFFFFF0] =	vst v10;
	v5 =	vsel vm0, v5, v18  }
0x10f: {  	[tilespmem:s2+$0xFFFFFFE0] =	vst v4;
	v17 =	vmul.f32 v17, v11;
	v10 =	vunpack.i.l.bf16.f32 v14;
	v4 =	vnsel vm1, $0x0, v5;
	v5 =	vld [tilespmem:s11+$0xFFFFFFE0]  }
0x110: {  	v14 =	vunpack.i.u.bf16.f32 v14;
	v10 =	vmul.f32 v10, v6;
	[tilespmem:s9+$0x40] =	vst v4  }
0x111: {  	[tilespmem:s9+$0x80] =	vst v17;
	v4 =	vmul.f32 v14, v6;
	v6 =	vunpack.i.l.bf16.f32 v16;
	v14 =	vld [tilespmem:s11+$0x20]  }
0x112: {  	[tilespmem:s2+$0x20] =	vst v10;
	v6 =	vmul.f32 v6, v11;
	v10 =	vunpack.i.l.bf16.f32 v15  }
0x113: {  	[tilespmem:s2+$0x30] =	vst v4;
	v4 =	vld [tilespmem:s0+$0xFFFFFFB0];
	v11 =	vunpack.i.u.bf16.f32 v15;
	v10 =	vmul.f32 v10, v12  }
0x114: {  	[tilespmem:s9+$0x70] =	vst v6;
	v11 =	vmul.f32 v11, v12;
	v6 =	vunpack.i.l.bf16.f32 v5  }
0x115: {  	v12 =	vld [tilespmem:s0+$0xFFFFFFF0];
	v5 =	vunpack.i.u.bf16.f32 v5;
	[tilespmem:s9+$0xFFFFFF60] =	vst v10;
	v6 =	vmul.f32 v6, v21  }
0x116: {  	[tilespmem:s9+$0xFFFFFF70] =	vst v11;
	v5 =	vmul.f32 v5, v21;
	v10 =	vunpack.i.l.bf16.f32 v14  }
0x117: {  	v11 =	vld [tilespmem:s0+$0x30];
	v14 =	vunpack.i.u.bf16.f32 v14;
	v10 =	vmul.f32 v10, v23;
	[tilespmem:s9+$0xFFFFFFB0] =	vst v6  }
0x118: {  	v6 =	vunpack.i.l.bf16.f32 v4;
	v14 =	vmul.f32 v14, v23;
	[tilespmem:s9+$0xFFFFFFC0] =	vst v5  }
0x119: {  	v4 =	vunpack.i.u.bf16.f32 v4;
	v5 =	vmul.f32 v6, v7;
	v6 =	vld [tilespmem:s11+$0xFFFFFFB0];
	[tilespmem:s9+$0x0] =	vst v10  }
0x11a: {  	v4 =	vmul.f32 v4, v7;
	v10 =	vunpack.i.l.bf16.f32 v12;
	[tilespmem:s9+$0x10] =	vst v14  }
0x11b: {  	v7 =	vunpack.i.u.bf16.f32 v12;
	v10 =	vmul.f32 v10, v8;
	[tilespmem:s8+$0xFFFFFF80] =	vst v5;
	v5 =	vld [tilespmem:s11+$0xFFFFFFF0]  }
0x11c: {  	v7 =	vmul.f32 v7, v8;
	v12 =	vunpack.i.l.bf16.f32 v11;
	[tilespmem:s8+$0xFFFFFF90] =	vst v4  }
0x11d: {  	v4 =	vunpack.i.u.bf16.f32 v11;
	v8 =	vmul.f32 v12, v9;
	[tilespmem:s8+$0xFFFFFFD0] =	vst v10;
	v10 =	vld [tilespmem:s11+$0x30]  }
0x11e: {  	v4 =	vmul.f32 v4, v9;
	[tilespmem:s8+$0xFFFFFFE0] =	vst v7;
	v7 =	vunpack.i.l.bf16.f32 v6  }
0x11f: {  	[tilespmem:s8+$0x20] =	vst v8;
	v6 =	vunpack.i.u.bf16.f32 v6;
	v7 =	vmul.f32 v7, v13  }
0x120: {  	[tilespmem:s8+$0x30] =	vst v4;
	v6 =	vmul.f32 v6, v13;
	v4 =	vunpack.i.l.bf16.f32 v5  }
0x121: {  	v5 =	vunpack.i.u.bf16.f32 v5;
	v4 =	vmul.f32 v4, v22;
	[tilespmem:s9+$0xFFFFFF80] =	vst v7  }
0x122: {  	v5 =	vmul.f32 v5, v22;
	[tilespmem:s9+$0xFFFFFF90] =	vst v6;
	v7 =	vunpack.i.l.bf16.f32 v10  }
0x123: {  	v6 =	vunpack.i.u.bf16.f32 v10;
	v7 =	vmul.f32 v7, v20;
	[tilespmem:s9+$0xFFFFFFD0] =	vst v4  }
0x124: {  	v4 =	vmul.f32 v6, v20;
	[tilespmem:s9+$0xFFFFFFE0] =	vst v5  }
0x125: {  	[tilespmem:s9+$0x20] =	vst v7  }
0x126: {  	[tilespmem:s9+$0x30] =	vst v4  }
0x127: {  	v4 =	vld [tilespmem:$0x9E00]  }
0x128: {  	v5 =	vld [tilespmem:$0x6F00]  }
0x129: {  	v6 =	vld [tilespmem:$0x9E10]  }
0x12a: {  	v7 =	vld [tilespmem:$0x6F10];
	_ =	sdelay $0x3  }
0x12b: {  	v4 =	vmul.bf16 v5, v4  }
0x12c: {  	v5 =	vmul.bf16 v7, v6  }
0x12d: {  	v6 =	vunpack.i.u.bf16.f32 v4;
	v4 =	vunpack.i.l.bf16.f32 v4  }
0x12e: {  	v4 =	vadd.f32 v4, v6;
	v6 =	vunpack.i.u.bf16.f32 v5;
	v5 =	vunpack.i.l.bf16.f32 v5  }
0x12f: {  	v5 =	vadd.f32 v5, v6  }
0x130: {  	v6 =	vperm.xlane v4, v0  }
0x131: {  	v7 =	vperm.xlane v5, v0  }
0x132: {  	v4 =	vadd.f32 v6, v4  }
0x133: {  	v5 =	vadd.f32 v7, v5  }
0x134: {  	v6 =	vperm.xlane v4, v1  }
0x135: {  	v7 =	vperm.xlane v5, v1  }
0x136: {  	v4 =	vadd.f32 v6, v4  }
0x137: {  	v5 =	vadd.f32 v7, v5  }
0x138: {  	v6 =	vperm.xlane v4, v2  }
0x139: {  	v7 =	vperm.xlane v5, v2  }
0x13a: {  	v4 =	vadd.f32 v6, v4  }
0x13b: {  	v5 =	vadd.f32 v7, v5  }
0x13c: {  	v4 =	vmul.f32 $1.442695020e+00, v4  }
0x13d: {  	v5 =	vmul.f32 $1.442695020e+00, v5  }
0x13e: {  	(erf) = vpow2.f32 v4  }
0x13f: {  	(erf) = vpow2.f32 v5;
	_ =	sdelay $0x6  }
0x140: {  	v4 =	vld [tilespmem:$0x6F20]  }
0x141: {  	v5 =	vpop (erf)  }
0x142: {  	v7 =	vld [tilespmem:$0x6F30];
	v6 =	vpop (erf)  }
0x143: {  	v8 =	vperm.xlane v5, v3;
	v9 =	vperm.xlane v6, v3;
	_ =	sdelay $0x1  }
0x144: {  	v8 =	vsel vm0, v8, v9;
	v9 =	vunpack.i.l.bf16.f32 v4  }
0x145: {  	v4 =	vunpack.i.u.bf16.f32 v4;
	v8 =	vnsel vm1, $0x0, v8;
	v9 =	vmul.f32 v9, v5  }
0x146: {  	v4 =	vmul.f32 v4, v5;
	v5 =	vunpack.i.l.bf16.f32 v7;
	[tilespmem:$0xD4C0] =	vst v8  }
0x147: {  	v7 =	vunpack.i.u.bf16.f32 v7;
	v5 =	vmul.f32 v5, v6;
	[tilespmem:$0xD480] =	vst v9  }
0x148: {  	[tilespmem:$0xD490] =	vst v4;
	v4 =	vmul.f32 v7, v6  }
0x149: {  	s0 =	sand.u32 $0x3FFFFF00, s31;
	[tilespmem:$0xD4A0] =	vst v5  }
0x14a: {  	p2 =	seq.s32 s30, $0x27;
	s9 =	sadd.s32 $0x2800, s0;
	[tilespmem:$0xD4B0] =	vst v4  }
0x14b: {  	[spmem:s1] =	stream.indirect.scatter.add.f32 [tilespmem:s24], [sflag:$0x3], $0x50, s9, s16, $0xb8;
	[tilespmem:$0x1C160] =	vst v63  }
0x14c: {  	s3 =	simm.s32 @!p2 $0x7D;
	s2 =	sadd.s32 @!p2 $0x100, s31;
	s8 =	simm.s32 @!p2 $0x5000  }
0x14d: {  	[tilespmem:s8], [sflag:$0x1] =	stream.indirect.gather @!p2 [hbm4b:s4+s3], $0x40, s2, s3, $0xb8;
	[tilespmem:$0x1C160] =	vst v63  }
0x14e: {  	s2 =	sadd.s32 @!p2 $0x2900, s31;
	s8 =	simm.s32 @!p2 $0x8E80  }
0x14f: {  	[tilespmem:s8], [sflag:$0x1] =	stream.indirect.gather @!p2 [hbm4b:s5+s3], $0x20, s2, s3, $0xb8;
	[tilespmem:$0x1C160] =	vst v63  }
0x150: {  	_ =	swait.ge [sflag:s25], $0x1F40  }
0x151: {  	[sflag:s25] =	ssyncset.done $0x0  }
0x152: {  	[sflag:s25] =	ssyncadd.s32 $0xFFFFE0C0  }
0x153: {  	_ =	swait.ge [sflag:s25], $0xFA0  }
0x154: {  	[sflag:s25] =	ssyncset.done $0x0  }
0x155: {  	s2 =	simm.s32 @!p1 $0x4;
	[sflag:s25] =	ssyncadd.s32 $0xFFFFF060  }
0x156: {  	_ =	swait.ge @!p1 [sflag:s2], $0x2710  }
0x157: {  	[sflag:s2] =	ssyncset.done @!p1 $0x0  }
0x158: {  	s11 =	simm.s32 $0x9E90;
	[sflag:s2] =	ssyncadd.s32 @!p1 $0xFFFFD8F0  }
0x159: {  	s12 =	simm.s32 $0x7030;
	v4 =	vld [tilespmem:s11+$0xFFFFFFF0]  }
0x15a: {  	v5 =	vld [tilespmem:s12+$0xFFFFFFD0]  }
0x15b: {  	v6 =	vld [tilespmem:s11+$0x0]  }
0x15c: {  	v7 =	vld [tilespmem:s12+$0xFFFFFFE0]  }
0x15d: {  	v9 =	vld [tilespmem:s11+$0xFFFFFFA0]  }
0x15e: {  	v10 =	vld [tilespmem:s12+$0xFFFFFF20]  }
0x15f: {  	v11 =	vld [tilespmem:s11+$0xFFFFFFB0]  }
0x160: {  	v13 =	vld [tilespmem:s12+$0xFFFFFF60];
	v4 =	vmul.bf16 v5, v4  }
0x161: {  	v14 =	vld [tilespmem:s11+$0xFFFFFFD0];
	v6 =	vmul.bf16 v7, v6  }
0x162: {  	v5 =	vld [tilespmem:s12+$0xFFFFFF50];
	v12 =	vunpack.i.u.bf16.f32 v4;
	v4 =	vunpack.i.l.bf16.f32 v4  }
0x163: {  	v7 =	vld [tilespmem:s11+$0xFFFFFFC0];
	v4 =	vadd.f32 v4, v12;
	v12 =	vunpack.i.u.bf16.f32 v6;
	v6 =	vunpack.i.l.bf16.f32 v6  }
0x164: {  	v9 =	vmul.bf16 v10, v9;
	v10 =	vld [tilespmem:s12+$0xFFFFFF90];
	v6 =	vadd.f32 v6, v12  }
0x165: {  	v8 =	vld [tilespmem:s12+$0xFFFFFF10];
	v12 =	vperm.xlane v4, v0  }
0x166: {  	v17 =	vld [tilespmem:s12+$0xFFFFFFA0];
	v16 =	vunpack.i.u.bf16.f32 v9;
	v15 =	vperm.xlane v6, v0  }
0x167: {  	v9 =	vunpack.i.l.bf16.f32 v9;
	v5 =	vmul.bf16 v5, v11;
	v11 =	vld [tilespmem:s11+$0xFFFFFFE0];
	v4 =	vadd.f32 v12, v4  }
0x168: {  	v9 =	vadd.f32 v9, v16;
	v7 =	vmul.bf16 v13, v7;
	v12 =	vld [tilespmem:s11+$0xFFFFFF90];
	v6 =	vadd.f32 v15, v6  }
0x169: {  	v10 =	vmul.bf16 v10, v14;
	v18 =	vunpack.i.u.bf16.f32 v5;
	v13 =	vperm.xlane v4, v1  }
0x16a: {  	v5 =	vunpack.i.l.bf16.f32 v5;
	v15 =	vunpack.i.u.bf16.f32 v7;
	v14 =	vperm.xlane v6, v1  }
0x16b: {  	v5 =	vadd.f32 v5, v18;
	v7 =	vunpack.i.l.bf16.f32 v7;
	v4 =	vadd.f32 v13, v4  }
0x16c: {  	v7 =	vadd.f32 v7, v15;
	v11 =	vmul.bf16 v17, v11;
	v6 =	vadd.f32 v14, v6  }
0x16d: {  	v13 =	vunpack.i.u.bf16.f32 v10;
	v8 =	vmul.bf16 v8, v12;
	v12 =	vperm.xlane v4, v2  }
0x16e: {  	v10 =	vunpack.i.l.bf16.f32 v10;
	v14 =	vunpack.i.u.bf16.f32 v11;
	v16 =	vperm.xlane v6, v2  }
0x16f: {  	v17 =	vunpack.i.u.bf16.f32 v8;
	v8 =	vunpack.i.l.bf16.f32 v8;
	v4 =	vadd.f32 v12, v4  }
0x170: {  	v11 =	vunpack.i.l.bf16.f32 v11;
	v8 =	vadd.f32 v8, v17;
	v12 =	vperm.xlane v9, v0  }
0x171: {  	v10 =	vadd.f32 v10, v13;
	v6 =	vadd.f32 v16, v6;
	v4 =	vmul.f32 $1.442695020e+00, v4  }
0x172: {  	v13 =	vperm.xlane v8, v0;
	v9 =	vadd.f32 v12, v9;
	v12 =	vperm.xlane v5, v0  }
0x173: {  	v11 =	vadd.f32 v11, v14;
	v6 =	vmul.f32 $1.442695020e+00, v6;
	(erf) = vpow2.f32 v4  }
0x174: {  	v4 =	vadd.f32 v13, v8;
	v8 =	vperm.xlane v7, v0;
	v14 =	vperm.xlane v9, v1  }
0x175: {  	v5 =	vadd.f32 v12, v5;
	(erf) = vpow2.f32 v6;
	v6 =	vperm.xlane v10, v0  }
0x176: {  	v12 =	vperm.xlane v11, v0;
	v13 =	vperm.xlane v4, v1;
	v7 =	vadd.f32 v8, v7  }
0x177: {  	v8 =	vperm.xlane v5, v1;
	v9 =	vadd.f32 v14, v9;
	v6 =	vadd.f32 v6, v10  }
0x178: {  	v10 =	vadd.f32 v12, v11;
	v4 =	vadd.f32 v13, v4  }
0x179: {  	v11 =	vperm.xlane v7, v1;
	v5 =	vadd.f32 v8, v5;
	v14 =	vperm.xlane v9, v2  }
0x17a: {  	v8 =	vperm.xlane v6, v1;
	v12 =	vperm.xlane v10, v1  }
0x17b: {  	s2 =	simm.s32 $0x7130;
	v13 =	vperm.xlane v4, v2;
	v11 =	vadd.f32 v11, v7;
	v7 =	vperm.xlane v5, v2  }
0x17c: {  	s13 =	simm.s32 $0x9F10;
	v19 =	vld [tilespmem:s2+$0xFFFFFF50];
	v9 =	vadd.f32 v14, v9;
	v6 =	vadd.f32 v8, v6  }
0x17d: {  	v23 =	vld [tilespmem:s13+$0xFFFFFFC0];
	v8 =	vadd.f32 v12, v10;
	v4 =	vadd.f32 v13, v4;
	v10 =	vperm.xlane v11, v2  }
0x17e: {  	v15 =	vld [tilespmem:s13+$0xFFFFFFF0];
	v5 =	vadd.f32 v7, v5;
	v9 =	vmul.f32 $1.442695020e+00, v9;
	v12 =	vpop (erf);
	v13 =	vperm.xlane v6, v2  }
0x17f: {  	v16 =	vld [tilespmem:s2+$0xFFFFFFD0];
	v14 =	vperm.xlane v8, v2;
	v7 =	vpop (erf);
	v10 =	vadd.f32 v10, v11;
	v4 =	vmul.f32 $1.442695020e+00, v4  }
0x180: {  	v11 =	vperm.xlane v12, v3;
	v17 =	vperm.xlane v7, v3;
	v6 =	vadd.f32 v13, v6;
	v13 =	vld [tilespmem:s13+$0x0]  }
0x181: {  	v5 =	vmul.f32 $1.442695020e+00, v5;
	v8 =	vadd.f32 v14, v8;
	(erf) = vpow2.f32 v4;
	v4 =	vld [tilespmem:s2+$0xFFFFFFE0]  }
0x182: {  	s17 =	simm.s32 $0x9F90;
	v25 =	vld [tilespmem:s2+$0xFFFFFF60];
	v10 =	vmul.f32 $1.442695020e+00, v10;
	v11 =	vsel vm0, v11, v17;
	(erf) = vpow2.f32 v9  }
0x183: {  	s9 =	simm.s32 $0x7230;
	s8 =	simm.s32 $0xD600;
	v34 =	vld [tilespmem:s17+$0xFFFFFFC0];
	v6 =	vmul.f32 $1.442695020e+00, v6;
	v9 =	vnsel vm1, $0x0, v11;
	(erf) = vpow2.f32 v5  }
0x184: {  	v35 =	vld [tilespmem:s9+$0xFFFFFF60];
	v5 =	vmul.f32 $1.442695020e+00, v8;
	[tilespmem:s8+$0x0] =	vst v9;
	(erf) = vpow2.f32 v10  }
0x185: {  	v9 =	vld [tilespmem:s12+$0xFFFFFFF0];
	(erf) = vpow2.f32 v6;
	v6 =	vmul.bf16 v16, v15  }
0x186: {  	v16 =	vld [tilespmem:s13+$0xFFFFFFB0];
	v4 =	vmul.bf16 v4, v13  }
0x187: {  	v14 =	vld [tilespmem:s2+$0xFFFFFF20];
	(erf) = vpow2.f32 v5;
	v5 =	vunpack.i.u.bf16.f32 v6;
	v6 =	vunpack.i.l.bf16.f32 v6  }
0x188: {  	v23 =	vmul.bf16 v25, v23;
	v13 =	vld [tilespmem:s13+$0xFFFFFFA0];
	v6 =	vadd.f32 v6, v5  }
0x189: {  	v34 =	vmul.bf16 v35, v34;
	v5 =	vunpack.i.u.bf16.f32 v4;
	v4 =	vunpack.i.l.bf16.f32 v4  }
0x18a: {  	v15 =	vadd.f32 v4, v5;
	v4 =	vunpack.i.l.bf16.f32 v9;
	v17 =	vperm.xlane v6, v0  }
0x18b: {  	v49 =	vld [tilespmem:s17+$0xFFFFFFB0];
	v8 =	vpop (erf);
	v16 =	vmul.bf16 v19, v16;
	v18 =	vmul.f32 v4, v12  }
0x18c: {  	v50 =	vld [tilespmem:s9+$0xFFFFFF50];
	v9 =	vunpack.i.u.bf16.f32 v9;
	v20 =	vperm.xlane v15, v0;
	v21 =	vperm.xlane v8, v3  }
0x18d: {  	v59 =	vld [tilespmem:s2+$0xFFFFFFA0];
	v60 =	vunpack.i.u.bf16.f32 v23;
	v5 =	vpop (erf);
	v12 =	vmul.f32 v9, v12;
	v13 =	vmul.bf16 v14, v13  }
0x18e: {  	v11 =	vld [tilespmem:s2+$0xFFFFFF10];
	v22 =	vperm.xlane v5, v3;
	v10 =	vpop (erf);
	v17 =	vadd.f32 v17, v6;
	v31 =	vunpack.i.u.bf16.f32 v16  }
0x18f: {  	v19 =	vld [tilespmem:s13+$0xFFFFFF90];
	v16 =	vunpack.i.l.bf16.f32 v16;
	v24 =	vperm.xlane v10, v3;
	v15 =	vadd.f32 v20, v15  }
0x190: {  	v14 =	vld [tilespmem:s13+$0xFFFFFFE0];
	v58 =	vunpack.i.u.bf16.f32 v13;
	v13 =	vunpack.i.l.bf16.f32 v13;
	v16 =	vadd.f32 v16, v31  }
0x191: {  	v4 =	vpop (erf);
	v31 =	vmul.bf16 v50, v49;
	v6 =	vsel vm0, v21, v22;
	v22 =	vperm.xlane v17, v1  }
0x192: {  	v20 =	vperm.xlane v4, v3;
	v9 =	vpop (erf);
	v13 =	vadd.f32 v13, v58;
	v29 =	vperm.xlane v15, v1  }
0x193: {  	v28 =	vld [tilespmem:s2+$0xFFFFFF90];
	v26 =	vnsel vm1, $0x0, v6;
	v27 =	vperm.xlane v9, v3;
	v17 =	vadd.f32 v22, v17  }
0x194: {  	[tilespmem:s8+$0xFFFFFFC0] =	vst v18;
	v21 =	vld [tilespmem:s13+$0xFFFFFFD0];
	v11 =	vmul.bf16 v11, v19;
	v18 =	vperm.xlane v16, v0;
	v15 =	vadd.f32 v29, v15  }
0x195: {  	v20 =	vsel vm0, v24, v20;
	v14 =	vmul.bf16 v59, v14;
	v30 =	vperm.xlane v17, v2  }
0x196: {  	v61 =	vperm.xlane v13, v0;
	v59 =	vunpack.i.u.bf16.f32 v31;
	v32 =	vperm.xlane v15, v2  }
0x197: {  	v46 =	vld [tilespmem:s17+$0xFFFFFFA0];
	v31 =	vunpack.i.l.bf16.f32 v31;
	v6 =	vpop (erf);
	v20 =	vnsel vm1, $0x0, v20;
	v17 =	vadd.f32 v30, v17  }
0x198: {  	v48 =	vld [tilespmem:s9+$0xFFFFFF20];
	v19 =	vunpack.i.u.bf16.f32 v11;
	v22 =	vperm.xlane v6, v3;
	v15 =	vadd.f32 v32, v15  }
0x199: {  	v53 =	vld [tilespmem:s17+$0xFFFFFFE0];
	v11 =	vunpack.i.l.bf16.f32 v11;
	v21 =	vmul.bf16 v28, v21;
	v17 =	vmul.f32 $1.442695020e+00, v17  }
0x19a: {  	v56 =	vld [tilespmem:s9+$0xFFFFFFA0];
	[tilespmem:s8+$0xFFFFFFD0] =	vst v12;
	v11 =	vadd.f32 v11, v19;
	v12 =	vadd.f32 v61, v13;
	v15 =	vmul.f32 $1.442695020e+00, v15  }
0x19b: {  	v19 =	vunpack.i.l.bf16.f32 v21;
	(erf) = vpow2.f32 v17;
	v17 =	vunpack.i.l.bf16.f32 v23  }
0x19c: {  	v23 =	vperm.xlane v11, v0;
	(erf) = vpow2.f32 v15;
	v15 =	vunpack.i.u.bf16.f32 v21  }
0x19d: {  	v21 =	vunpack.i.u.bf16.f32 v14;
	v14 =	vunpack.i.l.bf16.f32 v14;
	v17 =	vadd.f32 v17, v60  }
0x19e: {  	v28 =	vmul.bf16 v48, v46;
	v15 =	vadd.f32 v19, v15;
	v14 =	vadd.f32 v14, v21  }
0x19f: {  	v30 =	vmul.bf16 v56, v53;
	v11 =	vadd.f32 v23, v11;
	v19 =	vperm.xlane v17, v0  }
0x1a0: {  	v16 =	vadd.f32 v18, v16;
	v13 =	vperm.xlane v15, v0;
	v21 =	vperm.xlane v14, v0  }
0x1a1: {  	v18 =	vperm.xlane v11, v1;
	v17 =	vadd.f32 v19, v17;
	v19 =	vperm.xlane v12, v1  }
0x1a2: {  	v13 =	vadd.f32 v13, v15;
	v14 =	vadd.f32 v21, v14;
	v15 =	vperm.xlane v16, v1  }
0x1a3: {  	v11 =	vadd.f32 v18, v11;
	v18 =	vperm.xlane v17, v1;
	v12 =	vadd.f32 v19, v12  }
0x1a4: {  	v19 =	vperm.xlane v13, v1;
	v62 =	vperm.xlane v14, v1;
	v15 =	vadd.f32 v15, v16  }
0x1a5: {  	v45 =	vld [tilespmem:s9+$0xFFFFFF10];
	v42 =	vperm.xlane v11, v2;
	v21 =	vpop (erf);
	v43 =	vperm.xlane v12, v2;
	v17 =	vadd.f32 v18, v17  }
0x1a6: {  	v54 =	vld [tilespmem:s17+$0xFFFFFF90];
	v63 =	vpop (erf);
	v16 =	vperm.xlane v21, v3;
	v18 =	vperm.xlane v15, v2;
	v13 =	vadd.f32 v19, v13  }
0x1a7: {  	v23 =	vld [tilespmem:s12+$0x0];
	v11 =	vadd.f32 v42, v11;
	v14 =	vadd.f32 v62, v14;
	v40 =	vperm.xlane v63, v3  }
0x1a8: {  	v12 =	vadd.f32 v43, v12;
	v19 =	vperm.xlane v17, v2;
	v15 =	vadd.f32 v18, v15  }
0x1a9: {  	v11 =	vmul.f32 $1.442695020e+00, v11;
	v24 =	vperm.xlane v14, v2;
	v16 =	vsel vm0, v16, v40  }
0x1aa: {  	s11 =	simm.s32 $0xD740;
	v17 =	vadd.f32 v19, v17;
	v12 =	vmul.f32 $1.442695020e+00, v12;
	v16 =	vnsel vm1, $0x0, v16  }
0x1ab: {  	v19 =	vsel vm0, v27, v22;
	v27 =	vmul.bf16 v45, v54;
	v15 =	vmul.f32 $1.442695020e+00, v15;
	[tilespmem:s11+$0x0] =	vst v16  }
0x1ac: {  	[tilespmem:s8+$0xFFFFFF10] =	vst v26;
	v41 =	vunpack.i.u.bf16.f32 v23;
	(erf) = vpow2.f32 v11;
	v16 =	vperm.xlane v13, v2;
	v18 =	vld [tilespmem:s2+$0xFFFFFFF0]  }
0x1ad: {  	[tilespmem:s8+$0xFFFFFF60] =	vst v20;
	v20 =	vld [tilespmem:s12+$0xFFFFFF30];
	v19 =	vnsel vm1, $0x0, v19;
	v11 =	vmul.f32 v41, v7;
	v14 =	vadd.f32 v24, v14  }
0x1ae: {  	v22 =	vld [tilespmem:s17+$0xFFFFFFF0];
	v17 =	vmul.f32 $1.442695020e+00, v17;
	(erf) = vpow2.f32 v12;
	v13 =	vadd.f32 v16, v13  }
0x1af: {  	v55 =	vunpack.i.u.bf16.f32 v28;
	[tilespmem:s8+$0xFFFFFFB0] =	vst v19;
	v12 =	vld [tilespmem:s12+$0xFFFFFF70];
	(erf) = vpow2.f32 v15;
	v14 =	vmul.f32 $1.442695020e+00, v14  }
0x1b0: {  	v28 =	vunpack.i.l.bf16.f32 v28;
	v19 =	vld [tilespmem:s12+$0xFFFFFFB0];
	(erf) = vpow2.f32 v17;
	v13 =	vmul.f32 $1.442695020e+00, v13  }
0x1b1: {  	v17 =	vunpack.i.l.bf16.f32 v23;
	v23 =	vld [tilespmem:s17+$0x0];
	v15 =	vunpack.i.l.bf16.f32 v18;
	v16 =	vunpack.i.u.bf16.f32 v18  }
0x1b2: {  	v18 =	vld [tilespmem:s9+$0xFFFFFFD0];
	(erf) = vpow2.f32 v13;
	v13 =	vunpack.i.l.bf16.f32 v20;
	v15 =	vmul.f32 v15, v21  }
0x1b3: {  	v16 =	vmul.f32 v16, v21;
	v21 =	vmul.f32 v17, v7;
	v7 =	vunpack.i.u.bf16.f32 v20;
	v20 =	vld [tilespmem:s9+$0xFFFFFFE0]  }
0x1b4: {  	v28 =	vadd.f32 v28, v55;
	v62 =	vunpack.i.u.bf16.f32 v27;
	(erf) = vpow2.f32 v14  }
0x1b5: {  	v24 =	vmul.f32 v13, v8;
	v17 =	vmul.f32 v7, v8;
	v7 =	vunpack.i.l.bf16.f32 v19  }
0x1b6: {  	[tilespmem:s11+$0xFFFFFFC0] =	vst v15;
	v15 =	vunpack.i.u.bf16.f32 v12;
	v12 =	vunpack.i.l.bf16.f32 v12;
	v14 =	vmul.f32 v7, v9  }
0x1b7: {  	v27 =	vunpack.i.l.bf16.f32 v27;
	[tilespmem:s11+$0xFFFFFFD0] =	vst v16;
	v16 =	vmul.f32 v12, v10;
	v18 =	vmul.bf16 v18, v22  }
0x1b8: {  	v19 =	vunpack.i.u.bf16.f32 v19;
	v13 =	vpop (erf);
	v15 =	vmul.f32 v15, v10;
	v20 =	vmul.bf16 v20, v23  }
0x1b9: {  	v44 =	vld [tilespmem:s2+$0x0];
	v10 =	vperm.xlane v13, v3;
	v33 =	vunpack.i.u.bf16.f32 v18;
	v18 =	vunpack.i.l.bf16.f32 v18  }
0x1ba: {  	v7 =	vpop (erf);
	v18 =	vadd.f32 v18, v33;
	v51 =	vunpack.i.u.bf16.f32 v20;
	v20 =	vunpack.i.l.bf16.f32 v20  }
0x1bb: {  	v19 =	vmul.f32 v19, v9;
	v47 =	vperm.xlane v7, v3;
	v12 =	vpop (erf);
	v20 =	vadd.f32 v20, v51  }
0x1bc: {  	v27 =	vadd.f32 v27, v62;
	v22 =	vperm.xlane v12, v3;
	v8 =	vpop (erf);
	v36 =	vperm.xlane v18, v0  }
0x1bd: {  	v23 =	vperm.xlane v8, v3;
	v29 =	vsel vm0, v10, v47;
	v40 =	vperm.xlane v20, v0  }
0x1be: {  	v10 =	vpop (erf);
	v38 =	vunpack.i.u.bf16.f32 v44;
	v26 =	vunpack.i.l.bf16.f32 v44;
	v18 =	vadd.f32 v36, v18  }
0x1bf: {  	v29 =	vnsel vm1, $0x0, v29;
	v52 =	vperm.xlane v10, v3;
	v20 =	vadd.f32 v40, v20  }
0x1c0: {  	v22 =	vsel vm0, v22, v23;
	v38 =	vmul.f32 v38, v63;
	v57 =	vperm.xlane v18, v1  }
0x1c1: {  	v39 =	vld [tilespmem:s9+$0xFFFFFF90];
	v25 =	vmul.f32 v26, v63;
	v26 =	vadd.f32 v31, v59;
	v58 =	vperm.xlane v20, v1  }
0x1c2: {  	v9 =	vpop (erf);
	v23 =	vld [tilespmem:s17+$0xFFFFFFD0];
	v63 =	vunpack.i.u.bf16.f32 v34;
	v34 =	vunpack.i.l.bf16.f32 v34;
	v18 =	vadd.f32 v57, v18  }
0x1c3: {  	v37 =	vperm.xlane v9, v3;
	v32 =	vadd.f32 v34, v63;
	v20 =	vadd.f32 v58, v20  }
0x1c4: {  	v22 =	vnsel vm1, $0x0, v22;
	v41 =	vperm.xlane v26, v0;
	v60 =	vperm.xlane v18, v2  }
0x1c5: {  	v33 =	vsel vm0, v52, v37;
	v37 =	vunpack.i.u.bf16.f32 v30;
	v61 =	vperm.xlane v20, v2  }
0x1c6: {  	v30 =	vunpack.i.l.bf16.f32 v30;
	v40 =	vperm.xlane v27, v0;
	v18 =	vadd.f32 v60, v18  }
0x1c7: {  	[tilespmem:s11+$0xFFFFFF10] =	vst v29;
	v42 =	vperm.xlane v32, v0;
	v23 =	vmul.bf16 v39, v23;
	v20 =	vadd.f32 v61, v20  }
0x1c8: {  	[tilespmem:s11+$0xFFFFFF60] =	vst v22;
	v22 =	vld [tilespmem:s2+$0xFFFFFF30];
	v30 =	vadd.f32 v30, v37;
	v39 =	vperm.xlane v28, v0;
	v18 =	vmul.f32 $1.442695020e+00, v18  }
0x1c9: {  	v36 =	vunpack.i.u.bf16.f32 v23;
	v23 =	vunpack.i.l.bf16.f32 v23;
	v20 =	vmul.f32 $1.442695020e+00, v20  }
0x1ca: {  	v48 =	vnsel vm1, $0x0, v33;
	v57 =	vld [tilespmem:s2+$0xFFFFFF70];
	v23 =	vadd.f32 v23, v36;
	(erf) = vpow2.f32 v18  }
0x1cb: {  	v28 =	vadd.f32 v39, v28;
	v18 =	vadd.f32 v40, v27;
	(erf) = vpow2.f32 v20  }
0x1cc: {  	v44 =	vperm.xlane v30, v0;
	v43 =	vperm.xlane v23, v0;
	v20 =	vadd.f32 v41, v26  }
0x1cd: {  	[tilespmem:s8+$0xFFFFFF70] =	vst v14;
	v14 =	vunpack.i.l.bf16.f32 v22;
	v46 =	vperm.xlane v28, v1;
	v45 =	vperm.xlane v18, v1  }
0x1ce: {  	v14 =	vmul.f32 v14, v13;
	v23 =	vadd.f32 v43, v23;
	v47 =	vperm.xlane v20, v1  }
0x1cf: {  	v28 =	vadd.f32 v46, v28;
	v63 =	vunpack.i.u.bf16.f32 v57;
	v18 =	vadd.f32 v45, v18  }
0x1d0: {  	[tilespmem:s8+$0xFFFFFFF0] =	vst v11;
	v27 =	vadd.f32 v42, v32;
	v11 =	vadd.f32 v47, v20;
	v20 =	vperm.xlane v23, v1  }
0x1d1: {  	[tilespmem:s8+$0xFFFFFFE0] =	vst v21;
	v51 =	vperm.xlane v28, v2;
	v26 =	vadd.f32 v44, v30;
	v21 =	vperm.xlane v18, v2  }
0x1d2: {  	v49 =	vperm.xlane v27, v1;
	v52 =	vperm.xlane v11, v2;
	v20 =	vadd.f32 v20, v23  }
0x1d3: {  	v53 =	vadd.f32 v51, v28;
	v50 =	vperm.xlane v26, v1;
	v21 =	vadd.f32 v21, v18;
	v18 =	vpop (erf)  }
0x1d4: {  	[tilespmem:s8+$0xFFFFFED0] =	vst v24;
	v27 =	vadd.f32 v49, v27;
	v24 =	vadd.f32 v52, v11;
	v55 =	vperm.xlane v20, v2;
	v11 =	vpop (erf)  }
0x1d5: {  	[tilespmem:s8+$0xFFFFFEE0] =	vst v17;
	v23 =	vadd.f32 v50, v26;
	v58 =	vperm.xlane v18, v3;
	v59 =	vperm.xlane v11, v3  }
0x1d6: {  	[tilespmem:s8+$0xFFFFFF20] =	vst v16;
	v16 =	vmul.f32 $1.442695020e+00, v53;
	v54 =	vperm.xlane v27, v2;
	v17 =	vadd.f32 v55, v20  }
0x1d7: {  	v61 =	vld [tilespmem:s12+$0xFFFFFF40];
	v56 =	vperm.xlane v23, v2;
	v21 =	vmul.f32 $1.442695020e+00, v21;
	v60 =	vsel vm0, v58, v59  }
0x1d8: {  	s13 =	simm.s32 $0xD880;
	[tilespmem:s11+$0xFFFFFFB0] =	vst v48;
	v27 =	vadd.f32 v54, v27;
	v62 =	vmul.f32 $1.442695020e+00, v17;
	v17 =	vnsel vm1, $0x0, v60  }
0x1d9: {  	v20 =	vld [tilespmem:s2+$0xFFFFFFB0];
	v23 =	vadd.f32 v56, v23;
	v24 =	vmul.f32 $1.442695020e+00, v24;
	(erf) = vpow2.f32 v21;
	[tilespmem:s13+$0x0] =	vst v17  }
0x1da: {  	[tilespmem:s8+$0xFFFFFF30] =	vst v15;
	v15 =	vmul.f32 $1.442695020e+00, v27;
	v21 =	vunpack.i.u.bf16.f32 v22;
	(erf) = vpow2.f32 v16;
	v17 =	vld [tilespmem:s9+$0xFFFFFFF0]  }
0x1db: {  	[tilespmem:s8+$0xFFFFFF80] =	vst v19;
	v22 =	vunpack.i.l.bf16.f32 v57;
	v23 =	vmul.f32 $1.442695020e+00, v23;
	(erf) = vpow2.f32 v24  }
0x1dc: {  	[tilespmem:s11+$0xFFFFFFF0] =	vst v38;
	v13 =	vmul.f32 v21, v13;
	v16 =	vunpack.i.u.bf16.f32 v61;
	(erf) = vpow2.f32 v15;
	v15 =	vld [tilespmem:s12+$0xFFFFFF80]  }
0x1dd: {  	[tilespmem:s11+$0xFFFFFED0] =	vst v14;
	v14 =	vld [tilespmem:s12+$0xFFFFFFC0];
	v22 =	vmul.f32 v22, v12;
	v21 =	vunpack.i.l.bf16.f32 v61;
	(erf) = vpow2.f32 v62  }
0x1de: {  	[tilespmem:s11+$0xFFFFFFE0] =	vst v25;
	v19 =	vunpack.i.u.bf16.f32 v20;
	v20 =	vunpack.i.l.bf16.f32 v20;
	(erf) = vpow2.f32 v23  }
0x1df: {  	s3 =	simm.s32 $0x8;
	s17 =	simm.s32 $0xA010;
	v12 =	vmul.f32 v63, v12;
	[tilespmem:s11+$0xFFFFFEE0] =	vst v13;
	s12 =	simm.s32 $0x7230;
	v20 =	vmul.f32 v20, v10;
	v23 =	vunpack.i.l.bf16.f32 v17  }
.LBB2_6:
0x1e0: {  	v24 =	vld [tilespmem:s17+$0xFFFFFFF0];
	v13 =	vunpack.i.u.bf16.f32 v17;
	v17 =	vmul.f32 v23, v18;
	s9 =	sadd.s32 $0x100, s9;
	[tilespmem:s11+$0xFFFFFF20] =	vst v22;
	v10 =	vmul.f32 v19, v10  }
0x1e1: {  	v19 =	vld [tilespmem:s9+$0xFFFFFFD0];
	v28 =	vmul.f32 v13, v18;
	[tilespmem:s11+$0xFFFFFF30] =	vst v12;
	v18 =	vunpack.i.u.bf16.f32 v15;
	v15 =	vunpack.i.l.bf16.f32 v15  }
0x1e2: {  	v22 =	vld [tilespmem:s17+$0x0];
	[tilespmem:s13+$0xFFFFFFC0] =	vst v17;
	v12 =	vpop (erf);
	v17 =	vmul.f32 v21, v5;
	v21 =	vunpack.i.u.bf16.f32 v14;
	v14 =	vunpack.i.l.bf16.f32 v14  }
0x1e3: {  	v16 =	vmul.f32 v16, v5;
	v5 =	vmov v7;
	v23 =	vld [tilespmem:s9+$0xFFFFFFE0];
	v25 =	vperm.xlane v12, v3;
	[tilespmem:s13+$0xFFFFFFD0] =	vst v28;
	v7 =	vpop (erf)  }
0x1e4: {  	v15 =	vmul.f32 v15, v4;
	v26 =	vperm.xlane v7, v3;
	v27 =	vld [tilespmem:s12+$0x0];
	v13 =	vpop (erf);
	[tilespmem:s11+$0xFFFFFF70] =	vst v20  }
0x1e5: {  	s3 =	sadd.s32 $0x4, s3;
	v18 =	vmul.f32 v18, v4;
	v4 =	vmov v8;
	v20 =	vld [tilespmem:s9+$0xFFFFFF10];
	v28 =	vperm.xlane v13, v3;
	[tilespmem:s11+$0xFFFFFF80] =	vst v10;
	v8 =	vpop (erf)  }
0x1e6: {  	p1 =	slt.u32 s3, $0x78;
	v14 =	vmul.f32 v14, v6;
	v29 =	vld [tilespmem:s17+$0xFFFFFFA0];
	v25 =	vsel vm0, v25, v26;
	v26 =	vperm.xlane v8, v3;
	v10 =	vpop (erf);
	[tilespmem:s8+$0xFFFFFEF0] =	vst v17  }
0x1e7: {  	v17 =	vld [tilespmem:s9+$0xFFFFFF20];
	v25 =	vnsel vm1, $0x0, v25;
	v30 =	vperm.xlane v10, v3;
	v31 =	vpop (erf);
	[tilespmem:s8+$0xFFFFFF00] =	vst v16;
	v16 =	vmul.f32 v21, v6  }
0x1e8: {  	v19 =	vmul.bf16 v19, v24;
	v21 =	vld [tilespmem:s17+$0xFFFFFFB0];
	[tilespmem:s13+$0xFFFFFF10] =	vst v25;
	v28 =	vsel vm0, v28, v26;
	v24 =	vperm.xlane v31, v3  }
0x1e9: {  	v6 =	vmovc v9;
	v22 =	vmul.bf16 v23, v22;
	v9 =	vmovc v31;
	v25 =	vld [tilespmem:s9+$0xFFFFFF50];
	v23 =	vnsel vm1, $0x0, v28;
	v26 =	vunpack.i.u.bf16.f32 v27;
	[tilespmem:s8+$0xFFFFFF40] =	vst v15  }
0x1ea: {  	v28 =	vunpack.i.u.bf16.f32 v19;
	v19 =	vunpack.i.l.bf16.f32 v19;
	v15 =	vld [tilespmem:s17+$0xFFFFFFC0];
	[tilespmem:s13+$0xFFFFFF60] =	vst v23;
	v23 =	vmul.f32 v26, v11  }
0x1eb: {  	v19 =	vadd.f32 v19, v28;
	v28 =	vunpack.i.u.bf16.f32 v22;
	v22 =	vunpack.i.l.bf16.f32 v22;
	v26 =	vld [tilespmem:s9+$0xFFFFFF60];
	[tilespmem:s8+$0xFFFFFF50] =	vst v18  }
0x1ec: {  	v24 =	vsel vm0, v30, v24;
	v22 =	vadd.f32 v22, v28;
	v17 =	vmul.bf16 v17, v29;
	v18 =	vld [tilespmem:s17+$0xFFFFFFD0];
	[tilespmem:s13+$0xFFFFFFF0] =	vst v23  }
0x1ed: {  	v27 =	vunpack.i.l.bf16.f32 v27;
	v24 =	vnsel vm1, $0x0, v24;
	v28 =	vperm.xlane v19, v0;
	v23 =	vld [tilespmem:s9+$0xFFFFFF90];
	[tilespmem:s8+$0xFFFFFF90] =	vst v14  }
0x1ee: {  	v29 =	vperm.xlane v22, v0;
	v14 =	vunpack.i.u.bf16.f32 v17;
	v21 =	vmul.bf16 v25, v21;
	v25 =	vld [tilespmem:s17+$0xFFFFFFE0];
	[tilespmem:s13+$0xFFFFFFB0] =	vst v24  }
0x1ef: {  	v11 =	vmul.f32 v27, v11;
	v17 =	vunpack.i.l.bf16.f32 v17;
	v19 =	vadd.f32 v28, v19;
	v24 =	vld [tilespmem:s9+$0xFFFFFFA0];
	[tilespmem:s8+$0xFFFFFFA0] =	vst v16;
	s8 =	smov.u32 s11;
	s11 =	smov.u32 s13  }
0x1f0: {  	v22 =	vadd.f32 v29, v22;
	v16 =	vld [tilespmem:s17+$0xFFFFFF90];
	v27 =	vunpack.i.u.bf16.f32 v21;
	v15 =	vmul.bf16 v26, v15  }
0x1f1: {  	v17 =	vadd.f32 v17, v14;
	v14 =	vunpack.i.l.bf16.f32 v21;
	v21 =	vperm.xlane v19, v1;
	v26 =	vld [tilespmem:s12+$0xFFFFFF30];
	[tilespmem:s13+$0xFFFFFFE0] =	vst v11  }
0x1f2: {  	v11 =	vunpack.i.u.bf16.f32 v15;
	v18 =	vmul.bf16 v23, v18;
	v23 =	vperm.xlane v22, v1;
	v28 =	vld [tilespmem:s12+$0xFFFFFF70]  }
0x1f3: {  	v27 =	vadd.f32 v14, v27;
	v29 =	vunpack.i.l.bf16.f32 v15;
	v19 =	vadd.f32 v21, v19;
	v21 =	vld [tilespmem:s12+$0xFFFFFFB0]  }
0x1f4: {  	v30 =	vunpack.i.u.bf16.f32 v18;
	v14 =	vmul.bf16 v24, v25;
	v22 =	vadd.f32 v23, v22;
	v23 =	vld [tilespmem:s2+$0xFFFFFF40]  }
0x1f5: {  	v18 =	vunpack.i.l.bf16.f32 v18;
	v16 =	vmul.bf16 v20, v16;
	v20 =	vperm.xlane v19, v2;
	v15 =	vld [tilespmem:s2+$0xFFFFFF80]  }
0x1f6: {  	v24 =	vunpack.i.u.bf16.f32 v14;
	v25 =	vunpack.i.l.bf16.f32 v14;
	v31 =	vperm.xlane v22, v2;
	v14 =	vld [tilespmem:s2+$0xFFFFFFC0];
	s2 =	smov.u32 s12;
	s12 =	smov.u32 s9  }
0x1f7: {  	v32 =	vunpack.i.u.bf16.f32 v16;
	v16 =	vunpack.i.l.bf16.f32 v16;
	v19 =	vadd.f32 v20, v19  }
0x1f8: {  	v20 =	vperm.xlane v17, v0;
	v16 =	vadd.f32 v16, v32;
	v22 =	vadd.f32 v31, v22  }
0x1f9: {  	v11 =	vadd.f32 v29, v11;
	v18 =	vadd.f32 v18, v30;
	v19 =	vmul.f32 $1.442695020e+00, v19  }
0x1fa: {  	v24 =	vadd.f32 v25, v24;
	v29 =	vperm.xlane v16, v0;
	v22 =	vmul.f32 $1.442695020e+00, v22  }
0x1fb: {  	v17 =	vadd.f32 v20, v17;
	v20 =	vperm.xlane v27, v0;
	(erf) = vpow2.f32 v19  }
0x1fc: {  	v19 =	vperm.xlane v11, v0;
	v16 =	vadd.f32 v29, v16;
	(erf) = vpow2.f32 v22  }
0x1fd: {  	v25 =	vperm.xlane v24, v0;
	v20 =	vadd.f32 v20, v27;
	v22 =	vperm.xlane v18, v0  }
0x1fe: {  	v29 =	vperm.xlane v17, v1;
	v11 =	vadd.f32 v19, v11;
	v27 =	vperm.xlane v16, v1  }
0x1ff: {  	v19 =	vperm.xlane v20, v1;
	v18 =	vadd.f32 v22, v18;
	v22 =	vadd.f32 v25, v24  }
0x200: {  	v17 =	vadd.f32 v29, v17;
	v24 =	vperm.xlane v11, v1;
	v16 =	vadd.f32 v27, v16  }
0x201: {  	v19 =	vadd.f32 v19, v20;
	v20 =	vperm.xlane v18, v1;
	v25 =	vperm.xlane v22, v1  }
0x202: {  	v29 =	vperm.xlane v17, v2;
	v24 =	vadd.f32 v24, v11;
	v27 =	vperm.xlane v16, v2  }
0x203: {  	v30 =	vperm.xlane v19, v2;
	v20 =	vadd.f32 v20, v18;
	v22 =	vadd.f32 v25, v22  }
0x204: {  	v17 =	vadd.f32 v29, v17;
	v25 =	vperm.xlane v24, v2;
	v16 =	vadd.f32 v27, v16;
	v18 =	vpop (erf)  }
0x205: {  	v19 =	vadd.f32 v30, v19;
	v27 =	vperm.xlane v20, v2;
	v29 =	vperm.xlane v22, v2;
	v11 =	vpop (erf)  }
0x206: {  	v24 =	vadd.f32 v25, v24;
	v25 =	vperm.xlane v18, v3;
	v30 =	vperm.xlane v11, v3  }
0x207: {  	v16 =	vmul.f32 $1.442695020e+00, v16;
	v20 =	vadd.f32 v27, v20;
	v22 =	vadd.f32 v29, v22  }
0x208: {  	v19 =	vmul.f32 $1.442695020e+00, v19;
	v27 =	vmul.f32 $1.442695020e+00, v17;
	v17 =	vsel vm0, v25, v30  }
0x209: {  	s13 =	sadd.s32 $0x140, s13;
	v24 =	vmul.f32 $1.442695020e+00, v24;
	v20 =	vmul.f32 $1.442695020e+00, v20;
	v17 =	vnsel vm1, $0x0, v17  }
0x20a: {  	v22 =	vmul.f32 $1.442695020e+00, v22;
	[tilespmem:s13+$0x0] =	vst v17;
	(erf) = vpow2.f32 v16;
	v16 =	vunpack.i.u.bf16.f32 v26  }
0x20b: {  	v25 =	vunpack.i.l.bf16.f32 v26;
	v26 =	vunpack.i.u.bf16.f32 v28;
	v17 =	vld [tilespmem:s9+$0xFFFFFFF0];
	(erf) = vpow2.f32 v27  }
.Ltmp5:
0x20c: {  	v27 =	vunpack.i.l.bf16.f32 v28;
	(erf) = vpow2.f32 v19;
	v19 =	vunpack.i.u.bf16.f32 v21;
	(pc) =	sbr.rel @p1 .LBB2_6-.Ltmp5, $4  }
0x20d: {  	(erf) = vpow2.f32 v24;
	v24 =	vmul.f32 v25, v12;
	v25 =	vunpack.i.l.bf16.f32 v21  }
0x20e: {  	v12 =	vmul.f32 v16, v12;
	v16 =	vunpack.i.u.bf16.f32 v23;
	(erf) = vpow2.f32 v20  }
0x20f: {  	v21 =	vunpack.i.l.bf16.f32 v23;
	(erf) = vpow2.f32 v22;
	[tilespmem:s11+$0xFFFFFED0] =	vst v24;
	v22 =	vmul.f32 v27, v13  }
0x210: {  	s17 =	sadd.s32 $0x80, s17;
	v20 =	vmul.f32 v25, v10;
	v23 =	vunpack.i.l.bf16.f32 v17;
	[tilespmem:s11+$0xFFFFFEE0] =	vst v12;
	v12 =	vmul.f32 v26, v13  }
0x211: {  	[tilespmem:s11+$0xFFFFFF20] =	vst v22  }
0x212: {  	v10 =	vmul.f32 v19, v10;
	[tilespmem:s11+$0xFFFFFF30] =	vst v12  }
0x213: {  	v13 =	vunpack.i.u.bf16.f32 v17;
	v55 =	vmul.f32 v23, v18;
	[tilespmem:s11+$0xFFFFFF70] =	vst v20  }
0x214: {  	v13 =	vmul.f32 v13, v18;
	v56 =	vpop (erf);
	[tilespmem:s11+$0xFFFFFF80] =	vst v10  }
0x215: {  	v57 =	vmul.f32 v21, v5;
	v5 =	vmul.f32 v16, v5;
	[tilespmem:s13+$0xFFFFFFC0] =	vst v55;
	v58 =	vpop (erf);
	v43 =	vld [tilespmem:s2+$0xFFFFFFC0]  }
0x216: {  	v62 =	vunpack.i.l.bf16.f32 v15;
	[tilespmem:s13+$0xFFFFFFD0] =	vst v13;
	v59 =	vperm.xlane v56, v3;
	v60 =	vperm.xlane v58, v3;
	v61 =	vpop (erf)  }
0x217: {  	v28 =	vunpack.i.u.bf16.f32 v15;
	v29 =	vmul.f32 v62, v4;
	[tilespmem:s8+$0xFFFFFEF0] =	vst v57;
	v63 =	vld [tilespmem:s12+$0x0];
	v24 =	vpop (erf)  }
0x218: {  	[tilespmem:s8+$0xFFFFFF00] =	vst v5;
	v25 =	vperm.xlane v61, v3;
	v18 =	vsel vm0, v59, v60;
	v26 =	vperm.xlane v24, v3;
	v27 =	vpop (erf)  }
0x219: {  	v4 =	vmul.f32 v28, v4;
	[tilespmem:s8+$0xFFFFFF40] =	vst v29;
	v18 =	vnsel vm1, $0x0, v18;
	v30 =	vpop (erf);
	v5 =	vperm.xlane v27, v3  }
0x21a: {  	[tilespmem:s13+$0xFFFFFF10] =	vst v18;
	v10 =	vsel vm0, v25, v26;
	v31 =	vperm.xlane v30, v3;
	v48 =	vunpack.i.l.bf16.f32 v43  }
0x21b: {  	[tilespmem:s8+$0xFFFFFF50] =	vst v4;
	v10 =	vnsel vm1, $0x0, v10;
	v32 =	vld [tilespmem:s12+$0xFFFFFF30];
	v49 =	vmul.f32 v48, v9  }
0x21c: {  	v33 =	vunpack.i.u.bf16.f32 v63;
	[tilespmem:s13+$0xFFFFFF60] =	vst v10;
	v5 =	vsel vm0, v5, v31  }
0x21d: {  	v35 =	vunpack.i.u.bf16.f32 v14;
	v17 =	vmul.f32 v33, v11;
	v4 =	vnsel vm1, $0x0, v5;
	v5 =	vld [tilespmem:s12+$0xFFFFFF70];
	[tilespmem:s11+$0xFFFFFF90] =	vst v49  }
0x21e: {  	v34 =	vunpack.i.l.bf16.f32 v14;
	[tilespmem:s13+$0xFFFFFFB0] =	vst v4;
	v4 =	vmul.f32 v35, v6  }
0x21f: {  	v36 =	vunpack.i.l.bf16.f32 v63;
	v10 =	vmul.f32 v34, v6;
	[tilespmem:s13+$0xFFFFFFF0] =	vst v17;
	v37 =	vld [tilespmem:s12+$0xFFFFFFB0]  }
0x220: {  	v6 =	vmul.f32 v36, v11;
	v38 =	vunpack.i.l.bf16.f32 v32;
	[tilespmem:s8+$0xFFFFFFA0] =	vst v4;
	v4 =	vld [tilespmem:s2+$0xFFFFFF40]  }
0x221: {  	[tilespmem:s8+$0xFFFFFF90] =	vst v10;
	v39 =	vunpack.i.u.bf16.f32 v32;
	v10 =	vmul.f32 v38, v56  }
0x222: {  	[tilespmem:s13+$0xFFFFFFE0] =	vst v6;
	v11 =	vmul.f32 v39, v56;
	v40 =	vunpack.i.l.bf16.f32 v5  }
0x223: {  	v41 =	vld [tilespmem:s2+$0xFFFFFF80];
	v5 =	vunpack.i.u.bf16.f32 v5;
	[tilespmem:s13+$0xFFFFFED0] =	vst v10;
	v6 =	vmul.f32 v40, v61  }
0x224: {  	[tilespmem:s13+$0xFFFFFEE0] =	vst v11;
	v5 =	vmul.f32 v5, v61;
	v42 =	vunpack.i.l.bf16.f32 v37  }
0x225: {  	v10 =	vmul.f32 v42, v27;
	[tilespmem:s13+$0xFFFFFF20] =	vst v6;
	v44 =	vunpack.i.l.bf16.f32 v4  }
0x226: {  	v14 =	vunpack.i.u.bf16.f32 v37;
	v45 =	vld [tilespmem:s12+$0xFFFFFF40];
	[tilespmem:s13+$0xFFFFFF30] =	vst v5;
	v5 =	vmul.f32 v44, v7  }
0x227: {  	v14 =	vmul.f32 v14, v27;
	v4 =	vunpack.i.u.bf16.f32 v4;
	[tilespmem:s13+$0xFFFFFF70] =	vst v10  }
0x228: {  	v47 =	vunpack.i.u.bf16.f32 v41;
	v4 =	vmul.f32 v4, v7;
	[tilespmem:s11+$0xFFFFFEF0] =	vst v5;
	v5 =	vld [tilespmem:s12+$0xFFFFFF80]  }
0x229: {  	v46 =	vunpack.i.l.bf16.f32 v41;
	v7 =	vmul.f32 v47, v8;
	[tilespmem:s13+$0xFFFFFF80] =	vst v14  }
0x22a: {  	v10 =	vmul.f32 v46, v8;
	[tilespmem:s11+$0xFFFFFF00] =	vst v4;
	v4 =	vunpack.i.u.bf16.f32 v43;
	v50 =	vld [tilespmem:s12+$0xFFFFFFC0]  }
0x22b: {  	[tilespmem:s11+$0xFFFFFF50] =	vst v7;
	v4 =	vmul.f32 v4, v9;
	v51 =	vunpack.i.l.bf16.f32 v45  }
0x22c: {  	[tilespmem:s11+$0xFFFFFF40] =	vst v10;
	v6 =	vunpack.i.u.bf16.f32 v45;
	v7 =	vmul.f32 v51, v58  }
0x22d: {  	v6 =	vmul.f32 v6, v58;
	[tilespmem:s11+$0xFFFFFFA0] =	vst v4;
	v4 =	vunpack.i.l.bf16.f32 v5  }
0x22e: {  	[tilespmem:s13+$0xFFFFFEF0] =	vst v7;
	v5 =	vunpack.i.u.bf16.f32 v5;
	v4 =	vmul.f32 v4, v24  }
0x22f: {  	[tilespmem:s13+$0xFFFFFF00] =	vst v6;
	v52 =	vunpack.i.l.bf16.f32 v50;
	v5 =	vmul.f32 v5, v24  }
0x230: {  	v53 =	vunpack.i.u.bf16.f32 v50;
	v7 =	vmul.f32 v52, v30;
	[tilespmem:s13+$0xFFFFFF40] =	vst v4  }
0x231: {  	v4 =	vmul.f32 v53, v30;
	[tilespmem:s13+$0xFFFFFF50] =	vst v5  }
0x232: {  	[tilespmem:s13+$0xFFFFFF90] =	vst v7  }
0x233: {  	[tilespmem:s13+$0xFFFFFFA0] =	vst v4  }
0x234: {  	v4 =	vld [tilespmem:$0xADA0]  }
0x235: {  	v5 =	vld [tilespmem:$0x8E40]  }
0x236: {  	v54 =	vld [tilespmem:$0xADB0]  }
0x237: {  	v7 =	vld [tilespmem:$0x8E50];
	_ =	sdelay $0x2  }
0x238: {  	v4 =	vmul.bf16 v5, v4;
	_ =	sdelay $0x1  }
0x239: {  	v5 =	vmul.bf16 v7, v54;
	v55 =	vunpack.i.u.bf16.f32 v4;
	v4 =	vunpack.i.l.bf16.f32 v4  }
0x23a: {  	v4 =	vadd.f32 v4, v55  }
0x23b: {  	v56 =	vunpack.i.u.bf16.f32 v5;
	v5 =	vunpack.i.l.bf16.f32 v5  }
0x23c: {  	v5 =	vadd.f32 v5, v56;
	v57 =	vperm.xlane v4, v0;
	_ =	sdelay $0x1  }
0x23d: {  	v58 =	vperm.xlane v5, v0;
	v4 =	vadd.f32 v57, v4;
	_ =	sdelay $0x1  }
0x23e: {  	v5 =	vadd.f32 v58, v5;
	v6 =	vperm.xlane v4, v1;
	_ =	sdelay $0x1  }
0x23f: {  	v7 =	vperm.xlane v5, v1;
	v4 =	vadd.f32 v6, v4;
	_ =	sdelay $0x1  }
0x240: {  	v5 =	vadd.f32 v7, v5;
	v6 =	vperm.xlane v4, v2;
	_ =	sdelay $0x1  }
0x241: {  	v7 =	vperm.xlane v5, v2;
	v4 =	vadd.f32 v6, v4;
	_ =	sdelay $0x1  }
0x242: {  	v5 =	vadd.f32 v7, v5;
	v4 =	vmul.f32 $1.442695020e+00, v4;
	_ =	sdelay $0x1  }
0x243: {  	v5 =	vmul.f32 $1.442695020e+00, v5;
	(erf) = vpow2.f32 v4;
	_ =	sdelay $0x1  }
0x244: {  	(erf) = vpow2.f32 v5;
	_ =	sdelay $0x1  }
0x245: {  	v4 =	vld [tilespmem:$0x8E60];
	_ =	sdelay $0x1  }
0x246: {  	v60 =	vld [tilespmem:$0x8E70];
	_ =	sdelay $0x2  }
0x247: {  	v63 =	vunpack.i.l.bf16.f32 v4;
	v5 =	vpop (erf)  }
0x248: {  	v4 =	vunpack.i.u.bf16.f32 v4;
	v9 =	vmul.f32 v63, v5  }
0x249: {  	v59 =	vpop (erf);
	v61 =	vperm.xlane v5, v3;
	v4 =	vmul.f32 v4, v5;
	v5 =	vunpack.i.l.bf16.f32 v60  }
0x24a: {  	v7 =	vunpack.i.u.bf16.f32 v60;
	v62 =	vperm.xlane v59, v3;
	v5 =	vmul.f32 v5, v59;
	[tilespmem:$0xFB90] =	vst v9  }
.Ltmp6:
0x24b: {  	[tilespmem:$0xFBA0] =	vst v4;
	v4 =	vmul.f32 v7, v59;
	(pc) =	sbr.rel @p2 .LBB2_9-.Ltmp6, $4  }
0x24c: {  	v8 =	vsel vm0, v61, v62;
	[tilespmem:$0xFBB0] =	vst v5  }
0x24d: {  	v8 =	vnsel vm1, $0x0, v8;
	[tilespmem:$0xFBC0] =	vst v4  }
0x24e: {  	s0 =	sadd.s32 $0x2880, s0;
	[tilespmem:$0xFBD0] =	vst v8  }
0x24f: {  	[spmem:s1] =	stream.indirect.scatter.add.f32 [tilespmem:s26], [sflag:$0x4], $0x50, s0, s16, $0xb8;
	[tilespmem:$0x1C160] =	vst v63  }
.Ltmp7:
0x250: {  	(pc) =	sbr.rel .LBB2_3-.Ltmp7, $4  }
0x251: {  	s0 =	sadd.s32 $0x180, s31  }
0x252: {  	[tilespmem:s20], [sflag:$0x2] =	stream.indirect.gather [hbm4b:s4+s16], $0x40, s0, s16, $0xb8;
	[tilespmem:$0x1C160] =	vst v63  }
0x253: {  	s31 =	sadd.s32 $0x2980, s31;
	s30 =	sadd.s32 $0x1, s30  }
0x254: {  	[tilespmem:s22], [sflag:$0x2] =	stream.indirect.gather [hbm4b:s5+s16], $0x20, s31, s16, $0xb8;
	[tilespmem:$0x1C160] =	vst v63  }
.LBB2_11:
0x255: {  	_ =	sfence.sel $0x180000  }
0x256: {  	[bflag:$0x0] =	sbarrier.arrive $0xFFFF  }
0x257: {  	_ =	strace $0x90000047  }
0x258: {  	s0 =	stileid.u32;
	[bflag:$0x2] =	sbarrier.arrive $0xFFFF  }
0x259: {  	p0 =	sne.s32 s0, $0x0;
	s0 =	rddreg [dreg:$0x3]  }
0x25a: {  	s0 =	sadd.s32 @!p0 $0x100000, s0  }
0x25b: {  	[sflag:s0] =	ssyncadd.tile.s32 @!p0 $0x1;
	_ =	shalt  }
.Lfunc_end2:
_tile_overlayer_lowered:
.L_overlay_start_2:
0x25c: {  	(tag) =	ssettag $0x2  }
0x25d: {  	s0 =	rddreg [dreg:$0x0];
	s2 =	stileid.u32  }
0x25e: {  	s1 =	rddreg [dreg:$0x1];
	p0 =	sne.s32 s2, $0x0  }
0x25f: {  	s3 =	rddreg [dreg:$0x2];
	[bflag:$0x3] =	sbarrier.arrive $0xFFFF;
	s2 =	simm.s32 @!p0 $0x1C05  }
0x260: {  	[timem:s3], [sflag:s2] =	dma.local @!p0 [hbm:s0], s1  }
0x261: {  	s0 =	simm.s32 @!p0 $0x5  }
0x262: {  	_ =	swait.ge @!p0 [sflag:s0], s1  }
0x263: {  	s1 =	ssub.s32 @!p0 $0x0, s1;
	[sflag:s0] =	ssyncset.done @!p0 $0x0  }
0x264: {  	[sflag:s0] =	ssyncadd.s32 @!p0 s1  }
0x265: {  	[bflag:$0x3] =	sbarrier.arrive $0xFFFF  }
0x266: {  	_ =	shalt  }

</sc_bundles>
